<compile_context>
chip_gen: v7x
topology: tpu7x:2x2x1
jax: 0.10.2.dev20260603
libtpu: 0.0.44.dev20260713+nightly
codegen_flags: <defaults>
</compile_context>

<pallas_src>
import functools

import jax
import jax.numpy as jnp
from jax import lax
from jax.experimental import pallas as pl
from jax.experimental.pallas import tpu as pltpu
from jax.experimental.pallas import tpu_sc as plsc

_B = 16384
_D = 64
_NEG = 10
_MARGIN = 0.8
_NC = 2
_NS = 16
_L = 16
_NW = _NC * _NS
_BW = _B // _NW
_G = _L
_NG = _BW // _G
_GN = _G * _NEG
_HN = _GN // 2


def _rsqrt(x):
    xi = lax.bitcast_convert_type(x, jnp.int32)
    yi = jnp.int32(0x5F3759DF) - (xi >> 1)
    y = lax.bitcast_convert_type(yi, jnp.float32)
    for _ in range(3):
        y = y * (1.5 - 0.5 * x * y * y)
    return y


def _make_sc_kernel():
    mesh = plsc.VectorSubcoreMesh(core_axis_name="c", subcore_axis_name="s")

    @functools.partial(
        pl.kernel,
        mesh=mesh,
        out_type=jax.ShapeDtypeStruct((_NW, _L), jnp.float32),
        compiler_params=pltpu.CompilerParams(
            needs_layout_passes=False,
            use_tc_tiling_on_sc=False,
        ),
        scratch_types=[
            pltpu.VMEM((_BW,), jnp.int32),
            pltpu.VMEM((_BW,), jnp.int32),
            pltpu.VMEM((_BW * _NEG,), jnp.int32),
            pltpu.VMEM((2, _G, _D), jnp.float32),
            pltpu.VMEM((2, _G, _D), jnp.float32),
            pltpu.VMEM((2, _GN, _D), jnp.float32),
            pltpu.VMEM((_L,), jnp.float32),
            pltpu.SemaphoreType.DMA((2,)),
        ],
    )
    def sc_kernel(u_hbm, i_hbm, n_hbm, uemb_hbm, iemb_hbm, out_hbm,
                  uidx, iidx, nidx, ubuf, ibuf, nbuf, pvec, sems):
        wid = lax.axis_index("s") * _NC + lax.axis_index("c")
        base = pl.multiple_of(wid * _BW, _BW)
        nbase = pl.multiple_of(wid * (_BW * _NEG), _BW * _NEG)

        pltpu.sync_copy(u_hbm.at[pl.ds(base, _BW)], uidx)
        pltpu.sync_copy(i_hbm.at[pl.ds(base, _BW)], iidx)
        pltpu.sync_copy(n_hbm.at[pl.ds(nbase, _BW * _NEG)], nidx)

        def dma_triples(g, slot):
            go = pl.multiple_of(g * _G, _G)
            no = pl.multiple_of(g * _GN, _HN)
            return (
                (uemb_hbm.at[uidx.at[pl.ds(go, _G)]], ubuf.at[slot]),
                (iemb_hbm.at[iidx.at[pl.ds(go, _G)]], ibuf.at[slot]),
                (iemb_hbm.at[nidx.at[pl.ds(no, _HN)]],
                 nbuf.at[slot, pl.ds(0, _HN)]),
                (iemb_hbm.at[nidx.at[pl.ds(no + _HN, _HN)]],
                 nbuf.at[slot, pl.ds(_HN, _HN)]),
            )

        def start_group(g, slot):
            for src, dst in dma_triples(g, slot):
                pltpu.async_copy(src, dst, sems.at[slot])

        def wait_group(g, slot):
            for src, dst in dma_triples(g, slot):
                pltpu.make_async_copy(src, dst, sems.at[slot]).wait()

        riota = lax.iota(jnp.int32, _L)
        nrow_idx = [riota * _NEG + n for n in range(_NEG)]
        zv = jnp.zeros((_L,), jnp.float32)

        def compute_group(slot, acc_pos, acc_neg):
            ub, ib, nb = ubuf.at[slot], ibuf.at[slot], nbuf.at[slot]

            def dbody(d, carry):
                ss_u, ss_i, d_ui, ss_n, d_un = carry
                cd = jnp.broadcast_to(d, (_L,)).astype(jnp.int32)
                uc = plsc.load_gather(ub, [riota, cd])
                ic = plsc.load_gather(ib, [riota, cd])
                ss_u = ss_u + uc * uc
                ss_i = ss_i + ic * ic
                d_ui = d_ui + uc * ic
                new_ss_n, new_d_un = [], []
                for n in range(_NEG):
                    nc = plsc.load_gather(nb, [nrow_idx[n], cd])
                    new_ss_n.append(ss_n[n] + nc * nc)
                    new_d_un.append(d_un[n] + uc * nc)
                return ss_u, ss_i, d_ui, tuple(new_ss_n), tuple(new_d_un)

            init = (zv, zv, zv, (zv,) * _NEG, (zv,) * _NEG)
            ss_u, ss_i, d_ui, ss_n, d_un = lax.fori_loop(0, _D, dbody, init)

            r_u = _rsqrt(jnp.maximum(ss_u, 1e-24))
            r_i = _rsqrt(jnp.maximum(ss_i, 1e-24))
            pos = d_ui * r_u * r_i
            acc_pos = acc_pos + jnp.maximum(1.0 - pos, 0.0)
            for n in range(_NEG):
                r_n = _rsqrt(jnp.maximum(ss_n[n], 1e-24))
                acc_neg = acc_neg + jnp.maximum(d_un[n] * r_u * r_n - _MARGIN, 0.0)
            return acc_pos, acc_neg

        start_group(0, 0)

        def gbody(it, carry):
            acc_pos, acc_neg = carry
            g0 = it * 2
            start_group(g0 + 1, 1)
            wait_group(g0, 0)
            acc_pos, acc_neg = compute_group(0, acc_pos, acc_neg)

            @pl.when(it + 1 < _NG // 2)
            def _():
                start_group(g0 + 2, 0)

            wait_group(g0 + 1, 1)
            acc_pos, acc_neg = compute_group(1, acc_pos, acc_neg)
            return acc_pos, acc_neg

        acc_pos, acc_neg = lax.fori_loop(0, _NG // 2, gbody, (zv, zv))

        pvec[...] = acc_pos * (1.0 / _B) + acc_neg
        pltpu.sync_copy(pvec, out_hbm.at[wid])

    return sc_kernel


_sc_kernel = _make_sc_kernel()


def kernel(u, i, neg_idx, user_emb, item_emb):
    u = u.astype(jnp.int32)
    i = i.astype(jnp.int32)
    neg_idx = neg_idx.astype(jnp.int32)
    partials = _sc_kernel(u, i, neg_idx, user_emb, item_emb)
    return jnp.sum(partials)

# --- scband reference (transcript-rebuilt; emitter-appended) ---
"""Pipeline reference for scband-simple-x-17772574671503 (READ-ONLY COPY).

The authoritative reference and input builder live on the scoring server;
editing this copy changes nothing except your own understanding.
"""

import jax, jax.numpy as jnp
import numpy as np

NUSER = 1000000
NITEM = 1000000
D = 64
B = 16384
NEG_N = 10
MARGIN = 0.8
NEG_W = 0


def _l2norm(x):
    # matches torch.nn.functional.normalize(p=2, dim=-1, eps=1e-12)
    n = jnp.linalg.norm(x, axis=-1, keepdims=True)
    return x / jnp.maximum(n, 1e-12)


def setup_inputs(seed: int = 0) -> dict:
    key = jax.random.key(seed)
    ks = jax.random.split(key, 5)
    u = jax.random.randint(ks[0], (B,), 0, NUSER)
    i = jax.random.randint(ks[1], (B,), 0, NITEM)
    neg_idx = jax.random.randint(ks[2], (B * NEG_N,), 0, NITEM)
    # xavier_normal init, last (padding) row zeroed
    ustd = float(np.sqrt(2.0 / (NUSER + 1 + D)))
    istd = float(np.sqrt(2.0 / (NITEM + 1 + D)))
    user_emb = jax.random.normal(ks[3], (NUSER + 1, D), dtype=jnp.float32) * ustd
    item_emb = jax.random.normal(ks[4], (NITEM + 1, D), dtype=jnp.float32) * istd
    user_emb = user_emb.at[-1, :].set(0.0)
    item_emb = item_emb.at[-1, :].set(0.0)
    return {"u": u, "i": i, "neg_idx": neg_idx, "user_emb": user_emb, "item_emb": item_emb}


def reference(u, i, neg_idx, user_emb, item_emb):
    # user_embedding: w_ii == 1 so no user-item aggregation branch; affinity == 'cos' -> normalize; dropout = 0
    ue = _l2norm(jnp.take(user_emb, u, axis=0))
    # item_embedding for positives
    ie = _l2norm(jnp.take(item_emb, i, axis=0))
    # item_embedding for ccl negatives (neg_idx sampled from item popularity dist; supplied as input)
    neg_ie = _l2norm(jnp.take(item_emb, neg_idx, axis=0))
    # loss_fn (ccl)
    pos_pred = jnp.sum(ue * ie, axis=1)
    pos_loss = jax.nn.relu(1.0 - pos_pred)
    neg_ie_num = neg_ie.shape[0]
    # torch: ue.repeat(1, n).view(-1, d) == consecutive row repeats
    neg_ue = jnp.repeat(ue, neg_ie_num // ue.shape[0], axis=0)
    neg_pred = jnp.sum(neg_ue * neg_ie, axis=1).reshape(-1, neg_ie_num)
    neg_loss = jax.nn.relu(neg_pred - MARGIN)
    # neg_w == 0 -> pos_loss + neg_loss.sum(dim=-1)  (broadcast [B] + [1], faithful to torch code)
    loss = pos_loss + jnp.sum(neg_loss, axis=-1)
    return jnp.mean(loss)

if __name__ == "__main__":
    import jax
    _d = setup_inputs()
    print(jax.jit(kernel)(*tuple(_d.values())))

</pallas_src>

<mosaic_0001>
#map = affine_map<(d0, d1) -> (0)>
#map1 = affine_map<(d0, d1) -> (0, 0)>
module attributes {stable_mosaic.version = 14 : i64} {
  func.func @sc_kernel(%arg0: i32, %arg1: i32, %arg2: memref<16384xi32, #tpu.memory_space<hbm>>, %arg3: memref<16384xi32, #tpu.memory_space<hbm>>, %arg4: memref<163840xi32, #tpu.memory_space<hbm>>, %arg5: memref<1000001x64xf32, #tpu.memory_space<hbm>>, %arg6: memref<1000001x64xf32, #tpu.memory_space<hbm>>, %arg7: memref<32x16xf32, #tpu.memory_space<hbm>>, %arg8: memref<512xi32, #tpu.memory_space<vmem>>, %arg9: memref<512xi32, #tpu.memory_space<vmem>>, %arg10: memref<5120xi32, #tpu.memory_space<vmem>>, %arg11: memref<2x16x64xf32, #tpu.memory_space<vmem>>, %arg12: memref<2x16x64xf32, #tpu.memory_space<vmem>>, %arg13: memref<2x160x64xf32, #tpu.memory_space<vmem>>, %arg14: memref<16xf32, #tpu.memory_space<vmem>>, %arg15: memref<2x!tpu.dma_semaphore, #tpu.memory_space<semaphore_mem>>) attributes {dimension_semantics = [#tpu.dimension_semantics<core_parallel>, #tpu.dimension_semantics<subcore_parallel>], iteration_bounds = array<i64: 2, 16>, scalar_prefetch = 0 : i64, scratch_operands = 8 : i64, tpu.core_type = #tpu.core_type<sc_vector_subcore>, window_params = [{transform_indices = #map}, {transform_indices = #map}, {transform_indices = #map}, {transform_indices = #map1}, {transform_indices = #map1}, {transform_indices = #map1}]} {
    %mul3A = arith.constant 2 : i32
    %mul3A_0 = arith.muli %arg1, %mul3A : i32
    %add3A = arith.addi %mul3A_0, %arg0 : i32
    %mul3A_1 = arith.constant 512 : i32
    %mul3A_2 = arith.muli %add3A, %mul3A_1 : i32
    %multiple_of3A = tpu.assume_multiple %mul3A_2, 512 : i32
    %mul3A_3 = arith.constant 5120 : i32
    %mul3A_4 = arith.muli %add3A, %mul3A_3 : i32
    %multiple_of3A_5 = tpu.assume_multiple %mul3A_4, 5120 : i32
    "tpu.region"() ({
      %run_scoped3A = tpu.sem_alloc : memref<!tpu.dma_semaphore, #tpu.memory_space<semaphore_mem>>
      %dma_start3A_130 = tpu.memref_slice %arg2[%multiple_of3A] : memref<16384xi32, #tpu.memory_space<hbm>> -> memref<512xi32, #tpu.memory_space<hbm>>
      %dma_start3A_131 = tpu.memref_slice %arg2[%multiple_of3A] : memref<16384xi32, #tpu.memory_space<hbm>> -> memref<512xi32, #tpu.memory_space<hbm>>
      tpu.enqueue_dma source(%dma_start3A_131 : memref<512xi32, #tpu.memory_space<hbm>>) target(%arg8 : memref<512xi32, #tpu.memory_space<vmem>>) target_semaphore(%run_scoped3A : memref<!tpu.dma_semaphore, #tpu.memory_space<semaphore_mem>>)
      %dma_wait3A = tpu.memref_slice %arg2[%multiple_of3A] : memref<16384xi32, #tpu.memory_space<hbm>> -> memref<512xi32, #tpu.memory_space<hbm>>
      %dma_wait3A_132 = tpu.memref_slice %arg2[%multiple_of3A] : memref<16384xi32, #tpu.memory_space<hbm>> -> memref<512xi32, #tpu.memory_space<hbm>>
      tpu.wait_dma2 semaphore(%run_scoped3A : memref<!tpu.dma_semaphore, #tpu.memory_space<semaphore_mem>>) src(%dma_wait3A_132 : memref<512xi32, #tpu.memory_space<hbm>>) dst(%arg8 : memref<512xi32, #tpu.memory_space<vmem>>)
      tpu.yield
    }) : () -> ()
    "tpu.region"() ({
      %run_scoped3A = tpu.sem_alloc : memref<!tpu.dma_semaphore, #tpu.memory_space<semaphore_mem>>
      %dma_start3A_130 = tpu.memref_slice %arg3[%multiple_of3A] : memref<16384xi32, #tpu.memory_space<hbm>> -> memref<512xi32, #tpu.memory_space<hbm>>
      %dma_start3A_131 = tpu.memref_slice %arg3[%multiple_of3A] : memref<16384xi32, #tpu.memory_space<hbm>> -> memref<512xi32, #tpu.memory_space<hbm>>
      tpu.enqueue_dma source(%dma_start3A_131 : memref<512xi32, #tpu.memory_space<hbm>>) target(%arg9 : memref<512xi32, #tpu.memory_space<vmem>>) target_semaphore(%run_scoped3A : memref<!tpu.dma_semaphore, #tpu.memory_space<semaphore_mem>>)
      %dma_wait3A = tpu.memref_slice %arg3[%multiple_of3A] : memref<16384xi32, #tpu.memory_space<hbm>> -> memref<512xi32, #tpu.memory_space<hbm>>
      %dma_wait3A_132 = tpu.memref_slice %arg3[%multiple_of3A] : memref<16384xi32, #tpu.memory_space<hbm>> -> memref<512xi32, #tpu.memory_space<hbm>>
      tpu.wait_dma2 semaphore(%run_scoped3A : memref<!tpu.dma_semaphore, #tpu.memory_space<semaphore_mem>>) src(%dma_wait3A_132 : memref<512xi32, #tpu.memory_space<hbm>>) dst(%arg9 : memref<512xi32, #tpu.memory_space<vmem>>)
      tpu.yield
    }) : () -> ()
    "tpu.region"() ({
      %run_scoped3A = tpu.sem_alloc : memref<!tpu.dma_semaphore, #tpu.memory_space<semaphore_mem>>
      %dma_start3A_130 = tpu.memref_slice %arg4[%multiple_of3A_5] : memref<163840xi32, #tpu.memory_space<hbm>> -> memref<5120xi32, #tpu.memory_space<hbm>>
      %dma_start3A_131 = tpu.memref_slice %arg4[%multiple_of3A_5] : memref<163840xi32, #tpu.memory_space<hbm>> -> memref<5120xi32, #tpu.memory_space<hbm>>
      tpu.enqueue_dma source(%dma_start3A_131 : memref<5120xi32, #tpu.memory_space<hbm>>) target(%arg10 : memref<5120xi32, #tpu.memory_space<vmem>>) target_semaphore(%run_scoped3A : memref<!tpu.dma_semaphore, #tpu.memory_space<semaphore_mem>>)
      %dma_wait3A = tpu.memref_slice %arg4[%multiple_of3A_5] : memref<163840xi32, #tpu.memory_space<hbm>> -> memref<5120xi32, #tpu.memory_space<hbm>>
      %dma_wait3A_132 = tpu.memref_slice %arg4[%multiple_of3A_5] : memref<163840xi32, #tpu.memory_space<hbm>> -> memref<5120xi32, #tpu.memory_space<hbm>>
      tpu.wait_dma2 semaphore(%run_scoped3A : memref<!tpu.dma_semaphore, #tpu.memory_space<semaphore_mem>>) src(%dma_wait3A_132 : memref<5120xi32, #tpu.memory_space<hbm>>) dst(%arg10 : memref<5120xi32, #tpu.memory_space<vmem>>)
      tpu.yield
    }) : () -> ()
    %iota3A = tpu.iota {dimensions = array<i32: 0>} : vector<16xi32>
    %mul3A_6 = arith.constant 10 : i32
    %mul3A_7 = vector.broadcast %mul3A_6 : i32 to vector<16xi32>
    %mul3A_8 = arith.muli %iota3A, %mul3A_7 : vector<16xi32>
    %add3A_9 = arith.constant 0 : i32
    %add3A_10 = vector.broadcast %add3A_9 : i32 to vector<16xi32>
    %add3A_11 = arith.addi %mul3A_8, %add3A_10 : vector<16xi32>
    %mul3A_12 = arith.constant 10 : i32
    %mul3A_13 = vector.broadcast %mul3A_12 : i32 to vector<16xi32>
    %mul3A_14 = arith.muli %iota3A, %mul3A_13 : vector<16xi32>
    %add3A_15 = arith.constant 1 : i32
    %add3A_16 = vector.broadcast %add3A_15 : i32 to vector<16xi32>
    %add3A_17 = arith.addi %mul3A_14, %add3A_16 : vector<16xi32>
    %mul3A_18 = arith.constant 10 : i32
    %mul3A_19 = vector.broadcast %mul3A_18 : i32 to vector<16xi32>
    %mul3A_20 = arith.muli %iota3A, %mul3A_19 : vector<16xi32>
    %add3A_21 = arith.constant 2 : i32
    %add3A_22 = vector.broadcast %add3A_21 : i32 to vector<16xi32>
    %add3A_23 = arith.addi %mul3A_20, %add3A_22 : vector<16xi32>
    %mul3A_24 = arith.constant 10 : i32
    %mul3A_25 = vector.broadcast %mul3A_24 : i32 to vector<16xi32>
    %mul3A_26 = arith.muli %iota3A, %mul3A_25 : vector<16xi32>
    %add3A_27 = arith.constant 3 : i32
    %add3A_28 = vector.broadcast %add3A_27 : i32 to vector<16xi32>
    %add3A_29 = arith.addi %mul3A_26, %add3A_28 : vector<16xi32>
    %mul3A_30 = arith.constant 10 : i32
    %mul3A_31 = vector.broadcast %mul3A_30 : i32 to vector<16xi32>
    %mul3A_32 = arith.muli %iota3A, %mul3A_31 : vector<16xi32>
    %add3A_33 = arith.constant 4 : i32
    %add3A_34 = vector.broadcast %add3A_33 : i32 to vector<16xi32>
    %add3A_35 = arith.addi %mul3A_32, %add3A_34 : vector<16xi32>
    %mul3A_36 = arith.constant 10 : i32
    %mul3A_37 = vector.broadcast %mul3A_36 : i32 to vector<16xi32>
    %mul3A_38 = arith.muli %iota3A, %mul3A_37 : vector<16xi32>
    %add3A_39 = arith.constant 5 : i32
    %add3A_40 = vector.broadcast %add3A_39 : i32 to vector<16xi32>
    %add3A_41 = arith.addi %mul3A_38, %add3A_40 : vector<16xi32>
    %mul3A_42 = arith.constant 10 : i32
    %mul3A_43 = vector.broadcast %mul3A_42 : i32 to vector<16xi32>
    %mul3A_44 = arith.muli %iota3A, %mul3A_43 : vector<16xi32>
    %add3A_45 = arith.constant 6 : i32
    %add3A_46 = vector.broadcast %add3A_45 : i32 to vector<16xi32>
    %add3A_47 = arith.addi %mul3A_44, %add3A_46 : vector<16xi32>
    %mul3A_48 = arith.constant 10 : i32
    %mul3A_49 = vector.broadcast %mul3A_48 : i32 to vector<16xi32>
    %mul3A_50 = arith.muli %iota3A, %mul3A_49 : vector<16xi32>
    %add3A_51 = arith.constant 7 : i32
    %add3A_52 = vector.broadcast %add3A_51 : i32 to vector<16xi32>
    %add3A_53 = arith.addi %mul3A_50, %add3A_52 : vector<16xi32>
    %mul3A_54 = arith.constant 10 : i32
    %mul3A_55 = vector.broadcast %mul3A_54 : i32 to vector<16xi32>
    %mul3A_56 = arith.muli %iota3A, %mul3A_55 : vector<16xi32>
    %add3A_57 = arith.constant 8 : i32
    %add3A_58 = vector.broadcast %add3A_57 : i32 to vector<16xi32>
    %add3A_59 = arith.addi %mul3A_56, %add3A_58 : vector<16xi32>
    %mul3A_60 = arith.constant 10 : i32
    %mul3A_61 = vector.broadcast %mul3A_60 : i32 to vector<16xi32>
    %mul3A_62 = arith.muli %iota3A, %mul3A_61 : vector<16xi32>
    %add3A_63 = arith.constant 9 : i32
    %add3A_64 = vector.broadcast %add3A_63 : i32 to vector<16xi32>
    %add3A_65 = arith.addi %mul3A_62, %add3A_64 : vector<16xi32>
    %broadcast_in_dim3A = arith.constant 0.000000e+00 : f32
    %broadcast_in_dim3A_66 = vector.broadcast %broadcast_in_dim3A : f32 to vector<16xf32>
    %multiple_of3A_67 = arith.constant 0 : i32
    %multiple_of3A_68 = tpu.assume_multiple %multiple_of3A_67, 16 : i32
    %multiple_of3A_69 = arith.constant 0 : i32
    %multiple_of3A_70 = tpu.assume_multiple %multiple_of3A_69, 80 : i32
    %add3A_71 = arith.constant 80 : i32
    %add3A_72 = arith.addi %multiple_of3A_70, %add3A_71 : i32
    %dma_start3A = arith.constant 0 : i32
    %dma_start3A_73 = arith.constant 0 : i32
    %dma_start3A_74 = arith.constant 0 : i32
    %dma_start3A_75 = arith.constant 0 : i32
    %dma_start3A_76 = tpu.memref_slice %arg11[%dma_start3A, %dma_start3A_74, %dma_start3A_75] : memref<2x16x64xf32, #tpu.memory_space<vmem>> -> memref<1x16x64xf32, #tpu.memory_space<vmem>>
    %dma_start3A_77 = tpu.memref_squeeze %dma_start3A_76 : memref<1x16x64xf32, #tpu.memory_space<vmem>> -> memref<16x64xf32, #tpu.memory_space<vmem>>
    %dma_start3A_78 = tpu.memref_slice %arg8[%multiple_of3A_68] : memref<512xi32, #tpu.memory_space<vmem>> -> memref<16xi32, #tpu.memory_space<vmem>>
    %dma_start3A_79 = arith.constant 0 : i32
    %dma_start3A_80 = arith.constant 0 : i32
    %dma_start3A_81 = tpu.memref_slice %arg5[%dma_start3A_79, %dma_start3A_80] : memref<1000001x64xf32, #tpu.memory_space<hbm>> -> memref<1000001x64xf32, #tpu.memory_space<hbm>>
    %dma_start3A_82 = tpu.memref_slice %arg15[%dma_start3A_73] : memref<2x!tpu.dma_semaphore, #tpu.memory_space<semaphore_mem>> -> memref<1x!tpu.dma_semaphore, #tpu.memory_space<semaphore_mem>>
    %dma_start3A_83 = tpu.memref_squeeze %dma_start3A_82 : memref<1x!tpu.dma_semaphore, #tpu.memory_space<semaphore_mem>> -> memref<!tpu.dma_semaphore, #tpu.memory_space<semaphore_mem>>
    tpu.enqueue_indirect_dma source(%dma_start3A_81 : memref<1000001x64xf32, #tpu.memory_space<hbm>>) target(%dma_start3A_77 : memref<16x64xf32, #tpu.memory_space<vmem>>) offsets(%dma_start3A_78 : memref<16xi32, #tpu.memory_space<vmem>>) semaphore(%dma_start3A_83 : memref<!tpu.dma_semaphore, #tpu.memory_space<semaphore_mem>>)
    %dma_start3A_84 = arith.constant 0 : i32
    %dma_start3A_85 = arith.constant 0 : i32
    %dma_start3A_86 = arith.constant 0 : i32
    %dma_start3A_87 = arith.constant 0 : i32
    %dma_start3A_88 = tpu.memref_slice %arg12[%dma_start3A_84, %dma_start3A_86, %dma_start3A_87] : memref<2x16x64xf32, #tpu.memory_space<vmem>> -> memref<1x16x64xf32, #tpu.memory_space<vmem>>
    %dma_start3A_89 = tpu.memref_squeeze %dma_start3A_88 : memref<1x16x64xf32, #tpu.memory_space<vmem>> -> memref<16x64xf32, #tpu.memory_space<vmem>>
    %dma_start3A_90 = tpu.memref_slice %arg9[%multiple_of3A_68] : memref<512xi32, #tpu.memory_space<vmem>> -> memref<16xi32, #tpu.memory_space<vmem>>
    %dma_start3A_91 = arith.constant 0 : i32
    %dma_start3A_92 = arith.constant 0 : i32
    %dma_start3A_93 = tpu.memref_slice %arg6[%dma_start3A_91, %dma_start3A_92] : memref<1000001x64xf32, #tpu.memory_space<hbm>> -> memref<1000001x64xf32, #tpu.memory_space<hbm>>
    %dma_start3A_94 = tpu.memref_slice %arg15[%dma_start3A_85] : memref<2x!tpu.dma_semaphore, #tpu.memory_space<semaphore_mem>> -> memref<1x!tpu.dma_semaphore, #tpu.memory_space<semaphore_mem>>
    %dma_start3A_95 = tpu.memref_squeeze %dma_start3A_94 : memref<1x!tpu.dma_semaphore, #tpu.memory_space<semaphore_mem>> -> memref<!tpu.dma_semaphore, #tpu.memory_space<semaphore_mem>>
    tpu.enqueue_indirect_dma source(%dma_start3A_93 : memref<1000001x64xf32, #tpu.memory_space<hbm>>) target(%dma_start3A_89 : memref<16x64xf32, #tpu.memory_space<vmem>>) offsets(%dma_start3A_90 : memref<16xi32, #tpu.memory_space<vmem>>) semaphore(%dma_start3A_95 : memref<!tpu.dma_semaphore, #tpu.memory_space<semaphore_mem>>)
    %dma_start3A_96 = arith.constant 0 : i32
    %dma_start3A_97 = arith.constant 0 : i32
    %dma_start3A_98 = arith.constant 0 : i32
    %dma_start3A_99 = arith.constant 0 : i32
    %dma_start3A_100 = tpu.memref_slice %arg13[%dma_start3A_96, %dma_start3A_98, %dma_start3A_99] : memref<2x160x64xf32, #tpu.memory_space<vmem>> -> memref<1x80x64xf32, #tpu.memory_space<vmem>>
    %dma_start3A_101 = tpu.memref_squeeze %dma_start3A_100 : memref<1x80x64xf32, #tpu.memory_space<vmem>> -> memref<80x64xf32, #tpu.memory_space<vmem>>
    %dma_start3A_102 = tpu.memref_slice %arg10[%multiple_of3A_70] : memref<5120xi32, #tpu.memory_space<vmem>> -> memref<80xi32, #tpu.memory_space<vmem>>
    %dma_start3A_103 = arith.constant 0 : i32
    %dma_start3A_104 = arith.constant 0 : i32
    %dma_start3A_105 = tpu.memref_slice %arg6[%dma_start3A_103, %dma_start3A_104] : memref<1000001x64xf32, #tpu.memory_space<hbm>> -> memref<1000001x64xf32, #tpu.memory_space<hbm>>
    %dma_start3A_106 = tpu.memref_slice %arg15[%dma_start3A_97] : memref<2x!tpu.dma_semaphore, #tpu.memory_space<semaphore_mem>> -> memref<1x!tpu.dma_semaphore, #tpu.memory_space<semaphore_mem>>
    %dma_start3A_107 = tpu.memref_squeeze %dma_start3A_106 : memref<1x!tpu.dma_semaphore, #tpu.memory_space<semaphore_mem>> -> memref<!tpu.dma_semaphore, #tpu.memory_space<semaphore_mem>>
    tpu.enqueue_indirect_dma source(%dma_start3A_105 : memref<1000001x64xf32, #tpu.memory_space<hbm>>) target(%dma_start3A_101 : memref<80x64xf32, #tpu.memory_space<vmem>>) offsets(%dma_start3A_102 : memref<80xi32, #tpu.memory_space<vmem>>) semaphore(%dma_start3A_107 : memref<!tpu.dma_semaphore, #tpu.memory_space<semaphore_mem>>)
    %dma_start3A_108 = arith.constant 0 : i32
    %dma_start3A_109 = arith.constant 0 : i32
    %dma_start3A_110 = arith.constant 80 : i32
    %dma_start3A_111 = arith.constant 0 : i32
    %dma_start3A_112 = tpu.memref_slice %arg13[%dma_start3A_108, %dma_start3A_110, %dma_start3A_111] : memref<2x160x64xf32, #tpu.memory_space<vmem>> -> memref<1x80x64xf32, #tpu.memory_space<vmem>>
    %dma_start3A_113 = tpu.memref_squeeze %dma_start3A_112 : memref<1x80x64xf32, #tpu.memory_space<vmem>> -> memref<80x64xf32, #tpu.memory_space<vmem>>
    %dma_start3A_114 = tpu.memref_slice %arg10[%add3A_72] : memref<5120xi32, #tpu.memory_space<vmem>> -> memref<80xi32, #tpu.memory_space<vmem>>
    %dma_start3A_115 = arith.constant 0 : i32
    %dma_start3A_116 = arith.constant 0 : i32
    %dma_start3A_117 = tpu.memref_slice %arg6[%dma_start3A_115, %dma_start3A_116] : memref<1000001x64xf32, #tpu.memory_space<hbm>> -> memref<1000001x64xf32, #tpu.memory_space<hbm>>
    %dma_start3A_118 = tpu.memref_slice %arg15[%dma_start3A_109] : memref<2x!tpu.dma_semaphore, #tpu.memory_space<semaphore_mem>> -> memref<1x!tpu.dma_semaphore, #tpu.memory_space<semaphore_mem>>
    %dma_start3A_119 = tpu.memref_squeeze %dma_start3A_118 : memref<1x!tpu.dma_semaphore, #tpu.memory_space<semaphore_mem>> -> memref<!tpu.dma_semaphore, #tpu.memory_space<semaphore_mem>>
    tpu.enqueue_indirect_dma source(%dma_start3A_117 : memref<1000001x64xf32, #tpu.memory_space<hbm>>) target(%dma_start3A_113 : memref<80x64xf32, #tpu.memory_space<vmem>>) offsets(%dma_start3A_114 : memref<80xi32, #tpu.memory_space<vmem>>) semaphore(%dma_start3A_119 : memref<!tpu.dma_semaphore, #tpu.memory_space<semaphore_mem>>)
    %scan3A = arith.constant 0 : i32
    %scan3A_120 = arith.constant 16 : i32
    %scan3A_121 = arith.addi %scan3A, %scan3A_120 : i32
    %scan3A_122 = arith.constant 1 : i32
    %scan3A_123:2 = scf.for %scan3A_130 = %scan3A to %scan3A_121 step %scan3A_122 iter_args(%scan3A_131 = %broadcast_in_dim3A_66, %scan3A_132 = %broadcast_in_dim3A_66) -> (vector<16xf32>, vector<16xf32>)  : i32 {
      %mul3A_133 = arith.constant 2 : i32
      %mul3A_134 = arith.muli %scan3A_130, %mul3A_133 : i32
      %add3A_135 = arith.constant 1 : i32
      %add3A_136 = arith.addi %mul3A_134, %add3A_135 : i32
      %mul3A_137 = arith.constant 16 : i32
      %mul3A_138 = arith.muli %add3A_136, %mul3A_137 : i32
      %multiple_of3A_139 = tpu.assume_multiple %mul3A_138, 16 : i32
      %mul3A_140 = arith.constant 160 : i32
      %mul3A_141 = arith.muli %add3A_136, %mul3A_140 : i32
      %multiple_of3A_142 = tpu.assume_multiple %mul3A_141, 80 : i32
      %add3A_143 = arith.constant 80 : i32
      %add3A_144 = arith.addi %multiple_of3A_142, %add3A_143 : i32
      %dma_start3A_145 = arith.constant 1 : i32
      %dma_start3A_146 = arith.constant 1 : i32
      %dma_start3A_147 = arith.constant 0 : i32
      %dma_start3A_148 = arith.constant 0 : i32
      %dma_start3A_149 = tpu.memref_slice %arg11[%dma_start3A_145, %dma_start3A_147, %dma_start3A_148] : memref<2x16x64xf32, #tpu.memory_space<vmem>> -> memref<1x16x64xf32, #tpu.memory_space<vmem>>
      %dma_start3A_150 = tpu.memref_squeeze %dma_start3A_149 : memref<1x16x64xf32, #tpu.memory_space<vmem>> -> memref<16x64xf32, #tpu.memory_space<vmem>>
      %dma_start3A_151 = tpu.memref_slice %arg8[%multiple_of3A_139] : memref<512xi32, #tpu.memory_space<vmem>> -> memref<16xi32, #tpu.memory_space<vmem>>
      %dma_start3A_152 = arith.constant 0 : i32
      %dma_start3A_153 = arith.constant 0 : i32
      %dma_start3A_154 = tpu.memref_slice %arg5[%dma_start3A_152, %dma_start3A_153] : memref<1000001x64xf32, #tpu.memory_space<hbm>> -> memref<1000001x64xf32, #tpu.memory_space<hbm>>
      %dma_start3A_155 = tpu.memref_slice %arg15[%dma_start3A_146] : memref<2x!tpu.dma_semaphore, #tpu.memory_space<semaphore_mem>> -> memref<1x!tpu.dma_semaphore, #tpu.memory_space<semaphore_mem>>
      %dma_start3A_156 = tpu.memref_squeeze %dma_start3A_155 : memref<1x!tpu.dma_semaphore, #tpu.memory_space<semaphore_mem>> -> memref<!tpu.dma_semaphore, #tpu.memory_space<semaphore_mem>>
      tpu.enqueue_indirect_dma source(%dma_start3A_154 : memref<1000001x64xf32, #tpu.memory_space<hbm>>) target(%dma_start3A_150 : memref<16x64xf32, #tpu.memory_space<vmem>>) offsets(%dma_start3A_151 : memref<16xi32, #tpu.memory_space<vmem>>) semaphore(%dma_start3A_156 : memref<!tpu.dma_semaphore, #tpu.memory_space<semaphore_mem>>)
      %dma_start3A_157 = arith.constant 1 : i32
      %dma_start3A_158 = arith.constant 1 : i32
      %dma_start3A_159 = arith.constant 0 : i32
      %dma_start3A_160 = arith.constant 0 : i32
      %dma_start3A_161 = tpu.memref_slice %arg12[%dma_start3A_157, %dma_start3A_159, %dma_start3A_160] : memref<2x16x64xf32, #tpu.memory_space<vmem>> -> memref<1x16x64xf32, #tpu.memory_space<vmem>>
      %dma_start3A_162 = tpu.memref_squeeze %dma_start3A_161 : memref<1x16x64xf32, #tpu.memory_space<vmem>> -> memref<16x64xf32, #tpu.memory_space<vmem>>
      %dma_start3A_163 = tpu.memref_slice %arg9[%multiple_of3A_139] : memref<512xi32, #tpu.memory_space<vmem>> -> memref<16xi32, #tpu.memory_space<vmem>>
      %dma_start3A_164 = arith.constant 0 : i32
      %dma_start3A_165 = arith.constant 0 : i32
      %dma_start3A_166 = tpu.memref_slice %arg6[%dma_start3A_164, %dma_start3A_165] : memref<1000001x64xf32, #tpu.memory_space<hbm>> -> memref<1000001x64xf32, #tpu.memory_space<hbm>>
      %dma_start3A_167 = tpu.memref_slice %arg15[%dma_start3A_158] : memref<2x!tpu.dma_semaphore, #tpu.memory_space<semaphore_mem>> -> memref<1x!tpu.dma_semaphore, #tpu.memory_space<semaphore_mem>>
      %dma_start3A_168 = tpu.memref_squeeze %dma_start3A_167 : memref<1x!tpu.dma_semaphore, #tpu.memory_space<semaphore_mem>> -> memref<!tpu.dma_semaphore, #tpu.memory_space<semaphore_mem>>
      tpu.enqueue_indirect_dma source(%dma_start3A_166 : memref<1000001x64xf32, #tpu.memory_space<hbm>>) target(%dma_start3A_162 : memref<16x64xf32, #tpu.memory_space<vmem>>) offsets(%dma_start3A_163 : memref<16xi32, #tpu.memory_space<vmem>>) semaphore(%dma_start3A_168 : memref<!tpu.dma_semaphore, #tpu.memory_space<semaphore_mem>>)
      %dma_start3A_169 = arith.constant 1 : i32
      %dma_start3A_170 = arith.constant 1 : i32
      %dma_start3A_171 = arith.constant 0 : i32
      %dma_start3A_172 = arith.constant 0 : i32
      %dma_start3A_173 = tpu.memref_slice %arg13[%dma_start3A_169, %dma_start3A_171, %dma_start3A_172] : memref<2x160x64xf32, #tpu.memory_space<vmem>> -> memref<1x80x64xf32, #tpu.memory_space<vmem>>
      %dma_start3A_174 = tpu.memref_squeeze %dma_start3A_173 : memref<1x80x64xf32, #tpu.memory_space<vmem>> -> memref<80x64xf32, #tpu.memory_space<vmem>>
      %dma_start3A_175 = tpu.memref_slice %arg10[%multiple_of3A_142] : memref<5120xi32, #tpu.memory_space<vmem>> -> memref<80xi32, #tpu.memory_space<vmem>>
      %dma_start3A_176 = arith.constant 0 : i32
      %dma_start3A_177 = arith.constant 0 : i32
      %dma_start3A_178 = tpu.memref_slice %arg6[%dma_start3A_176, %dma_start3A_177] : memref<1000001x64xf32, #tpu.memory_space<hbm>> -> memref<1000001x64xf32, #tpu.memory_space<hbm>>
      %dma_start3A_179 = tpu.memref_slice %arg15[%dma_start3A_170] : memref<2x!tpu.dma_semaphore, #tpu.memory_space<semaphore_mem>> -> memref<1x!tpu.dma_semaphore, #tpu.memory_space<semaphore_mem>>
      %dma_start3A_180 = tpu.memref_squeeze %dma_start3A_179 : memref<1x!tpu.dma_semaphore, #tpu.memory_space<semaphore_mem>> -> memref<!tpu.dma_semaphore, #tpu.memory_space<semaphore_mem>>
      tpu.enqueue_indirect_dma source(%dma_start3A_178 : memref<1000001x64xf32, #tpu.memory_space<hbm>>) target(%dma_start3A_174 : memref<80x64xf32, #tpu.memory_space<vmem>>) offsets(%dma_start3A_175 : memref<80xi32, #tpu.memory_space<vmem>>) semaphore(%dma_start3A_180 : memref<!tpu.dma_semaphore, #tpu.memory_space<semaphore_mem>>)
      %dma_start3A_181 = arith.constant 1 : i32
      %dma_start3A_182 = arith.constant 1 : i32
      %dma_start3A_183 = arith.constant 80 : i32
      %dma_start3A_184 = arith.constant 0 : i32
      %dma_start3A_185 = tpu.memref_slice %arg13[%dma_start3A_181, %dma_start3A_183, %dma_start3A_184] : memref<2x160x64xf32, #tpu.memory_space<vmem>> -> memref<1x80x64xf32, #tpu.memory_space<vmem>>
      %dma_start3A_186 = tpu.memref_squeeze %dma_start3A_185 : memref<1x80x64xf32, #tpu.memory_space<vmem>> -> memref<80x64xf32, #tpu.memory_space<vmem>>
      %dma_start3A_187 = tpu.memref_slice %arg10[%add3A_144] : memref<5120xi32, #tpu.memory_space<vmem>> -> memref<80xi32, #tpu.memory_space<vmem>>
      %dma_start3A_188 = arith.constant 0 : i32
      %dma_start3A_189 = arith.constant 0 : i32
      %dma_start3A_190 = tpu.memref_slice %arg6[%dma_start3A_188, %dma_start3A_189] : memref<1000001x64xf32, #tpu.memory_space<hbm>> -> memref<1000001x64xf32, #tpu.memory_space<hbm>>
      %dma_start3A_191 = tpu.memref_slice %arg15[%dma_start3A_182] : memref<2x!tpu.dma_semaphore, #tpu.memory_space<semaphore_mem>> -> memref<1x!tpu.dma_semaphore, #tpu.memory_space<semaphore_mem>>
      %dma_start3A_192 = tpu.memref_squeeze %dma_start3A_191 : memref<1x!tpu.dma_semaphore, #tpu.memory_space<semaphore_mem>> -> memref<!tpu.dma_semaphore, #tpu.memory_space<semaphore_mem>>
      tpu.enqueue_indirect_dma source(%dma_start3A_190 : memref<1000001x64xf32, #tpu.memory_space<hbm>>) target(%dma_start3A_186 : memref<80x64xf32, #tpu.memory_space<vmem>>) offsets(%dma_start3A_187 : memref<80xi32, #tpu.memory_space<vmem>>) semaphore(%dma_start3A_192 : memref<!tpu.dma_semaphore, #tpu.memory_space<semaphore_mem>>)
      %mul3A_193 = arith.constant 16 : i32
      %mul3A_194 = arith.muli %mul3A_134, %mul3A_193 : i32
      %multiple_of3A_195 = tpu.assume_multiple %mul3A_194, 16 : i32
      %mul3A_196 = arith.constant 160 : i32
      %mul3A_197 = arith.muli %mul3A_134, %mul3A_196 : i32
      %multiple_of3A_198 = tpu.assume_multiple %mul3A_197, 80 : i32
      %add3A_199 = arith.constant 80 : i32
      %add3A_200 = arith.addi %multiple_of3A_198, %add3A_199 : i32
      %dma_wait3A = arith.constant 0 : i32
      %dma_wait3A_201 = arith.constant 0 : i32
      %dma_wait3A_202 = arith.constant 0 : i32
      %dma_wait3A_203 = arith.constant 0 : i32
      %dma_wait3A_204 = tpu.memref_slice %arg11[%dma_wait3A, %dma_wait3A_202, %dma_wait3A_203] : memref<2x16x64xf32, #tpu.memory_space<vmem>> -> memref<1x16x64xf32, #tpu.memory_space<vmem>>
      %dma_wait3A_205 = tpu.memref_squeeze %dma_wait3A_204 : memref<1x16x64xf32, #tpu.memory_space<vmem>> -> memref<16x64xf32, #tpu.memory_space<vmem>>
      %dma_wait3A_206 = tpu.memref_slice %arg8[%multiple_of3A_195] : memref<512xi32, #tpu.memory_space<vmem>> -> memref<16xi32, #tpu.memory_space<vmem>>
      %dma_wait3A_207 = arith.constant 0 : i32
      %dma_wait3A_208 = arith.constant 0 : i32
      %dma_wait3A_209 = tpu.memref_slice %arg5[%dma_wait3A_207, %dma_wait3A_208] : memref<1000001x64xf32, #tpu.memory_space<hbm>> -> memref<1000001x64xf32, #tpu.memory_space<hbm>>
      %dma_wait3A_210 = tpu.memref_slice %arg15[%dma_wait3A_201] : memref<2x!tpu.dma_semaphore, #tpu.memory_space<semaphore_mem>> -> memref<1x!tpu.dma_semaphore, #tpu.memory_space<semaphore_mem>>
      %dma_wait3A_211 = tpu.memref_squeeze %dma_wait3A_210 : memref<1x!tpu.dma_semaphore, #tpu.memory_space<semaphore_mem>> -> memref<!tpu.dma_semaphore, #tpu.memory_space<semaphore_mem>>
      tpu.wait_indirect_dma semaphore(%dma_wait3A_211 : memref<!tpu.dma_semaphore, #tpu.memory_space<semaphore_mem>>) src(%dma_wait3A_209 : memref<1000001x64xf32, #tpu.memory_space<hbm>>) dst(%dma_wait3A_205 : memref<16x64xf32, #tpu.memory_space<vmem>>)
      %dma_wait3A_212 = arith.constant 0 : i32
      %dma_wait3A_213 = arith.constant 0 : i32
      %dma_wait3A_214 = arith.constant 0 : i32
      %dma_wait3A_215 = arith.constant 0 : i32
      %dma_wait3A_216 = tpu.memref_slice %arg12[%dma_wait3A_212, %dma_wait3A_214, %dma_wait3A_215] : memref<2x16x64xf32, #tpu.memory_space<vmem>> -> memref<1x16x64xf32, #tpu.memory_space<vmem>>
      %dma_wait3A_217 = tpu.memref_squeeze %dma_wait3A_216 : memref<1x16x64xf32, #tpu.memory_space<vmem>> -> memref<16x64xf32, #tpu.memory_space<vmem>>
      %dma_wait3A_218 = tpu.memref_slice %arg9[%multiple_of3A_195] : memref<512xi32, #tpu.memory_space<vmem>> -> memref<16xi32, #tpu.memory_space<vmem>>
      %dma_wait3A_219 = arith.constant 0 : i32
      %dma_wait3A_220 = arith.constant 0 : i32
      %dma_wait3A_221 = tpu.memref_slice %arg6[%dma_wait3A_219, %dma_wait3A_220] : memref<1000001x64xf32, #tpu.memory_space<hbm>> -> memref<1000001x64xf32, #tpu.memory_space<hbm>>
      %dma_wait3A_222 = tpu.memref_slice %arg15[%dma_wait3A_213] : memref<2x!tpu.dma_semaphore, #tpu.memory_space<semaphore_mem>> -> memref<1x!tpu.dma_semaphore, #tpu.memory_space<semaphore_mem>>
      %dma_wait3A_223 = tpu.memref_squeeze %dma_wait3A_222 : memref<1x!tpu.dma_semaphore, #tpu.memory_space<semaphore_mem>> -> memref<!tpu.dma_semaphore, #tpu.memory_space<semaphore_mem>>
      tpu.wait_indirect_dma semaphore(%dma_wait3A_223 : memref<!tpu.dma_semaphore, #tpu.memory_space<semaphore_mem>>) src(%dma_wait3A_221 : memref<1000001x64xf32, #tpu.memory_space<hbm>>) dst(%dma_wait3A_217 : memref<16x64xf32, #tpu.memory_space<vmem>>)
      %dma_wait3A_224 = arith.constant 0 : i32
      %dma_wait3A_225 = arith.constant 0 : i32
      %dma_wait3A_226 = arith.constant 0 : i32
      %dma_wait3A_227 = arith.constant 0 : i32
      %dma_wait3A_228 = tpu.memref_slice %arg13[%dma_wait3A_224, %dma_wait3A_226, %dma_wait3A_227] : memref<2x160x64xf32, #tpu.memory_space<vmem>> -> memref<1x80x64xf32, #tpu.memory_space<vmem>>
      %dma_wait3A_229 = tpu.memref_squeeze %dma_wait3A_228 : memref<1x80x64xf32, #tpu.memory_space<vmem>> -> memref<80x64xf32, #tpu.memory_space<vmem>>
      %dma_wait3A_230 = tpu.memref_slice %arg10[%multiple_of3A_198] : memref<5120xi32, #tpu.memory_space<vmem>> -> memref<80xi32, #tpu.memory_space<vmem>>
      %dma_wait3A_231 = arith.constant 0 : i32
      %dma_wait3A_232 = arith.constant 0 : i32
      %dma_wait3A_233 = tpu.memref_slice %arg6[%dma_wait3A_231, %dma_wait3A_232] : memref<1000001x64xf32, #tpu.memory_space<hbm>> -> memref<1000001x64xf32, #tpu.memory_space<hbm>>
      %dma_wait3A_234 = tpu.memref_slice %arg15[%dma_wait3A_225] : memref<2x!tpu.dma_semaphore, #tpu.memory_space<semaphore_mem>> -> memref<1x!tpu.dma_semaphore, #tpu.memory_space<semaphore_mem>>
      %dma_wait3A_235 = tpu.memref_squeeze %dma_wait3A_234 : memref<1x!tpu.dma_semaphore, #tpu.memory_space<semaphore_mem>> -> memref<!tpu.dma_semaphore, #tpu.memory_space<semaphore_mem>>
      tpu.wait_indirect_dma semaphore(%dma_wait3A_235 : memref<!tpu.dma_semaphore, #tpu.memory_space<semaphore_mem>>) src(%dma_wait3A_233 : memref<1000001x64xf32, #tpu.memory_space<hbm>>) dst(%dma_wait3A_229 : memref<80x64xf32, #tpu.memory_space<vmem>>)
      %dma_wait3A_236 = arith.constant 0 : i32
      %dma_wait3A_237 = arith.constant 0 : i32
      %dma_wait3A_238 = arith.constant 80 : i32
      %dma_wait3A_239 = arith.constant 0 : i32
      %dma_wait3A_240 = tpu.memref_slice %arg13[%dma_wait3A_236, %dma_wait3A_238, %dma_wait3A_239] : memref<2x160x64xf32, #tpu.memory_space<vmem>> -> memref<1x80x64xf32, #tpu.memory_space<vmem>>
      %dma_wait3A_241 = tpu.memref_squeeze %dma_wait3A_240 : memref<1x80x64xf32, #tpu.memory_space<vmem>> -> memref<80x64xf32, #tpu.memory_space<vmem>>
      %dma_wait3A_242 = tpu.memref_slice %arg10[%add3A_200] : memref<5120xi32, #tpu.memory_space<vmem>> -> memref<80xi32, #tpu.memory_space<vmem>>
      %dma_wait3A_243 = arith.constant 0 : i32
      %dma_wait3A_244 = arith.constant 0 : i32
      %dma_wait3A_245 = tpu.memref_slice %arg6[%dma_wait3A_243, %dma_wait3A_244] : memref<1000001x64xf32, #tpu.memory_space<hbm>> -> memref<1000001x64xf32, #tpu.memory_space<hbm>>
      %dma_wait3A_246 = tpu.memref_slice %arg15[%dma_wait3A_237] : memref<2x!tpu.dma_semaphore, #tpu.memory_space<semaphore_mem>> -> memref<1x!tpu.dma_semaphore, #tpu.memory_space<semaphore_mem>>
      %dma_wait3A_247 = tpu.memref_squeeze %dma_wait3A_246 : memref<1x!tpu.dma_semaphore, #tpu.memory_space<semaphore_mem>> -> memref<!tpu.dma_semaphore, #tpu.memory_space<semaphore_mem>>
      tpu.wait_indirect_dma semaphore(%dma_wait3A_247 : memref<!tpu.dma_semaphore, #tpu.memory_space<semaphore_mem>>) src(%dma_wait3A_245 : memref<1000001x64xf32, #tpu.memory_space<hbm>>) dst(%dma_wait3A_241 : memref<80x64xf32, #tpu.memory_space<vmem>>)
      %scan3A_248 = arith.constant 0 : i32
      %scan3A_249 = arith.constant 0 : i32
      %scan3A_250 = arith.constant 0 : i32
      %scan3A_251 = arith.constant 0 : i32
      %scan3A_252 = arith.constant 64 : i32
      %scan3A_253 = arith.addi %scan3A_251, %scan3A_252 : i32
      %scan3A_254 = arith.constant 1 : i32
      %scan3A_255:23 = scf.for %scan3A_1434 = %scan3A_251 to %scan3A_253 step %scan3A_254 iter_args(%scan3A_1435 = %broadcast_in_dim3A_66, %scan3A_1436 = %broadcast_in_dim3A_66, %scan3A_1437 = %broadcast_in_dim3A_66, %scan3A_1438 = %broadcast_in_dim3A_66, %scan3A_1439 = %broadcast_in_dim3A_66, %scan3A_1440 = %broadcast_in_dim3A_66, %scan3A_1441 = %broadcast_in_dim3A_66, %scan3A_1442 = %broadcast_in_dim3A_66, %scan3A_1443 = %broadcast_in_dim3A_66, %scan3A_1444 = %broadcast_in_dim3A_66, %scan3A_1445 = %broadcast_in_dim3A_66, %scan3A_1446 = %broadcast_in_dim3A_66, %scan3A_1447 = %broadcast_in_dim3A_66, %scan3A_1448 = %broadcast_in_dim3A_66, %scan3A_1449 = %broadcast_in_dim3A_66, %scan3A_1450 = %broadcast_in_dim3A_66, %scan3A_1451 = %broadcast_in_dim3A_66, %scan3A_1452 = %broadcast_in_dim3A_66, %scan3A_1453 = %broadcast_in_dim3A_66, %scan3A_1454 = %broadcast_in_dim3A_66, %scan3A_1455 = %broadcast_in_dim3A_66, %scan3A_1456 = %broadcast_in_dim3A_66, %scan3A_1457 = %broadcast_in_dim3A_66) -> (vector<16xf32>, vector<16xf32>, vector<16xf32>, vector<16xf32>, vector<16xf32>, vector<16xf32>, vector<16xf32>, vector<16xf32>, vector<16xf32>, vector<16xf32>, vector<16xf32>, vector<16xf32>, vector<16xf32>, vector<16xf32>, vector<16xf32>, vector<16xf32>, vector<16xf32>, vector<16xf32>, vector<16xf32>, vector<16xf32>, vector<16xf32>, vector<16xf32>, vector<16xf32>)  : i32 {
        %broadcast_in_dim3A_1458 = vector.broadcast %scan3A_1434 : i32 to vector<16xi32>
        %gather3A = arith.constant 0 : i32
        %gather3A_1459 = arith.constant 0 : i32
        %gather3A_1460 = tpu.memref_slice %arg11[%scan3A_248, %gather3A, %gather3A_1459] : memref<2x16x64xf32, #tpu.memory_space<vmem>> -> memref<1x16x64xf32, #tpu.memory_space<vmem>>
        %gather3A_1461 = tpu.memref_squeeze %gather3A_1460 : memref<1x16x64xf32, #tpu.memory_space<vmem>> -> memref<16x64xf32, #tpu.memory_space<vmem>>
        %gather3A_1462 = tpu.vector_load_idx %gather3A_1461[%iota3A, %broadcast_in_dim3A_1458] : memref<16x64xf32, #tpu.memory_space<vmem>>[vector<16xi32>, vector<16xi32>], vector<16xf32>,
        %gather3A_1463 = arith.constant 0 : i32
        %gather3A_1464 = arith.constant 0 : i32
        %gather3A_1465 = tpu.memref_slice %arg12[%scan3A_249, %gather3A_1463, %gather3A_1464] : memref<2x16x64xf32, #tpu.memory_space<vmem>> -> memref<1x16x64xf32, #tpu.memory_space<vmem>>
        %gather3A_1466 = tpu.memref_squeeze %gather3A_1465 : memref<1x16x64xf32, #tpu.memory_space<vmem>> -> memref<16x64xf32, #tpu.memory_space<vmem>>
        %gather3A_1467 = tpu.vector_load_idx %gather3A_1466[%iota3A, %broadcast_in_dim3A_1458] : memref<16x64xf32, #tpu.memory_space<vmem>>[vector<16xi32>, vector<16xi32>], vector<16xf32>,
        %mul3A_1468 = arith.mulf %gather3A_1462, %gather3A_1462 : vector<16xf32>
        %add3A_1469 = arith.addf %scan3A_1435, %mul3A_1468 : vector<16xf32>
        %mul3A_1470 = arith.mulf %gather3A_1467, %gather3A_1467 : vector<16xf32>
        %add3A_1471 = arith.addf %scan3A_1436, %mul3A_1470 : vector<16xf32>
        %mul3A_1472 = arith.mulf %gather3A_1462, %gather3A_1467 : vector<16xf32>
        %add3A_1473 = arith.addf %scan3A_1437, %mul3A_1472 : vector<16xf32>
        %gather3A_1474 = arith.constant 0 : i32
        %gather3A_1475 = arith.constant 0 : i32
        %gather3A_1476 = tpu.memref_slice %arg13[%scan3A_250, %gather3A_1474, %gather3A_1475] : memref<2x160x64xf32, #tpu.memory_space<vmem>> -> memref<1x160x64xf32, #tpu.memory_space<vmem>>
        %gather3A_1477 = tpu.memref_squeeze %gather3A_1476 : memref<1x160x64xf32, #tpu.memory_space<vmem>> -> memref<160x64xf32, #tpu.memory_space<vmem>>
        %gather3A_1478 = tpu.vector_load_idx %gather3A_1477[%add3A_11, %broadcast_in_dim3A_1458] : memref<160x64xf32, #tpu.memory_space<vmem>>[vector<16xi32>, vector<16xi32>], vector<16xf32>,
        %mul3A_1479 = arith.mulf %gather3A_1478, %gather3A_1478 : vector<16xf32>
        %add3A_1480 = arith.addf %scan3A_1438, %mul3A_1479 : vector<16xf32>
        %mul3A_1481 = arith.mulf %gather3A_1462, %gather3A_1478 : vector<16xf32>
        %add3A_1482 = arith.addf %scan3A_1448, %mul3A_1481 : vector<16xf32>
        %gather3A_1483 = arith.constant 0 : i32
        %gather3A_1484 = arith.constant 0 : i32
        %gather3A_1485 = tpu.memref_slice %arg13[%scan3A_250, %gather3A_1483, %gather3A_1484] : memref<2x160x64xf32, #tpu.memory_space<vmem>> -> memref<1x160x64xf32, #tpu.memory_space<vmem>>
        %gather3A_1486 = tpu.memref_squeeze %gather3A_1485 : memref<1x160x64xf32, #tpu.memory_space<vmem>> -> memref<160x64xf32, #tpu.memory_space<vmem>>
        %gather3A_1487 = tpu.vector_load_idx %gather3A_1486[%add3A_17, %broadcast_in_dim3A_1458] : memref<160x64xf32, #tpu.memory_space<vmem>>[vector<16xi32>, vector<16xi32>], vector<16xf32>,
        %mul3A_1488 = arith.mulf %gather3A_1487, %gather3A_1487 : vector<16xf32>
        %add3A_1489 = arith.addf %scan3A_1439, %mul3A_1488 : vector<16xf32>
        %mul3A_1490 = arith.mulf %gather3A_1462, %gather3A_1487 : vector<16xf32>
        %add3A_1491 = arith.addf %scan3A_1449, %mul3A_1490 : vector<16xf32>
        %gather3A_1492 = arith.constant 0 : i32
        %gather3A_1493 = arith.constant 0 : i32
        %gather3A_1494 = tpu.memref_slice %arg13[%scan3A_250, %gather3A_1492, %gather3A_1493] : memref<2x160x64xf32, #tpu.memory_space<vmem>> -> memref<1x160x64xf32, #tpu.memory_space<vmem>>
        %gather3A_1495 = tpu.memref_squeeze %gather3A_1494 : memref<1x160x64xf32, #tpu.memory_space<vmem>> -> memref<160x64xf32, #tpu.memory_space<vmem>>
        %gather3A_1496 = tpu.vector_load_idx %gather3A_1495[%add3A_23, %broadcast_in_dim3A_1458] : memref<160x64xf32, #tpu.memory_space<vmem>>[vector<16xi32>, vector<16xi32>], vector<16xf32>,
        %mul3A_1497 = arith.mulf %gather3A_1496, %gather3A_1496 : vector<16xf32>
        %add3A_1498 = arith.addf %scan3A_1440, %mul3A_1497 : vector<16xf32>
        %mul3A_1499 = arith.mulf %gather3A_1462, %gather3A_1496 : vector<16xf32>
        %add3A_1500 = arith.addf %scan3A_1450, %mul3A_1499 : vector<16xf32>
        %gather3A_1501 = arith.constant 0 : i32
        %gather3A_1502 = arith.constant 0 : i32
        %gather3A_1503 = tpu.memref_slice %arg13[%scan3A_250, %gather3A_1501, %gather3A_1502] : memref<2x160x64xf32, #tpu.memory_space<vmem>> -> memref<1x160x64xf32, #tpu.memory_space<vmem>>
        %gather3A_1504 = tpu.memref_squeeze %gather3A_1503 : memref<1x160x64xf32, #tpu.memory_space<vmem>> -> memref<160x64xf32, #tpu.memory_space<vmem>>
        %gather3A_1505 = tpu.vector_load_idx %gather3A_1504[%add3A_29, %broadcast_in_dim3A_1458] : memref<160x64xf32, #tpu.memory_space<vmem>>[vector<16xi32>, vector<16xi32>], vector<16xf32>,
        %mul3A_1506 = arith.mulf %gather3A_1505, %gather3A_1505 : vector<16xf32>
        %add3A_1507 = arith.addf %scan3A_1441, %mul3A_1506 : vector<16xf32>
        %mul3A_1508 = arith.mulf %gather3A_1462, %gather3A_1505 : vector<16xf32>
        %add3A_1509 = arith.addf %scan3A_1451, %mul3A_1508 : vector<16xf32>
        %gather3A_1510 = arith.constant 0 : i32
        %gather3A_1511 = arith.constant 0 : i32
        %gather3A_1512 = tpu.memref_slice %arg13[%scan3A_250, %gather3A_1510, %gather3A_1511] : memref<2x160x64xf32, #tpu.memory_space<vmem>> -> memref<1x160x64xf32, #tpu.memory_space<vmem>>
        %gather3A_1513 = tpu.memref_squeeze %gather3A_1512 : memref<1x160x64xf32, #tpu.memory_space<vmem>> -> memref<160x64xf32, #tpu.memory_space<vmem>>
        %gather3A_1514 = tpu.vector_load_idx %gather3A_1513[%add3A_35, %broadcast_in_dim3A_1458] : memref<160x64xf32, #tpu.memory_space<vmem>>[vector<16xi32>, vector<16xi32>], vector<16xf32>,
        %mul3A_1515 = arith.mulf %gather3A_1514, %gather3A_1514 : vector<16xf32>
        %add3A_1516 = arith.addf %scan3A_1442, %mul3A_1515 : vector<16xf32>
        %mul3A_1517 = arith.mulf %gather3A_1462, %gather3A_1514 : vector<16xf32>
        %add3A_1518 = arith.addf %scan3A_1452, %mul3A_1517 : vector<16xf32>
        %gather3A_1519 = arith.constant 0 : i32
        %gather3A_1520 = arith.constant 0 : i32
        %gather3A_1521 = tpu.memref_slice %arg13[%scan3A_250, %gather3A_1519, %gather3A_1520] : memref<2x160x64xf32, #tpu.memory_space<vmem>> -> memref<1x160x64xf32, #tpu.memory_space<vmem>>
        %gather3A_1522 = tpu.memref_squeeze %gather3A_1521 : memref<1x160x64xf32, #tpu.memory_space<vmem>> -> memref<160x64xf32, #tpu.memory_space<vmem>>
        %gather3A_1523 = tpu.vector_load_idx %gather3A_1522[%add3A_41, %broadcast_in_dim3A_1458] : memref<160x64xf32, #tpu.memory_space<vmem>>[vector<16xi32>, vector<16xi32>], vector<16xf32>,
        %mul3A_1524 = arith.mulf %gather3A_1523, %gather3A_1523 : vector<16xf32>
        %add3A_1525 = arith.addf %scan3A_1443, %mul3A_1524 : vector<16xf32>
        %mul3A_1526 = arith.mulf %gather3A_1462, %gather3A_1523 : vector<16xf32>
        %add3A_1527 = arith.addf %scan3A_1453, %mul3A_1526 : vector<16xf32>
        %gather3A_1528 = arith.constant 0 : i32
        %gather3A_1529 = arith.constant 0 : i32
        %gather3A_1530 = tpu.memref_slice %arg13[%scan3A_250, %gather3A_1528, %gather3A_1529] : memref<2x160x64xf32, #tpu.memory_space<vmem>> -> memref<1x160x64xf32, #tpu.memory_space<vmem>>
        %gather3A_1531 = tpu.memref_squeeze %gather3A_1530 : memref<1x160x64xf32, #tpu.memory_space<vmem>> -> memref<160x64xf32, #tpu.memory_space<vmem>>
        %gather3A_1532 = tpu.vector_load_idx %gather3A_1531[%add3A_47, %broadcast_in_dim3A_1458] : memref<160x64xf32, #tpu.memory_space<vmem>>[vector<16xi32>, vector<16xi32>], vector<16xf32>,
        %mul3A_1533 = arith.mulf %gather3A_1532, %gather3A_1532 : vector<16xf32>
        %add3A_1534 = arith.addf %scan3A_1444, %mul3A_1533 : vector<16xf32>
        %mul3A_1535 = arith.mulf %gather3A_1462, %gather3A_1532 : vector<16xf32>
        %add3A_1536 = arith.addf %scan3A_1454, %mul3A_1535 : vector<16xf32>
        %gather3A_1537 = arith.constant 0 : i32
        %gather3A_1538 = arith.constant 0 : i32
        %gather3A_1539 = tpu.memref_slice %arg13[%scan3A_250, %gather3A_1537, %gather3A_1538] : memref<2x160x64xf32, #tpu.memory_space<vmem>> -> memref<1x160x64xf32, #tpu.memory_space<vmem>>
        %gather3A_1540 = tpu.memref_squeeze %gather3A_1539 : memref<1x160x64xf32, #tpu.memory_space<vmem>> -> memref<160x64xf32, #tpu.memory_space<vmem>>
        %gather3A_1541 = tpu.vector_load_idx %gather3A_1540[%add3A_53, %broadcast_in_dim3A_1458] : memref<160x64xf32, #tpu.memory_space<vmem>>[vector<16xi32>, vector<16xi32>], vector<16xf32>,
        %mul3A_1542 = arith.mulf %gather3A_1541, %gather3A_1541 : vector<16xf32>
        %add3A_1543 = arith.addf %scan3A_1445, %mul3A_1542 : vector<16xf32>
        %mul3A_1544 = arith.mulf %gather3A_1462, %gather3A_1541 : vector<16xf32>
        %add3A_1545 = arith.addf %scan3A_1455, %mul3A_1544 : vector<16xf32>
        %gather3A_1546 = arith.constant 0 : i32
        %gather3A_1547 = arith.constant 0 : i32
        %gather3A_1548 = tpu.memref_slice %arg13[%scan3A_250, %gather3A_1546, %gather3A_1547] : memref<2x160x64xf32, #tpu.memory_space<vmem>> -> memref<1x160x64xf32, #tpu.memory_space<vmem>>
        %gather3A_1549 = tpu.memref_squeeze %gather3A_1548 : memref<1x160x64xf32, #tpu.memory_space<vmem>> -> memref<160x64xf32, #tpu.memory_space<vmem>>
        %gather3A_1550 = tpu.vector_load_idx %gather3A_1549[%add3A_59, %broadcast_in_dim3A_1458] : memref<160x64xf32, #tpu.memory_space<vmem>>[vector<16xi32>, vector<16xi32>], vector<16xf32>,
        %mul3A_1551 = arith.mulf %gather3A_1550, %gather3A_1550 : vector<16xf32>
        %add3A_1552 = arith.addf %scan3A_1446, %mul3A_1551 : vector<16xf32>
        %mul3A_1553 = arith.mulf %gather3A_1462, %gather3A_1550 : vector<16xf32>
        %add3A_1554 = arith.addf %scan3A_1456, %mul3A_1553 : vector<16xf32>
        %gather3A_1555 = arith.constant 0 : i32
        %gather3A_1556 = arith.constant 0 : i32
        %gather3A_1557 = tpu.memref_slice %arg13[%scan3A_250, %gather3A_1555, %gather3A_1556] : memref<2x160x64xf32, #tpu.memory_space<vmem>> -> memref<1x160x64xf32, #tpu.memory_space<vmem>>
        %gather3A_1558 = tpu.memref_squeeze %gather3A_1557 : memref<1x160x64xf32, #tpu.memory_space<vmem>> -> memref<160x64xf32, #tpu.memory_space<vmem>>
        %gather3A_1559 = tpu.vector_load_idx %gather3A_1558[%add3A_65, %broadcast_in_dim3A_1458] : memref<160x64xf32, #tpu.memory_space<vmem>>[vector<16xi32>, vector<16xi32>], vector<16xf32>,
        %mul3A_1560 = arith.mulf %gather3A_1559, %gather3A_1559 : vector<16xf32>
        %add3A_1561 = arith.addf %scan3A_1447, %mul3A_1560 : vector<16xf32>
        %mul3A_1562 = arith.mulf %gather3A_1462, %gather3A_1559 : vector<16xf32>
        %add3A_1563 = arith.addf %scan3A_1457, %mul3A_1562 : vector<16xf32>
        scf.yield %add3A_1469, %add3A_1471, %add3A_1473, %add3A_1480, %add3A_1489, %add3A_1498, %add3A_1507, %add3A_1516, %add3A_1525, %add3A_1534, %add3A_1543, %add3A_1552, %add3A_1561, %add3A_1482, %add3A_1491, %add3A_1500, %add3A_1509, %add3A_1518, %add3A_1527, %add3A_1536, %add3A_1545, %add3A_1554, %add3A_1563 : vector<16xf32>, vector<16xf32>, vector<16xf32>, vector<16xf32>, vector<16xf32>, vector<16xf32>, vector<16xf32>, vector<16xf32>, vector<16xf32>, vector<16xf32>, vector<16xf32>, vector<16xf32>, vector<16xf32>, vector<16xf32>, vector<16xf32>, vector<16xf32>, vector<16xf32>, vector<16xf32>, vector<16xf32>, vector<16xf32>, vector<16xf32>, vector<16xf32>, vector<16xf32>
      }
      %scan3A_256 = arith.constant 64 : i32
      %max3A = arith.constant 1.000000e-24 : f32
      %max3A_257 = vector.broadcast %max3A : f32 to vector<16xf32>
      %max3A_258 = arith.maximumf %scan3A_255#0, %max3A_257 : vector<16xf32>
      %bitcast_convert_type3A = tpu.bitcast %max3A_258 : vector<16xf32> -> vector<16xi32>
      %shift_right_arithmetic3A = arith.constant 1 : i32
      %shift_right_arithmetic3A_259 = vector.broadcast %shift_right_arithmetic3A : i32 to vector<16xi32>
      %shift_right_arithmetic3A_260 = arith.shrsi %bitcast_convert_type3A, %shift_right_arithmetic3A_259 : vector<16xi32>
      %sub3A = arith.constant 1597463007 : i32
      %sub3A_261 = vector.broadcast %sub3A : i32 to vector<16xi32>
      %sub3A_262 = arith.subi %sub3A_261, %shift_right_arithmetic3A_260 : vector<16xi32>
      %bitcast_convert_type3A_263 = tpu.bitcast %sub3A_262 : vector<16xi32> -> vector<16xf32>
      %mul3A_264 = arith.constant 5.000000e-01 : f32
      %mul3A_265 = vector.broadcast %mul3A_264 : f32 to vector<16xf32>
      %mul3A_266 = arith.mulf %mul3A_265, %max3A_258 : vector<16xf32>
      %mul3A_267 = arith.mulf %mul3A_266, %bitcast_convert_type3A_263 : vector<16xf32>
      %mul3A_268 = arith.mulf %mul3A_267, %bitcast_convert_type3A_263 : vector<16xf32>
      %sub3A_269 = arith.constant 1.500000e+00 : f32
      %sub3A_270 = vector.broadcast %sub3A_269 : f32 to vector<16xf32>
      %sub3A_271 = arith.subf %sub3A_270, %mul3A_268 : vector<16xf32>
      %mul3A_272 = arith.mulf %bitcast_convert_type3A_263, %sub3A_271 : vector<16xf32>
      %mul3A_273 = arith.constant 5.000000e-01 : f32
      %mul3A_274 = vector.broadcast %mul3A_273 : f32 to vector<16xf32>
      %mul3A_275 = arith.mulf %mul3A_274, %max3A_258 : vector<16xf32>
      %mul3A_276 = arith.mulf %mul3A_275, %mul3A_272 : vector<16xf32>
      %mul3A_277 = arith.mulf %mul3A_276, %mul3A_272 : vector<16xf32>
      %sub3A_278 = arith.constant 1.500000e+00 : f32
      %sub3A_279 = vector.broadcast %sub3A_278 : f32 to vector<16xf32>
      %sub3A_280 = arith.subf %sub3A_279, %mul3A_277 : vector<16xf32>
      %mul3A_281 = arith.mulf %mul3A_272, %sub3A_280 : vector<16xf32>
      %mul3A_282 = arith.constant 5.000000e-01 : f32
      %mul3A_283 = vector.broadcast %mul3A_282 : f32 to vector<16xf32>
      %mul3A_284 = arith.mulf %mul3A_283, %max3A_258 : vector<16xf32>
      %mul3A_285 = arith.mulf %mul3A_284, %mul3A_281 : vector<16xf32>
      %mul3A_286 = arith.mulf %mul3A_285, %mul3A_281 : vector<16xf32>
      %sub3A_287 = arith.constant 1.500000e+00 : f32
      %sub3A_288 = vector.broadcast %sub3A_287 : f32 to vector<16xf32>
      %sub3A_289 = arith.subf %sub3A_288, %mul3A_286 : vector<16xf32>
      %mul3A_290 = arith.mulf %mul3A_281, %sub3A_289 : vector<16xf32>
      %max3A_291 = arith.constant 1.000000e-24 : f32
      %max3A_292 = vector.broadcast %max3A_291 : f32 to vector<16xf32>
      %max3A_293 = arith.maximumf %scan3A_255#1, %max3A_292 : vector<16xf32>
      %bitcast_convert_type3A_294 = tpu.bitcast %max3A_293 : vector<16xf32> -> vector<16xi32>
      %shift_right_arithmetic3A_295 = arith.constant 1 : i32
      %shift_right_arithmetic3A_296 = vector.broadcast %shift_right_arithmetic3A_295 : i32 to vector<16xi32>
      %shift_right_arithmetic3A_297 = arith.shrsi %bitcast_convert_type3A_294, %shift_right_arithmetic3A_296 : vector<16xi32>
      %sub3A_298 = arith.constant 1597463007 : i32
      %sub3A_299 = vector.broadcast %sub3A_298 : i32 to vector<16xi32>
      %sub3A_300 = arith.subi %sub3A_299, %shift_right_arithmetic3A_297 : vector<16xi32>
      %bitcast_convert_type3A_301 = tpu.bitcast %sub3A_300 : vector<16xi32> -> vector<16xf32>
      %mul3A_302 = arith.constant 5.000000e-01 : f32
      %mul3A_303 = vector.broadcast %mul3A_302 : f32 to vector<16xf32>
      %mul3A_304 = arith.mulf %mul3A_303, %max3A_293 : vector<16xf32>
      %mul3A_305 = arith.mulf %mul3A_304, %bitcast_convert_type3A_301 : vector<16xf32>
      %mul3A_306 = arith.mulf %mul3A_305, %bitcast_convert_type3A_301 : vector<16xf32>
      %sub3A_307 = arith.constant 1.500000e+00 : f32
      %sub3A_308 = vector.broadcast %sub3A_307 : f32 to vector<16xf32>
      %sub3A_309 = arith.subf %sub3A_308, %mul3A_306 : vector<16xf32>
      %mul3A_310 = arith.mulf %bitcast_convert_type3A_301, %sub3A_309 : vector<16xf32>
      %mul3A_311 = arith.constant 5.000000e-01 : f32
      %mul3A_312 = vector.broadcast %mul3A_311 : f32 to vector<16xf32>
      %mul3A_313 = arith.mulf %mul3A_312, %max3A_293 : vector<16xf32>
      %mul3A_314 = arith.mulf %mul3A_313, %mul3A_310 : vector<16xf32>
      %mul3A_315 = arith.mulf %mul3A_314, %mul3A_310 : vector<16xf32>
      %sub3A_316 = arith.constant 1.500000e+00 : f32
      %sub3A_317 = vector.broadcast %sub3A_316 : f32 to vector<16xf32>
      %sub3A_318 = arith.subf %sub3A_317, %mul3A_315 : vector<16xf32>
      %mul3A_319 = arith.mulf %mul3A_310, %sub3A_318 : vector<16xf32>
      %mul3A_320 = arith.constant 5.000000e-01 : f32
      %mul3A_321 = vector.broadcast %mul3A_320 : f32 to vector<16xf32>
      %mul3A_322 = arith.mulf %mul3A_321, %max3A_293 : vector<16xf32>
      %mul3A_323 = arith.mulf %mul3A_322, %mul3A_319 : vector<16xf32>
      %mul3A_324 = arith.mulf %mul3A_323, %mul3A_319 : vector<16xf32>
      %sub3A_325 = arith.constant 1.500000e+00 : f32
      %sub3A_326 = vector.broadcast %sub3A_325 : f32 to vector<16xf32>
      %sub3A_327 = arith.subf %sub3A_326, %mul3A_324 : vector<16xf32>
      %mul3A_328 = arith.mulf %mul3A_319, %sub3A_327 : vector<16xf32>
      %mul3A_329 = arith.mulf %scan3A_255#2, %mul3A_290 : vector<16xf32>
      %mul3A_330 = arith.mulf %mul3A_329, %mul3A_328 : vector<16xf32>
      %sub3A_331 = arith.constant 1.000000e+00 : f32
      %sub3A_332 = vector.broadcast %sub3A_331 : f32 to vector<16xf32>
      %sub3A_333 = arith.subf %sub3A_332, %mul3A_330 : vector<16xf32>
      %max3A_334 = arith.constant 0.000000e+00 : f32
      %max3A_335 = vector.broadcast %max3A_334 : f32 to vector<16xf32>
      %max3A_336 = arith.maximumf %sub3A_333, %max3A_335 : vector<16xf32>
      %add3A_337 = arith.addf %scan3A_131, %max3A_336 : vector<16xf32>
      %max3A_338 = arith.constant 1.000000e-24 : f32
      %max3A_339 = vector.broadcast %max3A_338 : f32 to vector<16xf32>
      %max3A_340 = arith.maximumf %scan3A_255#3, %max3A_339 : vector<16xf32>
      %bitcast_convert_type3A_341 = tpu.bitcast %max3A_340 : vector<16xf32> -> vector<16xi32>
      %shift_right_arithmetic3A_342 = arith.constant 1 : i32
      %shift_right_arithmetic3A_343 = vector.broadcast %shift_right_arithmetic3A_342 : i32 to vector<16xi32>
      %shift_right_arithmetic3A_344 = arith.shrsi %bitcast_convert_type3A_341, %shift_right_arithmetic3A_343 : vector<16xi32>
      %sub3A_345 = arith.constant 1597463007 : i32
      %sub3A_346 = vector.broadcast %sub3A_345 : i32 to vector<16xi32>
      %sub3A_347 = arith.subi %sub3A_346, %shift_right_arithmetic3A_344 : vector<16xi32>
      %bitcast_convert_type3A_348 = tpu.bitcast %sub3A_347 : vector<16xi32> -> vector<16xf32>
      %mul3A_349 = arith.constant 5.000000e-01 : f32
      %mul3A_350 = vector.broadcast %mul3A_349 : f32 to vector<16xf32>
      %mul3A_351 = arith.mulf %mul3A_350, %max3A_340 : vector<16xf32>
      %mul3A_352 = arith.mulf %mul3A_351, %bitcast_convert_type3A_348 : vector<16xf32>
      %mul3A_353 = arith.mulf %mul3A_352, %bitcast_convert_type3A_348 : vector<16xf32>
      %sub3A_354 = arith.constant 1.500000e+00 : f32
      %sub3A_355 = vector.broadcast %sub3A_354 : f32 to vector<16xf32>
      %sub3A_356 = arith.subf %sub3A_355, %mul3A_353 : vector<16xf32>
      %mul3A_357 = arith.mulf %bitcast_convert_type3A_348, %sub3A_356 : vector<16xf32>
      %mul3A_358 = arith.constant 5.000000e-01 : f32
      %mul3A_359 = vector.broadcast %mul3A_358 : f32 to vector<16xf32>
      %mul3A_360 = arith.mulf %mul3A_359, %max3A_340 : vector<16xf32>
      %mul3A_361 = arith.mulf %mul3A_360, %mul3A_357 : vector<16xf32>
      %mul3A_362 = arith.mulf %mul3A_361, %mul3A_357 : vector<16xf32>
      %sub3A_363 = arith.constant 1.500000e+00 : f32
      %sub3A_364 = vector.broadcast %sub3A_363 : f32 to vector<16xf32>
      %sub3A_365 = arith.subf %sub3A_364, %mul3A_362 : vector<16xf32>
      %mul3A_366 = arith.mulf %mul3A_357, %sub3A_365 : vector<16xf32>
      %mul3A_367 = arith.constant 5.000000e-01 : f32
      %mul3A_368 = vector.broadcast %mul3A_367 : f32 to vector<16xf32>
      %mul3A_369 = arith.mulf %mul3A_368, %max3A_340 : vector<16xf32>
      %mul3A_370 = arith.mulf %mul3A_369, %mul3A_366 : vector<16xf32>
      %mul3A_371 = arith.mulf %mul3A_370, %mul3A_366 : vector<16xf32>
      %sub3A_372 = arith.constant 1.500000e+00 : f32
      %sub3A_373 = vector.broadcast %sub3A_372 : f32 to vector<16xf32>
      %sub3A_374 = arith.subf %sub3A_373, %mul3A_371 : vector<16xf32>
      %mul3A_375 = arith.mulf %mul3A_366, %sub3A_374 : vector<16xf32>
      %mul3A_376 = arith.mulf %scan3A_255#13, %mul3A_290 : vector<16xf32>
      %mul3A_377 = arith.mulf %mul3A_376, %mul3A_375 : vector<16xf32>
      %sub3A_378 = arith.constant 8.000000e-01 : f32
      %sub3A_379 = vector.broadcast %sub3A_378 : f32 to vector<16xf32>
      %sub3A_380 = arith.subf %mul3A_377, %sub3A_379 : vector<16xf32>
      %max3A_381 = arith.constant 0.000000e+00 : f32
      %max3A_382 = vector.broadcast %max3A_381 : f32 to vector<16xf32>
      %max3A_383 = arith.maximumf %sub3A_380, %max3A_382 : vector<16xf32>
      %add3A_384 = arith.addf %scan3A_132, %max3A_383 : vector<16xf32>
      %max3A_385 = arith.constant 1.000000e-24 : f32
      %max3A_386 = vector.broadcast %max3A_385 : f32 to vector<16xf32>
      %max3A_387 = arith.maximumf %scan3A_255#4, %max3A_386 : vector<16xf32>
      %bitcast_convert_type3A_388 = tpu.bitcast %max3A_387 : vector<16xf32> -> vector<16xi32>
      %shift_right_arithmetic3A_389 = arith.constant 1 : i32
      %shift_right_arithmetic3A_390 = vector.broadcast %shift_right_arithmetic3A_389 : i32 to vector<16xi32>
      %shift_right_arithmetic3A_391 = arith.shrsi %bitcast_convert_type3A_388, %shift_right_arithmetic3A_390 : vector<16xi32>
      %sub3A_392 = arith.constant 1597463007 : i32
      %sub3A_393 = vector.broadcast %sub3A_392 : i32 to vector<16xi32>
      %sub3A_394 = arith.subi %sub3A_393, %shift_right_arithmetic3A_391 : vector<16xi32>
      %bitcast_convert_type3A_395 = tpu.bitcast %sub3A_394 : vector<16xi32> -> vector<16xf32>
      %mul3A_396 = arith.constant 5.000000e-01 : f32
      %mul3A_397 = vector.broadcast %mul3A_396 : f32 to vector<16xf32>
      %mul3A_398 = arith.mulf %mul3A_397, %max3A_387 : vector<16xf32>
      %mul3A_399 = arith.mulf %mul3A_398, %bitcast_convert_type3A_395 : vector<16xf32>
      %mul3A_400 = arith.mulf %mul3A_399, %bitcast_convert_type3A_395 : vector<16xf32>
      %sub3A_401 = arith.constant 1.500000e+00 : f32
      %sub3A_402 = vector.broadcast %sub3A_401 : f32 to vector<16xf32>
      %sub3A_403 = arith.subf %sub3A_402, %mul3A_400 : vector<16xf32>
      %mul3A_404 = arith.mulf %bitcast_convert_type3A_395, %sub3A_403 : vector<16xf32>
      %mul3A_405 = arith.constant 5.000000e-01 : f32
      %mul3A_406 = vector.broadcast %mul3A_405 : f32 to vector<16xf32>
      %mul3A_407 = arith.mulf %mul3A_406, %max3A_387 : vector<16xf32>
      %mul3A_408 = arith.mulf %mul3A_407, %mul3A_404 : vector<16xf32>
      %mul3A_409 = arith.mulf %mul3A_408, %mul3A_404 : vector<16xf32>
      %sub3A_410 = arith.constant 1.500000e+00 : f32
      %sub3A_411 = vector.broadcast %sub3A_410 : f32 to vector<16xf32>
      %sub3A_412 = arith.subf %sub3A_411, %mul3A_409 : vector<16xf32>
      %mul3A_413 = arith.mulf %mul3A_404, %sub3A_412 : vector<16xf32>
      %mul3A_414 = arith.constant 5.000000e-01 : f32
      %mul3A_415 = vector.broadcast %mul3A_414 : f32 to vector<16xf32>
      %mul3A_416 = arith.mulf %mul3A_415, %max3A_387 : vector<16xf32>
      %mul3A_417 = arith.mulf %mul3A_416, %mul3A_413 : vector<16xf32>
      %mul3A_418 = arith.mulf %mul3A_417, %mul3A_413 : vector<16xf32>
      %sub3A_419 = arith.constant 1.500000e+00 : f32
      %sub3A_420 = vector.broadcast %sub3A_419 : f32 to vector<16xf32>
      %sub3A_421 = arith.subf %sub3A_420, %mul3A_418 : vector<16xf32>
      %mul3A_422 = arith.mulf %mul3A_413, %sub3A_421 : vector<16xf32>
      %mul3A_423 = arith.mulf %scan3A_255#14, %mul3A_290 : vector<16xf32>
      %mul3A_424 = arith.mulf %mul3A_423, %mul3A_422 : vector<16xf32>
      %sub3A_425 = arith.constant 8.000000e-01 : f32
      %sub3A_426 = vector.broadcast %sub3A_425 : f32 to vector<16xf32>
      %sub3A_427 = arith.subf %mul3A_424, %sub3A_426 : vector<16xf32>
      %max3A_428 = arith.constant 0.000000e+00 : f32
      %max3A_429 = vector.broadcast %max3A_428 : f32 to vector<16xf32>
      %max3A_430 = arith.maximumf %sub3A_427, %max3A_429 : vector<16xf32>
      %add3A_431 = arith.addf %add3A_384, %max3A_430 : vector<16xf32>
      %max3A_432 = arith.constant 1.000000e-24 : f32
      %max3A_433 = vector.broadcast %max3A_432 : f32 to vector<16xf32>
      %max3A_434 = arith.maximumf %scan3A_255#5, %max3A_433 : vector<16xf32>
      %bitcast_convert_type3A_435 = tpu.bitcast %max3A_434 : vector<16xf32> -> vector<16xi32>
      %shift_right_arithmetic3A_436 = arith.constant 1 : i32
      %shift_right_arithmetic3A_437 = vector.broadcast %shift_right_arithmetic3A_436 : i32 to vector<16xi32>
      %shift_right_arithmetic3A_438 = arith.shrsi %bitcast_convert_type3A_435, %shift_right_arithmetic3A_437 : vector<16xi32>
      %sub3A_439 = arith.constant 1597463007 : i32
      %sub3A_440 = vector.broadcast %sub3A_439 : i32 to vector<16xi32>
      %sub3A_441 = arith.subi %sub3A_440, %shift_right_arithmetic3A_438 : vector<16xi32>
      %bitcast_convert_type3A_442 = tpu.bitcast %sub3A_441 : vector<16xi32> -> vector<16xf32>
      %mul3A_443 = arith.constant 5.000000e-01 : f32
      %mul3A_444 = vector.broadcast %mul3A_443 : f32 to vector<16xf32>
      %mul3A_445 = arith.mulf %mul3A_444, %max3A_434 : vector<16xf32>
      %mul3A_446 = arith.mulf %mul3A_445, %bitcast_convert_type3A_442 : vector<16xf32>
      %mul3A_447 = arith.mulf %mul3A_446, %bitcast_convert_type3A_442 : vector<16xf32>
      %sub3A_448 = arith.constant 1.500000e+00 : f32
      %sub3A_449 = vector.broadcast %sub3A_448 : f32 to vector<16xf32>
      %sub3A_450 = arith.subf %sub3A_449, %mul3A_447 : vector<16xf32>
      %mul3A_451 = arith.mulf %bitcast_convert_type3A_442, %sub3A_450 : vector<16xf32>
      %mul3A_452 = arith.constant 5.000000e-01 : f32
      %mul3A_453 = vector.broadcast %mul3A_452 : f32 to vector<16xf32>
      %mul3A_454 = arith.mulf %mul3A_453, %max3A_434 : vector<16xf32>
      %mul3A_455 = arith.mulf %mul3A_454, %mul3A_451 : vector<16xf32>
      %mul3A_456 = arith.mulf %mul3A_455, %mul3A_451 : vector<16xf32>
      %sub3A_457 = arith.constant 1.500000e+00 : f32
      %sub3A_458 = vector.broadcast %sub3A_457 : f32 to vector<16xf32>
      %sub3A_459 = arith.subf %sub3A_458, %mul3A_456 : vector<16xf32>
      %mul3A_460 = arith.mulf %mul3A_451, %sub3A_459 : vector<16xf32>
      %mul3A_461 = arith.constant 5.000000e-01 : f32
      %mul3A_462 = vector.broadcast %mul3A_461 : f32 to vector<16xf32>
      %mul3A_463 = arith.mulf %mul3A_462, %max3A_434 : vector<16xf32>
      %mul3A_464 = arith.mulf %mul3A_463, %mul3A_460 : vector<16xf32>
      %mul3A_465 = arith.mulf %mul3A_464, %mul3A_460 : vector<16xf32>
      %sub3A_466 = arith.constant 1.500000e+00 : f32
      %sub3A_467 = vector.broadcast %sub3A_466 : f32 to vector<16xf32>
      %sub3A_468 = arith.subf %sub3A_467, %mul3A_465 : vector<16xf32>
      %mul3A_469 = arith.mulf %mul3A_460, %sub3A_468 : vector<16xf32>
      %mul3A_470 = arith.mulf %scan3A_255#15, %mul3A_290 : vector<16xf32>
      %mul3A_471 = arith.mulf %mul3A_470, %mul3A_469 : vector<16xf32>
      %sub3A_472 = arith.constant 8.000000e-01 : f32
      %sub3A_473 = vector.broadcast %sub3A_472 : f32 to vector<16xf32>
      %sub3A_474 = arith.subf %mul3A_471, %sub3A_473 : vector<16xf32>
      %max3A_475 = arith.constant 0.000000e+00 : f32
      %max3A_476 = vector.broadcast %max3A_475 : f32 to vector<16xf32>
      %max3A_477 = arith.maximumf %sub3A_474, %max3A_476 : vector<16xf32>
      %add3A_478 = arith.addf %add3A_431, %max3A_477 : vector<16xf32>
      %max3A_479 = arith.constant 1.000000e-24 : f32
      %max3A_480 = vector.broadcast %max3A_479 : f32 to vector<16xf32>
      %max3A_481 = arith.maximumf %scan3A_255#6, %max3A_480 : vector<16xf32>
      %bitcast_convert_type3A_482 = tpu.bitcast %max3A_481 : vector<16xf32> -> vector<16xi32>
      %shift_right_arithmetic3A_483 = arith.constant 1 : i32
      %shift_right_arithmetic3A_484 = vector.broadcast %shift_right_arithmetic3A_483 : i32 to vector<16xi32>
      %shift_right_arithmetic3A_485 = arith.shrsi %bitcast_convert_type3A_482, %shift_right_arithmetic3A_484 : vector<16xi32>
      %sub3A_486 = arith.constant 1597463007 : i32
      %sub3A_487 = vector.broadcast %sub3A_486 : i32 to vector<16xi32>
      %sub3A_488 = arith.subi %sub3A_487, %shift_right_arithmetic3A_485 : vector<16xi32>
      %bitcast_convert_type3A_489 = tpu.bitcast %sub3A_488 : vector<16xi32> -> vector<16xf32>
      %mul3A_490 = arith.constant 5.000000e-01 : f32
      %mul3A_491 = vector.broadcast %mul3A_490 : f32 to vector<16xf32>
      %mul3A_492 = arith.mulf %mul3A_491, %max3A_481 : vector<16xf32>
      %mul3A_493 = arith.mulf %mul3A_492, %bitcast_convert_type3A_489 : vector<16xf32>
      %mul3A_494 = arith.mulf %mul3A_493, %bitcast_convert_type3A_489 : vector<16xf32>
      %sub3A_495 = arith.constant 1.500000e+00 : f32
      %sub3A_496 = vector.broadcast %sub3A_495 : f32 to vector<16xf32>
      %sub3A_497 = arith.subf %sub3A_496, %mul3A_494 : vector<16xf32>
      %mul3A_498 = arith.mulf %bitcast_convert_type3A_489, %sub3A_497 : vector<16xf32>
      %mul3A_499 = arith.constant 5.000000e-01 : f32
      %mul3A_500 = vector.broadcast %mul3A_499 : f32 to vector<16xf32>
      %mul3A_501 = arith.mulf %mul3A_500, %max3A_481 : vector<16xf32>
      %mul3A_502 = arith.mulf %mul3A_501, %mul3A_498 : vector<16xf32>
      %mul3A_503 = arith.mulf %mul3A_502, %mul3A_498 : vector<16xf32>
      %sub3A_504 = arith.constant 1.500000e+00 : f32
      %sub3A_505 = vector.broadcast %sub3A_504 : f32 to vector<16xf32>
      %sub3A_506 = arith.subf %sub3A_505, %mul3A_503 : vector<16xf32>
      %mul3A_507 = arith.mulf %mul3A_498, %sub3A_506 : vector<16xf32>
      %mul3A_508 = arith.constant 5.000000e-01 : f32
      %mul3A_509 = vector.broadcast %mul3A_508 : f32 to vector<16xf32>
      %mul3A_510 = arith.mulf %mul3A_509, %max3A_481 : vector<16xf32>
      %mul3A_511 = arith.mulf %mul3A_510, %mul3A_507 : vector<16xf32>
      %mul3A_512 = arith.mulf %mul3A_511, %mul3A_507 : vector<16xf32>
      %sub3A_513 = arith.constant 1.500000e+00 : f32
      %sub3A_514 = vector.broadcast %sub3A_513 : f32 to vector<16xf32>
      %sub3A_515 = arith.subf %sub3A_514, %mul3A_512 : vector<16xf32>
      %mul3A_516 = arith.mulf %mul3A_507, %sub3A_515 : vector<16xf32>
      %mul3A_517 = arith.mulf %scan3A_255#16, %mul3A_290 : vector<16xf32>
      %mul3A_518 = arith.mulf %mul3A_517, %mul3A_516 : vector<16xf32>
      %sub3A_519 = arith.constant 8.000000e-01 : f32
      %sub3A_520 = vector.broadcast %sub3A_519 : f32 to vector<16xf32>
      %sub3A_521 = arith.subf %mul3A_518, %sub3A_520 : vector<16xf32>
      %max3A_522 = arith.constant 0.000000e+00 : f32
      %max3A_523 = vector.broadcast %max3A_522 : f32 to vector<16xf32>
      %max3A_524 = arith.maximumf %sub3A_521, %max3A_523 : vector<16xf32>
      %add3A_525 = arith.addf %add3A_478, %max3A_524 : vector<16xf32>
      %max3A_526 = arith.constant 1.000000e-24 : f32
      %max3A_527 = vector.broadcast %max3A_526 : f32 to vector<16xf32>
      %max3A_528 = arith.maximumf %scan3A_255#7, %max3A_527 : vector<16xf32>
      %bitcast_convert_type3A_529 = tpu.bitcast %max3A_528 : vector<16xf32> -> vector<16xi32>
      %shift_right_arithmetic3A_530 = arith.constant 1 : i32
      %shift_right_arithmetic3A_531 = vector.broadcast %shift_right_arithmetic3A_530 : i32 to vector<16xi32>
      %shift_right_arithmetic3A_532 = arith.shrsi %bitcast_convert_type3A_529, %shift_right_arithmetic3A_531 : vector<16xi32>
      %sub3A_533 = arith.constant 1597463007 : i32
      %sub3A_534 = vector.broadcast %sub3A_533 : i32 to vector<16xi32>
      %sub3A_535 = arith.subi %sub3A_534, %shift_right_arithmetic3A_532 : vector<16xi32>
      %bitcast_convert_type3A_536 = tpu.bitcast %sub3A_535 : vector<16xi32> -> vector<16xf32>
      %mul3A_537 = arith.constant 5.000000e-01 : f32
      %mul3A_538 = vector.broadcast %mul3A_537 : f32 to vector<16xf32>
      %mul3A_539 = arith.mulf %mul3A_538, %max3A_528 : vector<16xf32>
      %mul3A_540 = arith.mulf %mul3A_539, %bitcast_convert_type3A_536 : vector<16xf32>
      %mul3A_541 = arith.mulf %mul3A_540, %bitcast_convert_type3A_536 : vector<16xf32>
      %sub3A_542 = arith.constant 1.500000e+00 : f32
      %sub3A_543 = vector.broadcast %sub3A_542 : f32 to vector<16xf32>
      %sub3A_544 = arith.subf %sub3A_543, %mul3A_541 : vector<16xf32>
      %mul3A_545 = arith.mulf %bitcast_convert_type3A_536, %sub3A_544 : vector<16xf32>
      %mul3A_546 = arith.constant 5.000000e-01 : f32
      %mul3A_547 = vector.broadcast %mul3A_546 : f32 to vector<16xf32>
      %mul3A_548 = arith.mulf %mul3A_547, %max3A_528 : vector<16xf32>
      %mul3A_549 = arith.mulf %mul3A_548, %mul3A_545 : vector<16xf32>
      %mul3A_550 = arith.mulf %mul3A_549, %mul3A_545 : vector<16xf32>
      %sub3A_551 = arith.constant 1.500000e+00 : f32
      %sub3A_552 = vector.broadcast %sub3A_551 : f32 to vector<16xf32>
      %sub3A_553 = arith.subf %sub3A_552, %mul3A_550 : vector<16xf32>
      %mul3A_554 = arith.mulf %mul3A_545, %sub3A_553 : vector<16xf32>
      %mul3A_555 = arith.constant 5.000000e-01 : f32
      %mul3A_556 = vector.broadcast %mul3A_555 : f32 to vector<16xf32>
      %mul3A_557 = arith.mulf %mul3A_556, %max3A_528 : vector<16xf32>
      %mul3A_558 = arith.mulf %mul3A_557, %mul3A_554 : vector<16xf32>
      %mul3A_559 = arith.mulf %mul3A_558, %mul3A_554 : vector<16xf32>
      %sub3A_560 = arith.constant 1.500000e+00 : f32
      %sub3A_561 = vector.broadcast %sub3A_560 : f32 to vector<16xf32>
      %sub3A_562 = arith.subf %sub3A_561, %mul3A_559 : vector<16xf32>
      %mul3A_563 = arith.mulf %mul3A_554, %sub3A_562 : vector<16xf32>
      %mul3A_564 = arith.mulf %scan3A_255#17, %mul3A_290 : vector<16xf32>
      %mul3A_565 = arith.mulf %mul3A_564, %mul3A_563 : vector<16xf32>
      %sub3A_566 = arith.constant 8.000000e-01 : f32
      %sub3A_567 = vector.broadcast %sub3A_566 : f32 to vector<16xf32>
      %sub3A_568 = arith.subf %mul3A_565, %sub3A_567 : vector<16xf32>
      %max3A_569 = arith.constant 0.000000e+00 : f32
      %max3A_570 = vector.broadcast %max3A_569 : f32 to vector<16xf32>
      %max3A_571 = arith.maximumf %sub3A_568, %max3A_570 : vector<16xf32>
      %add3A_572 = arith.addf %add3A_525, %max3A_571 : vector<16xf32>
      %max3A_573 = arith.constant 1.000000e-24 : f32
      %max3A_574 = vector.broadcast %max3A_573 : f32 to vector<16xf32>
      %max3A_575 = arith.maximumf %scan3A_255#8, %max3A_574 : vector<16xf32>
      %bitcast_convert_type3A_576 = tpu.bitcast %max3A_575 : vector<16xf32> -> vector<16xi32>
      %shift_right_arithmetic3A_577 = arith.constant 1 : i32
      %shift_right_arithmetic3A_578 = vector.broadcast %shift_right_arithmetic3A_577 : i32 to vector<16xi32>
      %shift_right_arithmetic3A_579 = arith.shrsi %bitcast_convert_type3A_576, %shift_right_arithmetic3A_578 : vector<16xi32>
      %sub3A_580 = arith.constant 1597463007 : i32
      %sub3A_581 = vector.broadcast %sub3A_580 : i32 to vector<16xi32>
      %sub3A_582 = arith.subi %sub3A_581, %shift_right_arithmetic3A_579 : vector<16xi32>
      %bitcast_convert_type3A_583 = tpu.bitcast %sub3A_582 : vector<16xi32> -> vector<16xf32>
      %mul3A_584 = arith.constant 5.000000e-01 : f32
      %mul3A_585 = vector.broadcast %mul3A_584 : f32 to vector<16xf32>
      %mul3A_586 = arith.mulf %mul3A_585, %max3A_575 : vector<16xf32>
      %mul3A_587 = arith.mulf %mul3A_586, %bitcast_convert_type3A_583 : vector<16xf32>
      %mul3A_588 = arith.mulf %mul3A_587, %bitcast_convert_type3A_583 : vector<16xf32>
      %sub3A_589 = arith.constant 1.500000e+00 : f32
      %sub3A_590 = vector.broadcast %sub3A_589 : f32 to vector<16xf32>
      %sub3A_591 = arith.subf %sub3A_590, %mul3A_588 : vector<16xf32>
      %mul3A_592 = arith.mulf %bitcast_convert_type3A_583, %sub3A_591 : vector<16xf32>
      %mul3A_593 = arith.constant 5.000000e-01 : f32
      %mul3A_594 = vector.broadcast %mul3A_593 : f32 to vector<16xf32>
      %mul3A_595 = arith.mulf %mul3A_594, %max3A_575 : vector<16xf32>
      %mul3A_596 = arith.mulf %mul3A_595, %mul3A_592 : vector<16xf32>
      %mul3A_597 = arith.mulf %mul3A_596, %mul3A_592 : vector<16xf32>
      %sub3A_598 = arith.constant 1.500000e+00 : f32
      %sub3A_599 = vector.broadcast %sub3A_598 : f32 to vector<16xf32>
      %sub3A_600 = arith.subf %sub3A_599, %mul3A_597 : vector<16xf32>
      %mul3A_601 = arith.mulf %mul3A_592, %sub3A_600 : vector<16xf32>
      %mul3A_602 = arith.constant 5.000000e-01 : f32
      %mul3A_603 = vector.broadcast %mul3A_602 : f32 to vector<16xf32>
      %mul3A_604 = arith.mulf %mul3A_603, %max3A_575 : vector<16xf32>
      %mul3A_605 = arith.mulf %mul3A_604, %mul3A_601 : vector<16xf32>
      %mul3A_606 = arith.mulf %mul3A_605, %mul3A_601 : vector<16xf32>
      %sub3A_607 = arith.constant 1.500000e+00 : f32
      %sub3A_608 = vector.broadcast %sub3A_607 : f32 to vector<16xf32>
      %sub3A_609 = arith.subf %sub3A_608, %mul3A_606 : vector<16xf32>
      %mul3A_610 = arith.mulf %mul3A_601, %sub3A_609 : vector<16xf32>
      %mul3A_611 = arith.mulf %scan3A_255#18, %mul3A_290 : vector<16xf32>
      %mul3A_612 = arith.mulf %mul3A_611, %mul3A_610 : vector<16xf32>
      %sub3A_613 = arith.constant 8.000000e-01 : f32
      %sub3A_614 = vector.broadcast %sub3A_613 : f32 to vector<16xf32>
      %sub3A_615 = arith.subf %mul3A_612, %sub3A_614 : vector<16xf32>
      %max3A_616 = arith.constant 0.000000e+00 : f32
      %max3A_617 = vector.broadcast %max3A_616 : f32 to vector<16xf32>
      %max3A_618 = arith.maximumf %sub3A_615, %max3A_617 : vector<16xf32>
      %add3A_619 = arith.addf %add3A_572, %max3A_618 : vector<16xf32>
      %max3A_620 = arith.constant 1.000000e-24 : f32
      %max3A_621 = vector.broadcast %max3A_620 : f32 to vector<16xf32>
      %max3A_622 = arith.maximumf %scan3A_255#9, %max3A_621 : vector<16xf32>
      %bitcast_convert_type3A_623 = tpu.bitcast %max3A_622 : vector<16xf32> -> vector<16xi32>
      %shift_right_arithmetic3A_624 = arith.constant 1 : i32
      %shift_right_arithmetic3A_625 = vector.broadcast %shift_right_arithmetic3A_624 : i32 to vector<16xi32>
      %shift_right_arithmetic3A_626 = arith.shrsi %bitcast_convert_type3A_623, %shift_right_arithmetic3A_625 : vector<16xi32>
      %sub3A_627 = arith.constant 1597463007 : i32
      %sub3A_628 = vector.broadcast %sub3A_627 : i32 to vector<16xi32>
      %sub3A_629 = arith.subi %sub3A_628, %shift_right_arithmetic3A_626 : vector<16xi32>
      %bitcast_convert_type3A_630 = tpu.bitcast %sub3A_629 : vector<16xi32> -> vector<16xf32>
      %mul3A_631 = arith.constant 5.000000e-01 : f32
      %mul3A_632 = vector.broadcast %mul3A_631 : f32 to vector<16xf32>
      %mul3A_633 = arith.mulf %mul3A_632, %max3A_622 : vector<16xf32>
      %mul3A_634 = arith.mulf %mul3A_633, %bitcast_convert_type3A_630 : vector<16xf32>
      %mul3A_635 = arith.mulf %mul3A_634, %bitcast_convert_type3A_630 : vector<16xf32>
      %sub3A_636 = arith.constant 1.500000e+00 : f32
      %sub3A_637 = vector.broadcast %sub3A_636 : f32 to vector<16xf32>
      %sub3A_638 = arith.subf %sub3A_637, %mul3A_635 : vector<16xf32>
      %mul3A_639 = arith.mulf %bitcast_convert_type3A_630, %sub3A_638 : vector<16xf32>
      %mul3A_640 = arith.constant 5.000000e-01 : f32
      %mul3A_641 = vector.broadcast %mul3A_640 : f32 to vector<16xf32>
      %mul3A_642 = arith.mulf %mul3A_641, %max3A_622 : vector<16xf32>
      %mul3A_643 = arith.mulf %mul3A_642, %mul3A_639 : vector<16xf32>
      %mul3A_644 = arith.mulf %mul3A_643, %mul3A_639 : vector<16xf32>
      %sub3A_645 = arith.constant 1.500000e+00 : f32
      %sub3A_646 = vector.broadcast %sub3A_645 : f32 to vector<16xf32>
      %sub3A_647 = arith.subf %sub3A_646, %mul3A_644 : vector<16xf32>
      %mul3A_648 = arith.mulf %mul3A_639, %sub3A_647 : vector<16xf32>
      %mul3A_649 = arith.constant 5.000000e-01 : f32
      %mul3A_650 = vector.broadcast %mul3A_649 : f32 to vector<16xf32>
      %mul3A_651 = arith.mulf %mul3A_650, %max3A_622 : vector<16xf32>
      %mul3A_652 = arith.mulf %mul3A_651, %mul3A_648 : vector<16xf32>
      %mul3A_653 = arith.mulf %mul3A_652, %mul3A_648 : vector<16xf32>
      %sub3A_654 = arith.constant 1.500000e+00 : f32
      %sub3A_655 = vector.broadcast %sub3A_654 : f32 to vector<16xf32>
      %sub3A_656 = arith.subf %sub3A_655, %mul3A_653 : vector<16xf32>
      %mul3A_657 = arith.mulf %mul3A_648, %sub3A_656 : vector<16xf32>
      %mul3A_658 = arith.mulf %scan3A_255#19, %mul3A_290 : vector<16xf32>
      %mul3A_659 = arith.mulf %mul3A_658, %mul3A_657 : vector<16xf32>
      %sub3A_660 = arith.constant 8.000000e-01 : f32
      %sub3A_661 = vector.broadcast %sub3A_660 : f32 to vector<16xf32>
      %sub3A_662 = arith.subf %mul3A_659, %sub3A_661 : vector<16xf32>
      %max3A_663 = arith.constant 0.000000e+00 : f32
      %max3A_664 = vector.broadcast %max3A_663 : f32 to vector<16xf32>
      %max3A_665 = arith.maximumf %sub3A_662, %max3A_664 : vector<16xf32>
      %add3A_666 = arith.addf %add3A_619, %max3A_665 : vector<16xf32>
      %max3A_667 = arith.constant 1.000000e-24 : f32
      %max3A_668 = vector.broadcast %max3A_667 : f32 to vector<16xf32>
      %max3A_669 = arith.maximumf %scan3A_255#10, %max3A_668 : vector<16xf32>
      %bitcast_convert_type3A_670 = tpu.bitcast %max3A_669 : vector<16xf32> -> vector<16xi32>
      %shift_right_arithmetic3A_671 = arith.constant 1 : i32
      %shift_right_arithmetic3A_672 = vector.broadcast %shift_right_arithmetic3A_671 : i32 to vector<16xi32>
      %shift_right_arithmetic3A_673 = arith.shrsi %bitcast_convert_type3A_670, %shift_right_arithmetic3A_672 : vector<16xi32>
      %sub3A_674 = arith.constant 1597463007 : i32
      %sub3A_675 = vector.broadcast %sub3A_674 : i32 to vector<16xi32>
      %sub3A_676 = arith.subi %sub3A_675, %shift_right_arithmetic3A_673 : vector<16xi32>
      %bitcast_convert_type3A_677 = tpu.bitcast %sub3A_676 : vector<16xi32> -> vector<16xf32>
      %mul3A_678 = arith.constant 5.000000e-01 : f32
      %mul3A_679 = vector.broadcast %mul3A_678 : f32 to vector<16xf32>
      %mul3A_680 = arith.mulf %mul3A_679, %max3A_669 : vector<16xf32>
      %mul3A_681 = arith.mulf %mul3A_680, %bitcast_convert_type3A_677 : vector<16xf32>
      %mul3A_682 = arith.mulf %mul3A_681, %bitcast_convert_type3A_677 : vector<16xf32>
      %sub3A_683 = arith.constant 1.500000e+00 : f32
      %sub3A_684 = vector.broadcast %sub3A_683 : f32 to vector<16xf32>
      %sub3A_685 = arith.subf %sub3A_684, %mul3A_682 : vector<16xf32>
      %mul3A_686 = arith.mulf %bitcast_convert_type3A_677, %sub3A_685 : vector<16xf32>
      %mul3A_687 = arith.constant 5.000000e-01 : f32
      %mul3A_688 = vector.broadcast %mul3A_687 : f32 to vector<16xf32>
      %mul3A_689 = arith.mulf %mul3A_688, %max3A_669 : vector<16xf32>
      %mul3A_690 = arith.mulf %mul3A_689, %mul3A_686 : vector<16xf32>
      %mul3A_691 = arith.mulf %mul3A_690, %mul3A_686 : vector<16xf32>
      %sub3A_692 = arith.constant 1.500000e+00 : f32
      %sub3A_693 = vector.broadcast %sub3A_692 : f32 to vector<16xf32>
      %sub3A_694 = arith.subf %sub3A_693, %mul3A_691 : vector<16xf32>
      %mul3A_695 = arith.mulf %mul3A_686, %sub3A_694 : vector<16xf32>
      %mul3A_696 = arith.constant 5.000000e-01 : f32
      %mul3A_697 = vector.broadcast %mul3A_696 : f32 to vector<16xf32>
      %mul3A_698 = arith.mulf %mul3A_697, %max3A_669 : vector<16xf32>
      %mul3A_699 = arith.mulf %mul3A_698, %mul3A_695 : vector<16xf32>
      %mul3A_700 = arith.mulf %mul3A_699, %mul3A_695 : vector<16xf32>
      %sub3A_701 = arith.constant 1.500000e+00 : f32
      %sub3A_702 = vector.broadcast %sub3A_701 : f32 to vector<16xf32>
      %sub3A_703 = arith.subf %sub3A_702, %mul3A_700 : vector<16xf32>
      %mul3A_704 = arith.mulf %mul3A_695, %sub3A_703 : vector<16xf32>
      %mul3A_705 = arith.mulf %scan3A_255#20, %mul3A_290 : vector<16xf32>
      %mul3A_706 = arith.mulf %mul3A_705, %mul3A_704 : vector<16xf32>
      %sub3A_707 = arith.constant 8.000000e-01 : f32
      %sub3A_708 = vector.broadcast %sub3A_707 : f32 to vector<16xf32>
      %sub3A_709 = arith.subf %mul3A_706, %sub3A_708 : vector<16xf32>
      %max3A_710 = arith.constant 0.000000e+00 : f32
      %max3A_711 = vector.broadcast %max3A_710 : f32 to vector<16xf32>
      %max3A_712 = arith.maximumf %sub3A_709, %max3A_711 : vector<16xf32>
      %add3A_713 = arith.addf %add3A_666, %max3A_712 : vector<16xf32>
      %max3A_714 = arith.constant 1.000000e-24 : f32
      %max3A_715 = vector.broadcast %max3A_714 : f32 to vector<16xf32>
      %max3A_716 = arith.maximumf %scan3A_255#11, %max3A_715 : vector<16xf32>
      %bitcast_convert_type3A_717 = tpu.bitcast %max3A_716 : vector<16xf32> -> vector<16xi32>
      %shift_right_arithmetic3A_718 = arith.constant 1 : i32
      %shift_right_arithmetic3A_719 = vector.broadcast %shift_right_arithmetic3A_718 : i32 to vector<16xi32>
      %shift_right_arithmetic3A_720 = arith.shrsi %bitcast_convert_type3A_717, %shift_right_arithmetic3A_719 : vector<16xi32>
      %sub3A_721 = arith.constant 1597463007 : i32
      %sub3A_722 = vector.broadcast %sub3A_721 : i32 to vector<16xi32>
      %sub3A_723 = arith.subi %sub3A_722, %shift_right_arithmetic3A_720 : vector<16xi32>
      %bitcast_convert_type3A_724 = tpu.bitcast %sub3A_723 : vector<16xi32> -> vector<16xf32>
      %mul3A_725 = arith.constant 5.000000e-01 : f32
      %mul3A_726 = vector.broadcast %mul3A_725 : f32 to vector<16xf32>
      %mul3A_727 = arith.mulf %mul3A_726, %max3A_716 : vector<16xf32>
      %mul3A_728 = arith.mulf %mul3A_727, %bitcast_convert_type3A_724 : vector<16xf32>
      %mul3A_729 = arith.mulf %mul3A_728, %bitcast_convert_type3A_724 : vector<16xf32>
      %sub3A_730 = arith.constant 1.500000e+00 : f32
      %sub3A_731 = vector.broadcast %sub3A_730 : f32 to vector<16xf32>
      %sub3A_732 = arith.subf %sub3A_731, %mul3A_729 : vector<16xf32>
      %mul3A_733 = arith.mulf %bitcast_convert_type3A_724, %sub3A_732 : vector<16xf32>
      %mul3A_734 = arith.constant 5.000000e-01 : f32
      %mul3A_735 = vector.broadcast %mul3A_734 : f32 to vector<16xf32>
      %mul3A_736 = arith.mulf %mul3A_735, %max3A_716 : vector<16xf32>
      %mul3A_737 = arith.mulf %mul3A_736, %mul3A_733 : vector<16xf32>
      %mul3A_738 = arith.mulf %mul3A_737, %mul3A_733 : vector<16xf32>
      %sub3A_739 = arith.constant 1.500000e+00 : f32
      %sub3A_740 = vector.broadcast %sub3A_739 : f32 to vector<16xf32>
      %sub3A_741 = arith.subf %sub3A_740, %mul3A_738 : vector<16xf32>
      %mul3A_742 = arith.mulf %mul3A_733, %sub3A_741 : vector<16xf32>
      %mul3A_743 = arith.constant 5.000000e-01 : f32
      %mul3A_744 = vector.broadcast %mul3A_743 : f32 to vector<16xf32>
      %mul3A_745 = arith.mulf %mul3A_744, %max3A_716 : vector<16xf32>
      %mul3A_746 = arith.mulf %mul3A_745, %mul3A_742 : vector<16xf32>
      %mul3A_747 = arith.mulf %mul3A_746, %mul3A_742 : vector<16xf32>
      %sub3A_748 = arith.constant 1.500000e+00 : f32
      %sub3A_749 = vector.broadcast %sub3A_748 : f32 to vector<16xf32>
      %sub3A_750 = arith.subf %sub3A_749, %mul3A_747 : vector<16xf32>
      %mul3A_751 = arith.mulf %mul3A_742, %sub3A_750 : vector<16xf32>
      %mul3A_752 = arith.mulf %scan3A_255#21, %mul3A_290 : vector<16xf32>
      %mul3A_753 = arith.mulf %mul3A_752, %mul3A_751 : vector<16xf32>
      %sub3A_754 = arith.constant 8.000000e-01 : f32
      %sub3A_755 = vector.broadcast %sub3A_754 : f32 to vector<16xf32>
      %sub3A_756 = arith.subf %mul3A_753, %sub3A_755 : vector<16xf32>
      %max3A_757 = arith.constant 0.000000e+00 : f32
      %max3A_758 = vector.broadcast %max3A_757 : f32 to vector<16xf32>
      %max3A_759 = arith.maximumf %sub3A_756, %max3A_758 : vector<16xf32>
      %add3A_760 = arith.addf %add3A_713, %max3A_759 : vector<16xf32>
      %max3A_761 = arith.constant 1.000000e-24 : f32
      %max3A_762 = vector.broadcast %max3A_761 : f32 to vector<16xf32>
      %max3A_763 = arith.maximumf %scan3A_255#12, %max3A_762 : vector<16xf32>
      %bitcast_convert_type3A_764 = tpu.bitcast %max3A_763 : vector<16xf32> -> vector<16xi32>
      %shift_right_arithmetic3A_765 = arith.constant 1 : i32
      %shift_right_arithmetic3A_766 = vector.broadcast %shift_right_arithmetic3A_765 : i32 to vector<16xi32>
      %shift_right_arithmetic3A_767 = arith.shrsi %bitcast_convert_type3A_764, %shift_right_arithmetic3A_766 : vector<16xi32>
      %sub3A_768 = arith.constant 1597463007 : i32
      %sub3A_769 = vector.broadcast %sub3A_768 : i32 to vector<16xi32>
      %sub3A_770 = arith.subi %sub3A_769, %shift_right_arithmetic3A_767 : vector<16xi32>
      %bitcast_convert_type3A_771 = tpu.bitcast %sub3A_770 : vector<16xi32> -> vector<16xf32>
      %mul3A_772 = arith.constant 5.000000e-01 : f32
      %mul3A_773 = vector.broadcast %mul3A_772 : f32 to vector<16xf32>
      %mul3A_774 = arith.mulf %mul3A_773, %max3A_763 : vector<16xf32>
      %mul3A_775 = arith.mulf %mul3A_774, %bitcast_convert_type3A_771 : vector<16xf32>
      %mul3A_776 = arith.mulf %mul3A_775, %bitcast_convert_type3A_771 : vector<16xf32>
      %sub3A_777 = arith.constant 1.500000e+00 : f32
      %sub3A_778 = vector.broadcast %sub3A_777 : f32 to vector<16xf32>
      %sub3A_779 = arith.subf %sub3A_778, %mul3A_776 : vector<16xf32>
      %mul3A_780 = arith.mulf %bitcast_convert_type3A_771, %sub3A_779 : vector<16xf32>
      %mul3A_781 = arith.constant 5.000000e-01 : f32
      %mul3A_782 = vector.broadcast %mul3A_781 : f32 to vector<16xf32>
      %mul3A_783 = arith.mulf %mul3A_782, %max3A_763 : vector<16xf32>
      %mul3A_784 = arith.mulf %mul3A_783, %mul3A_780 : vector<16xf32>
      %mul3A_785 = arith.mulf %mul3A_784, %mul3A_780 : vector<16xf32>
      %sub3A_786 = arith.constant 1.500000e+00 : f32
      %sub3A_787 = vector.broadcast %sub3A_786 : f32 to vector<16xf32>
      %sub3A_788 = arith.subf %sub3A_787, %mul3A_785 : vector<16xf32>
      %mul3A_789 = arith.mulf %mul3A_780, %sub3A_788 : vector<16xf32>
      %mul3A_790 = arith.constant 5.000000e-01 : f32
      %mul3A_791 = vector.broadcast %mul3A_790 : f32 to vector<16xf32>
      %mul3A_792 = arith.mulf %mul3A_791, %max3A_763 : vector<16xf32>
      %mul3A_793 = arith.mulf %mul3A_792, %mul3A_789 : vector<16xf32>
      %mul3A_794 = arith.mulf %mul3A_793, %mul3A_789 : vector<16xf32>
      %sub3A_795 = arith.constant 1.500000e+00 : f32
      %sub3A_796 = vector.broadcast %sub3A_795 : f32 to vector<16xf32>
      %sub3A_797 = arith.subf %sub3A_796, %mul3A_794 : vector<16xf32>
      %mul3A_798 = arith.mulf %mul3A_789, %sub3A_797 : vector<16xf32>
      %mul3A_799 = arith.mulf %scan3A_255#22, %mul3A_290 : vector<16xf32>
      %mul3A_800 = arith.mulf %mul3A_799, %mul3A_798 : vector<16xf32>
      %sub3A_801 = arith.constant 8.000000e-01 : f32
      %sub3A_802 = vector.broadcast %sub3A_801 : f32 to vector<16xf32>
      %sub3A_803 = arith.subf %mul3A_800, %sub3A_802 : vector<16xf32>
      %max3A_804 = arith.constant 0.000000e+00 : f32
      %max3A_805 = vector.broadcast %max3A_804 : f32 to vector<16xf32>
      %max3A_806 = arith.maximumf %sub3A_803, %max3A_805 : vector<16xf32>
      %add3A_807 = arith.addf %add3A_760, %max3A_806 : vector<16xf32>
      %add3A_808 = arith.constant 1 : i32
      %add3A_809 = arith.addi %scan3A_130, %add3A_808 : i32
      %lt3A = arith.constant 16 : i32
      %lt3A_810 = arith.cmpi slt, %add3A_809, %lt3A : i32
      %convert_element_type3A = arith.extui %lt3A_810 : i1 to i32
      %cond3A = arith.constant 0 : i32
      %cond3A_811 = arith.cmpi ne, %convert_element_type3A, %cond3A : i32
      scf.if %cond3A_811 {
        %add3A_1434 = arith.constant 2 : i32
        %add3A_1435 = arith.addi %mul3A_134, %add3A_1434 : i32
        %mul3A_1436 = arith.constant 16 : i32
        %mul3A_1437 = arith.muli %add3A_1435, %mul3A_1436 : i32
        %multiple_of3A_1438 = tpu.assume_multiple %mul3A_1437, 16 : i32
        %mul3A_1439 = arith.constant 160 : i32
        %mul3A_1440 = arith.muli %add3A_1435, %mul3A_1439 : i32
        %multiple_of3A_1441 = tpu.assume_multiple %mul3A_1440, 80 : i32
        %add3A_1442 = arith.constant 80 : i32
        %add3A_1443 = arith.addi %multiple_of3A_1441, %add3A_1442 : i32
        %dma_start3A_1444 = arith.constant 0 : i32
        %dma_start3A_1445 = arith.constant 0 : i32
        %dma_start3A_1446 = arith.constant 0 : i32
        %dma_start3A_1447 = arith.constant 0 : i32
        %dma_start3A_1448 = tpu.memref_slice %arg11[%dma_start3A_1444, %dma_start3A_1446, %dma_start3A_1447] : memref<2x16x64xf32, #tpu.memory_space<vmem>> -> memref<1x16x64xf32, #tpu.memory_space<vmem>>
        %dma_start3A_1449 = tpu.memref_squeeze %dma_start3A_1448 : memref<1x16x64xf32, #tpu.memory_space<vmem>> -> memref<16x64xf32, #tpu.memory_space<vmem>>
        %dma_start3A_1450 = tpu.memref_slice %arg8[%multiple_of3A_1438] : memref<512xi32, #tpu.memory_space<vmem>> -> memref<16xi32, #tpu.memory_space<vmem>>
        %dma_start3A_1451 = arith.constant 0 : i32
        %dma_start3A_1452 = arith.constant 0 : i32
        %dma_start3A_1453 = tpu.memref_slice %arg5[%dma_start3A_1451, %dma_start3A_1452] : memref<1000001x64xf32, #tpu.memory_space<hbm>> -> memref<1000001x64xf32, #tpu.memory_space<hbm>>
        %dma_start3A_1454 = tpu.memref_slice %arg15[%dma_start3A_1445] : memref<2x!tpu.dma_semaphore, #tpu.memory_space<semaphore_mem>> -> memref<1x!tpu.dma_semaphore, #tpu.memory_space<semaphore_mem>>
        %dma_start3A_1455 = tpu.memref_squeeze %dma_start3A_1454 : memref<1x!tpu.dma_semaphore, #tpu.memory_space<semaphore_mem>> -> memref<!tpu.dma_semaphore, #tpu.memory_space<semaphore_mem>>
        tpu.enqueue_indirect_dma source(%dma_start3A_1453 : memref<1000001x64xf32, #tpu.memory_space<hbm>>) target(%dma_start3A_1449 : memref<16x64xf32, #tpu.memory_space<vmem>>) offsets(%dma_start3A_1450 : memref<16xi32, #tpu.memory_space<vmem>>) semaphore(%dma_start3A_1455 : memref<!tpu.dma_semaphore, #tpu.memory_space<semaphore_mem>>)
        %dma_start3A_1456 = arith.constant 0 : i32
        %dma_start3A_1457 = arith.constant 0 : i32
        %dma_start3A_1458 = arith.constant 0 : i32
        %dma_start3A_1459 = arith.constant 0 : i32
        %dma_start3A_1460 = tpu.memref_slice %arg12[%dma_start3A_1456, %dma_start3A_1458, %dma_start3A_1459] : memref<2x16x64xf32, #tpu.memory_space<vmem>> -> memref<1x16x64xf32, #tpu.memory_space<vmem>>
        %dma_start3A_1461 = tpu.memref_squeeze %dma_start3A_1460 : memref<1x16x64xf32, #tpu.memory_space<vmem>> -> memref<16x64xf32, #tpu.memory_space<vmem>>
        %dma_start3A_1462 = tpu.memref_slice %arg9[%multiple_of3A_1438] : memref<512xi32, #tpu.memory_space<vmem>> -> memref<16xi32, #tpu.memory_space<vmem>>
        %dma_start3A_1463 = arith.constant 0 : i32
        %dma_start3A_1464 = arith.constant 0 : i32
        %dma_start3A_1465 = tpu.memref_slice %arg6[%dma_start3A_1463, %dma_start3A_1464] : memref<1000001x64xf32, #tpu.memory_space<hbm>> -> memref<1000001x64xf32, #tpu.memory_space<hbm>>
        %dma_start3A_1466 = tpu.memref_slice %arg15[%dma_start3A_1457] : memref<2x!tpu.dma_semaphore, #tpu.memory_space<semaphore_mem>> -> memref<1x!tpu.dma_semaphore, #tpu.memory_space<semaphore_mem>>
        %dma_start3A_1467 = tpu.memref_squeeze %dma_start3A_1466 : memref<1x!tpu.dma_semaphore, #tpu.memory_space<semaphore_mem>> -> memref<!tpu.dma_semaphore, #tpu.memory_space<semaphore_mem>>
        tpu.enqueue_indirect_dma source(%dma_start3A_1465 : memref<1000001x64xf32, #tpu.memory_space<hbm>>) target(%dma_start3A_1461 : memref<16x64xf32, #tpu.memory_space<vmem>>) offsets(%dma_start3A_1462 : memref<16xi32, #tpu.memory_space<vmem>>) semaphore(%dma_start3A_1467 : memref<!tpu.dma_semaphore, #tpu.memory_space<semaphore_mem>>)
        %dma_start3A_1468 = arith.constant 0 : i32
        %dma_start3A_1469 = arith.constant 0 : i32
        %dma_start3A_1470 = arith.constant 0 : i32
        %dma_start3A_1471 = arith.constant 0 : i32
        %dma_start3A_1472 = tpu.memref_slice %arg13[%dma_start3A_1468, %dma_start3A_1470, %dma_start3A_1471] : memref<2x160x64xf32, #tpu.memory_space<vmem>> -> memref<1x80x64xf32, #tpu.memory_space<vmem>>
        %dma_start3A_1473 = tpu.memref_squeeze %dma_start3A_1472 : memref<1x80x64xf32, #tpu.memory_space<vmem>> -> memref<80x64xf32, #tpu.memory_space<vmem>>
        %dma_start3A_1474 = tpu.memref_slice %arg10[%multiple_of3A_1441] : memref<5120xi32, #tpu.memory_space<vmem>> -> memref<80xi32, #tpu.memory_space<vmem>>
        %dma_start3A_1475 = arith.constant 0 : i32
        %dma_start3A_1476 = arith.constant 0 : i32
        %dma_start3A_1477 = tpu.memref_slice %arg6[%dma_start3A_1475, %dma_start3A_1476] : memref<1000001x64xf32, #tpu.memory_space<hbm>> -> memref<1000001x64xf32, #tpu.memory_space<hbm>>
        %dma_start3A_1478 = tpu.memref_slice %arg15[%dma_start3A_1469] : memref<2x!tpu.dma_semaphore, #tpu.memory_space<semaphore_mem>> -> memref<1x!tpu.dma_semaphore, #tpu.memory_space<semaphore_mem>>
        %dma_start3A_1479 = tpu.memref_squeeze %dma_start3A_1478 : memref<1x!tpu.dma_semaphore, #tpu.memory_space<semaphore_mem>> -> memref<!tpu.dma_semaphore, #tpu.memory_space<semaphore_mem>>
        tpu.enqueue_indirect_dma source(%dma_start3A_1477 : memref<1000001x64xf32, #tpu.memory_space<hbm>>) target(%dma_start3A_1473 : memref<80x64xf32, #tpu.memory_space<vmem>>) offsets(%dma_start3A_1474 : memref<80xi32, #tpu.memory_space<vmem>>) semaphore(%dma_start3A_1479 : memref<!tpu.dma_semaphore, #tpu.memory_space<semaphore_mem>>)
        %dma_start3A_1480 = arith.constant 0 : i32
        %dma_start3A_1481 = arith.constant 0 : i32
        %dma_start3A_1482 = arith.constant 80 : i32
        %dma_start3A_1483 = arith.constant 0 : i32
        %dma_start3A_1484 = tpu.memref_slice %arg13[%dma_start3A_1480, %dma_start3A_1482, %dma_start3A_1483] : memref<2x160x64xf32, #tpu.memory_space<vmem>> -> memref<1x80x64xf32, #tpu.memory_space<vmem>>
        %dma_start3A_1485 = tpu.memref_squeeze %dma_start3A_1484 : memref<1x80x64xf32, #tpu.memory_space<vmem>> -> memref<80x64xf32, #tpu.memory_space<vmem>>
        %dma_start3A_1486 = tpu.memref_slice %arg10[%add3A_1443] : memref<5120xi32, #tpu.memory_space<vmem>> -> memref<80xi32, #tpu.memory_space<vmem>>
        %dma_start3A_1487 = arith.constant 0 : i32
        %dma_start3A_1488 = arith.constant 0 : i32
        %dma_start3A_1489 = tpu.memref_slice %arg6[%dma_start3A_1487, %dma_start3A_1488] : memref<1000001x64xf32, #tpu.memory_space<hbm>> -> memref<1000001x64xf32, #tpu.memory_space<hbm>>
        %dma_start3A_1490 = tpu.memref_slice %arg15[%dma_start3A_1481] : memref<2x!tpu.dma_semaphore, #tpu.memory_space<semaphore_mem>> -> memref<1x!tpu.dma_semaphore, #tpu.memory_space<semaphore_mem>>
        %dma_start3A_1491 = tpu.memref_squeeze %dma_start3A_1490 : memref<1x!tpu.dma_semaphore, #tpu.memory_space<semaphore_mem>> -> memref<!tpu.dma_semaphore, #tpu.memory_space<semaphore_mem>>
        tpu.enqueue_indirect_dma source(%dma_start3A_1489 : memref<1000001x64xf32, #tpu.memory_space<hbm>>) target(%dma_start3A_1485 : memref<80x64xf32, #tpu.memory_space<vmem>>) offsets(%dma_start3A_1486 : memref<80xi32, #tpu.memory_space<vmem>>) semaphore(%dma_start3A_1491 : memref<!tpu.dma_semaphore, #tpu.memory_space<semaphore_mem>>)
      } else {
      }
      %add3A_812 = arith.constant 1 : i32
      %add3A_813 = arith.addi %mul3A_134, %add3A_812 : i32
      %mul3A_814 = arith.constant 16 : i32
      %mul3A_815 = arith.muli %add3A_813, %mul3A_814 : i32
      %multiple_of3A_816 = tpu.assume_multiple %mul3A_815, 16 : i32
      %mul3A_817 = arith.constant 160 : i32
      %mul3A_818 = arith.muli %add3A_813, %mul3A_817 : i32
      %multiple_of3A_819 = tpu.assume_multiple %mul3A_818, 80 : i32
      %add3A_820 = arith.constant 80 : i32
      %add3A_821 = arith.addi %multiple_of3A_819, %add3A_820 : i32
      %dma_wait3A_822 = arith.constant 1 : i32
      %dma_wait3A_823 = arith.constant 1 : i32
      %dma_wait3A_824 = arith.constant 0 : i32
      %dma_wait3A_825 = arith.constant 0 : i32
      %dma_wait3A_826 = tpu.memref_slice %arg11[%dma_wait3A_822, %dma_wait3A_824, %dma_wait3A_825] : memref<2x16x64xf32, #tpu.memory_space<vmem>> -> memref<1x16x64xf32, #tpu.memory_space<vmem>>
      %dma_wait3A_827 = tpu.memref_squeeze %dma_wait3A_826 : memref<1x16x64xf32, #tpu.memory_space<vmem>> -> memref<16x64xf32, #tpu.memory_space<vmem>>
      %dma_wait3A_828 = tpu.memref_slice %arg8[%multiple_of3A_816] : memref<512xi32, #tpu.memory_space<vmem>> -> memref<16xi32, #tpu.memory_space<vmem>>
      %dma_wait3A_829 = arith.constant 0 : i32
      %dma_wait3A_830 = arith.constant 0 : i32
      %dma_wait3A_831 = tpu.memref_slice %arg5[%dma_wait3A_829, %dma_wait3A_830] : memref<1000001x64xf32, #tpu.memory_space<hbm>> -> memref<1000001x64xf32, #tpu.memory_space<hbm>>
      %dma_wait3A_832 = tpu.memref_slice %arg15[%dma_wait3A_823] : memref<2x!tpu.dma_semaphore, #tpu.memory_space<semaphore_mem>> -> memref<1x!tpu.dma_semaphore, #tpu.memory_space<semaphore_mem>>
      %dma_wait3A_833 = tpu.memref_squeeze %dma_wait3A_832 : memref<1x!tpu.dma_semaphore, #tpu.memory_space<semaphore_mem>> -> memref<!tpu.dma_semaphore, #tpu.memory_space<semaphore_mem>>
      tpu.wait_indirect_dma semaphore(%dma_wait3A_833 : memref<!tpu.dma_semaphore, #tpu.memory_space<semaphore_mem>>) src(%dma_wait3A_831 : memref<1000001x64xf32, #tpu.memory_space<hbm>>) dst(%dma_wait3A_827 : memref<16x64xf32, #tpu.memory_space<vmem>>)
      %dma_wait3A_834 = arith.constant 1 : i32
      %dma_wait3A_835 = arith.constant 1 : i32
      %dma_wait3A_836 = arith.constant 0 : i32
      %dma_wait3A_837 = arith.constant 0 : i32
      %dma_wait3A_838 = tpu.memref_slice %arg12[%dma_wait3A_834, %dma_wait3A_836, %dma_wait3A_837] : memref<2x16x64xf32, #tpu.memory_space<vmem>> -> memref<1x16x64xf32, #tpu.memory_space<vmem>>
      %dma_wait3A_839 = tpu.memref_squeeze %dma_wait3A_838 : memref<1x16x64xf32, #tpu.memory_space<vmem>> -> memref<16x64xf32, #tpu.memory_space<vmem>>
      %dma_wait3A_840 = tpu.memref_slice %arg9[%multiple_of3A_816] : memref<512xi32, #tpu.memory_space<vmem>> -> memref<16xi32, #tpu.memory_space<vmem>>
      %dma_wait3A_841 = arith.constant 0 : i32
      %dma_wait3A_842 = arith.constant 0 : i32
      %dma_wait3A_843 = tpu.memref_slice %arg6[%dma_wait3A_841, %dma_wait3A_842] : memref<1000001x64xf32, #tpu.memory_space<hbm>> -> memref<1000001x64xf32, #tpu.memory_space<hbm>>
      %dma_wait3A_844 = tpu.memref_slice %arg15[%dma_wait3A_835] : memref<2x!tpu.dma_semaphore, #tpu.memory_space<semaphore_mem>> -> memref<1x!tpu.dma_semaphore, #tpu.memory_space<semaphore_mem>>
      %dma_wait3A_845 = tpu.memref_squeeze %dma_wait3A_844 : memref<1x!tpu.dma_semaphore, #tpu.memory_space<semaphore_mem>> -> memref<!tpu.dma_semaphore, #tpu.memory_space<semaphore_mem>>
      tpu.wait_indirect_dma semaphore(%dma_wait3A_845 : memref<!tpu.dma_semaphore, #tpu.memory_space<semaphore_mem>>) src(%dma_wait3A_843 : memref<1000001x64xf32, #tpu.memory_space<hbm>>) dst(%dma_wait3A_839 : memref<16x64xf32, #tpu.memory_space<vmem>>)
      %dma_wait3A_846 = arith.constant 1 : i32
      %dma_wait3A_847 = arith.constant 1 : i32
      %dma_wait3A_848 = arith.constant 0 : i32
      %dma_wait3A_849 = arith.constant 0 : i32
      %dma_wait3A_850 = tpu.memref_slice %arg13[%dma_wait3A_846, %dma_wait3A_848, %dma_wait3A_849] : memref<2x160x64xf32, #tpu.memory_space<vmem>> -> memref<1x80x64xf32, #tpu.memory_space<vmem>>
      %dma_wait3A_851 = tpu.memref_squeeze %dma_wait3A_850 : memref<1x80x64xf32, #tpu.memory_space<vmem>> -> memref<80x64xf32, #tpu.memory_space<vmem>>
      %dma_wait3A_852 = tpu.memref_slice %arg10[%multiple_of3A_819] : memref<5120xi32, #tpu.memory_space<vmem>> -> memref<80xi32, #tpu.memory_space<vmem>>
      %dma_wait3A_853 = arith.constant 0 : i32
      %dma_wait3A_854 = arith.constant 0 : i32
      %dma_wait3A_855 = tpu.memref_slice %arg6[%dma_wait3A_853, %dma_wait3A_854] : memref<1000001x64xf32, #tpu.memory_space<hbm>> -> memref<1000001x64xf32, #tpu.memory_space<hbm>>
      %dma_wait3A_856 = tpu.memref_slice %arg15[%dma_wait3A_847] : memref<2x!tpu.dma_semaphore, #tpu.memory_space<semaphore_mem>> -> memref<1x!tpu.dma_semaphore, #tpu.memory_space<semaphore_mem>>
      %dma_wait3A_857 = tpu.memref_squeeze %dma_wait3A_856 : memref<1x!tpu.dma_semaphore, #tpu.memory_space<semaphore_mem>> -> memref<!tpu.dma_semaphore, #tpu.memory_space<semaphore_mem>>
      tpu.wait_indirect_dma semaphore(%dma_wait3A_857 : memref<!tpu.dma_semaphore, #tpu.memory_space<semaphore_mem>>) src(%dma_wait3A_855 : memref<1000001x64xf32, #tpu.memory_space<hbm>>) dst(%dma_wait3A_851 : memref<80x64xf32, #tpu.memory_space<vmem>>)
      %dma_wait3A_858 = arith.constant 1 : i32
      %dma_wait3A_859 = arith.constant 1 : i32
      %dma_wait3A_860 = arith.constant 80 : i32
      %dma_wait3A_861 = arith.constant 0 : i32
      %dma_wait3A_862 = tpu.memref_slice %arg13[%dma_wait3A_858, %dma_wait3A_860, %dma_wait3A_861] : memref<2x160x64xf32, #tpu.memory_space<vmem>> -> memref<1x80x64xf32, #tpu.memory_space<vmem>>
      %dma_wait3A_863 = tpu.memref_squeeze %dma_wait3A_862 : memref<1x80x64xf32, #tpu.memory_space<vmem>> -> memref<80x64xf32, #tpu.memory_space<vmem>>
      %dma_wait3A_864 = tpu.memref_slice %arg10[%add3A_821] : memref<5120xi32, #tpu.memory_space<vmem>> -> memref<80xi32, #tpu.memory_space<vmem>>
      %dma_wait3A_865 = arith.constant 0 : i32
      %dma_wait3A_866 = arith.constant 0 : i32
      %dma_wait3A_867 = tpu.memref_slice %arg6[%dma_wait3A_865, %dma_wait3A_866] : memref<1000001x64xf32, #tpu.memory_space<hbm>> -> memref<1000001x64xf32, #tpu.memory_space<hbm>>
      %dma_wait3A_868 = tpu.memref_slice %arg15[%dma_wait3A_859] : memref<2x!tpu.dma_semaphore, #tpu.memory_space<semaphore_mem>> -> memref<1x!tpu.dma_semaphore, #tpu.memory_space<semaphore_mem>>
      %dma_wait3A_869 = tpu.memref_squeeze %dma_wait3A_868 : memref<1x!tpu.dma_semaphore, #tpu.memory_space<semaphore_mem>> -> memref<!tpu.dma_semaphore, #tpu.memory_space<semaphore_mem>>
      tpu.wait_indirect_dma semaphore(%dma_wait3A_869 : memref<!tpu.dma_semaphore, #tpu.memory_space<semaphore_mem>>) src(%dma_wait3A_867 : memref<1000001x64xf32, #tpu.memory_space<hbm>>) dst(%dma_wait3A_863 : memref<80x64xf32, #tpu.memory_space<vmem>>)
      %scan3A_870 = arith.constant 1 : i32
      %scan3A_871 = arith.constant 1 : i32
      %scan3A_872 = arith.constant 1 : i32
      %scan3A_873 = arith.constant 0 : i32
      %scan3A_874 = arith.constant 64 : i32
      %scan3A_875 = arith.addi %scan3A_873, %scan3A_874 : i32
      %scan3A_876 = arith.constant 1 : i32
      %scan3A_877:23 = scf.for %scan3A_1434 = %scan3A_873 to %scan3A_875 step %scan3A_876 iter_args(%scan3A_1435 = %broadcast_in_dim3A_66, %scan3A_1436 = %broadcast_in_dim3A_66, %scan3A_1437 = %broadcast_in_dim3A_66, %scan3A_1438 = %broadcast_in_dim3A_66, %scan3A_1439 = %broadcast_in_dim3A_66, %scan3A_1440 = %broadcast_in_dim3A_66, %scan3A_1441 = %broadcast_in_dim3A_66, %scan3A_1442 = %broadcast_in_dim3A_66, %scan3A_1443 = %broadcast_in_dim3A_66, %scan3A_1444 = %broadcast_in_dim3A_66, %scan3A_1445 = %broadcast_in_dim3A_66, %scan3A_1446 = %broadcast_in_dim3A_66, %scan3A_1447 = %broadcast_in_dim3A_66, %scan3A_1448 = %broadcast_in_dim3A_66, %scan3A_1449 = %broadcast_in_dim3A_66, %scan3A_1450 = %broadcast_in_dim3A_66, %scan3A_1451 = %broadcast_in_dim3A_66, %scan3A_1452 = %broadcast_in_dim3A_66, %scan3A_1453 = %broadcast_in_dim3A_66, %scan3A_1454 = %broadcast_in_dim3A_66, %scan3A_1455 = %broadcast_in_dim3A_66, %scan3A_1456 = %broadcast_in_dim3A_66, %scan3A_1457 = %broadcast_in_dim3A_66) -> (vector<16xf32>, vector<16xf32>, vector<16xf32>, vector<16xf32>, vector<16xf32>, vector<16xf32>, vector<16xf32>, vector<16xf32>, vector<16xf32>, vector<16xf32>, vector<16xf32>, vector<16xf32>, vector<16xf32>, vector<16xf32>, vector<16xf32>, vector<16xf32>, vector<16xf32>, vector<16xf32>, vector<16xf32>, vector<16xf32>, vector<16xf32>, vector<16xf32>, vector<16xf32>)  : i32 {
        %broadcast_in_dim3A_1458 = vector.broadcast %scan3A_1434 : i32 to vector<16xi32>
        %gather3A = arith.constant 0 : i32
        %gather3A_1459 = arith.constant 0 : i32
        %gather3A_1460 = tpu.memref_slice %arg11[%scan3A_870, %gather3A, %gather3A_1459] : memref<2x16x64xf32, #tpu.memory_space<vmem>> -> memref<1x16x64xf32, #tpu.memory_space<vmem>>
        %gather3A_1461 = tpu.memref_squeeze %gather3A_1460 : memref<1x16x64xf32, #tpu.memory_space<vmem>> -> memref<16x64xf32, #tpu.memory_space<vmem>>
        %gather3A_1462 = tpu.vector_load_idx %gather3A_1461[%iota3A, %broadcast_in_dim3A_1458] : memref<16x64xf32, #tpu.memory_space<vmem>>[vector<16xi32>, vector<16xi32>], vector<16xf32>,
        %gather3A_1463 = arith.constant 0 : i32
        %gather3A_1464 = arith.constant 0 : i32
        %gather3A_1465 = tpu.memref_slice %arg12[%scan3A_871, %gather3A_1463, %gather3A_1464] : memref<2x16x64xf32, #tpu.memory_space<vmem>> -> memref<1x16x64xf32, #tpu.memory_space<vmem>>
        %gather3A_1466 = tpu.memref_squeeze %gather3A_1465 : memref<1x16x64xf32, #tpu.memory_space<vmem>> -> memref<16x64xf32, #tpu.memory_space<vmem>>
        %gather3A_1467 = tpu.vector_load_idx %gather3A_1466[%iota3A, %broadcast_in_dim3A_1458] : memref<16x64xf32, #tpu.memory_space<vmem>>[vector<16xi32>, vector<16xi32>], vector<16xf32>,
        %mul3A_1468 = arith.mulf %gather3A_1462, %gather3A_1462 : vector<16xf32>
        %add3A_1469 = arith.addf %scan3A_1435, %mul3A_1468 : vector<16xf32>
        %mul3A_1470 = arith.mulf %gather3A_1467, %gather3A_1467 : vector<16xf32>
        %add3A_1471 = arith.addf %scan3A_1436, %mul3A_1470 : vector<16xf32>
        %mul3A_1472 = arith.mulf %gather3A_1462, %gather3A_1467 : vector<16xf32>
        %add3A_1473 = arith.addf %scan3A_1437, %mul3A_1472 : vector<16xf32>
        %gather3A_1474 = arith.constant 0 : i32
        %gather3A_1475 = arith.constant 0 : i32
        %gather3A_1476 = tpu.memref_slice %arg13[%scan3A_872, %gather3A_1474, %gather3A_1475] : memref<2x160x64xf32, #tpu.memory_space<vmem>> -> memref<1x160x64xf32, #tpu.memory_space<vmem>>
        %gather3A_1477 = tpu.memref_squeeze %gather3A_1476 : memref<1x160x64xf32, #tpu.memory_space<vmem>> -> memref<160x64xf32, #tpu.memory_space<vmem>>
        %gather3A_1478 = tpu.vector_load_idx %gather3A_1477[%add3A_11, %broadcast_in_dim3A_1458] : memref<160x64xf32, #tpu.memory_space<vmem>>[vector<16xi32>, vector<16xi32>], vector<16xf32>,
        %mul3A_1479 = arith.mulf %gather3A_1478, %gather3A_1478 : vector<16xf32>
        %add3A_1480 = arith.addf %scan3A_1438, %mul3A_1479 : vector<16xf32>
        %mul3A_1481 = arith.mulf %gather3A_1462, %gather3A_1478 : vector<16xf32>
        %add3A_1482 = arith.addf %scan3A_1448, %mul3A_1481 : vector<16xf32>
        %gather3A_1483 = arith.constant 0 : i32
        %gather3A_1484 = arith.constant 0 : i32
        %gather3A_1485 = tpu.memref_slice %arg13[%scan3A_872, %gather3A_1483, %gather3A_1484] : memref<2x160x64xf32, #tpu.memory_space<vmem>> -> memref<1x160x64xf32, #tpu.memory_space<vmem>>
        %gather3A_1486 = tpu.memref_squeeze %gather3A_1485 : memref<1x160x64xf32, #tpu.memory_space<vmem>> -> memref<160x64xf32, #tpu.memory_space<vmem>>
        %gather3A_1487 = tpu.vector_load_idx %gather3A_1486[%add3A_17, %broadcast_in_dim3A_1458] : memref<160x64xf32, #tpu.memory_space<vmem>>[vector<16xi32>, vector<16xi32>], vector<16xf32>,
        %mul3A_1488 = arith.mulf %gather3A_1487, %gather3A_1487 : vector<16xf32>
        %add3A_1489 = arith.addf %scan3A_1439, %mul3A_1488 : vector<16xf32>
        %mul3A_1490 = arith.mulf %gather3A_1462, %gather3A_1487 : vector<16xf32>
        %add3A_1491 = arith.addf %scan3A_1449, %mul3A_1490 : vector<16xf32>
        %gather3A_1492 = arith.constant 0 : i32
        %gather3A_1493 = arith.constant 0 : i32
        %gather3A_1494 = tpu.memref_slice %arg13[%scan3A_872, %gather3A_1492, %gather3A_1493] : memref<2x160x64xf32, #tpu.memory_space<vmem>> -> memref<1x160x64xf32, #tpu.memory_space<vmem>>
        %gather3A_1495 = tpu.memref_squeeze %gather3A_1494 : memref<1x160x64xf32, #tpu.memory_space<vmem>> -> memref<160x64xf32, #tpu.memory_space<vmem>>
        %gather3A_1496 = tpu.vector_load_idx %gather3A_1495[%add3A_23, %broadcast_in_dim3A_1458] : memref<160x64xf32, #tpu.memory_space<vmem>>[vector<16xi32>, vector<16xi32>], vector<16xf32>,
        %mul3A_1497 = arith.mulf %gather3A_1496, %gather3A_1496 : vector<16xf32>
        %add3A_1498 = arith.addf %scan3A_1440, %mul3A_1497 : vector<16xf32>
        %mul3A_1499 = arith.mulf %gather3A_1462, %gather3A_1496 : vector<16xf32>
        %add3A_1500 = arith.addf %scan3A_1450, %mul3A_1499 : vector<16xf32>
        %gather3A_1501 = arith.constant 0 : i32
        %gather3A_1502 = arith.constant 0 : i32
        %gather3A_1503 = tpu.memref_slice %arg13[%scan3A_872, %gather3A_1501, %gather3A_1502] : memref<2x160x64xf32, #tpu.memory_space<vmem>> -> memref<1x160x64xf32, #tpu.memory_space<vmem>>
        %gather3A_1504 = tpu.memref_squeeze %gather3A_1503 : memref<1x160x64xf32, #tpu.memory_space<vmem>> -> memref<160x64xf32, #tpu.memory_space<vmem>>
        %gather3A_1505 = tpu.vector_load_idx %gather3A_1504[%add3A_29, %broadcast_in_dim3A_1458] : memref<160x64xf32, #tpu.memory_space<vmem>>[vector<16xi32>, vector<16xi32>], vector<16xf32>,
        %mul3A_1506 = arith.mulf %gather3A_1505, %gather3A_1505 : vector<16xf32>
        %add3A_1507 = arith.addf %scan3A_1441, %mul3A_1506 : vector<16xf32>
        %mul3A_1508 = arith.mulf %gather3A_1462, %gather3A_1505 : vector<16xf32>
        %add3A_1509 = arith.addf %scan3A_1451, %mul3A_1508 : vector<16xf32>
        %gather3A_1510 = arith.constant 0 : i32
        %gather3A_1511 = arith.constant 0 : i32
        %gather3A_1512 = tpu.memref_slice %arg13[%scan3A_872, %gather3A_1510, %gather3A_1511] : memref<2x160x64xf32, #tpu.memory_space<vmem>> -> memref<1x160x64xf32, #tpu.memory_space<vmem>>
        %gather3A_1513 = tpu.memref_squeeze %gather3A_1512 : memref<1x160x64xf32, #tpu.memory_space<vmem>> -> memref<160x64xf32, #tpu.memory_space<vmem>>
        %gather3A_1514 = tpu.vector_load_idx %gather3A_1513[%add3A_35, %broadcast_in_dim3A_1458] : memref<160x64xf32, #tpu.memory_space<vmem>>[vector<16xi32>, vector<16xi32>], vector<16xf32>,
        %mul3A_1515 = arith.mulf %gather3A_1514, %gather3A_1514 : vector<16xf32>
        %add3A_1516 = arith.addf %scan3A_1442, %mul3A_1515 : vector<16xf32>
        %mul3A_1517 = arith.mulf %gather3A_1462, %gather3A_1514 : vector<16xf32>
        %add3A_1518 = arith.addf %scan3A_1452, %mul3A_1517 : vector<16xf32>
        %gather3A_1519 = arith.constant 0 : i32
        %gather3A_1520 = arith.constant 0 : i32
        %gather3A_1521 = tpu.memref_slice %arg13[%scan3A_872, %gather3A_1519, %gather3A_1520] : memref<2x160x64xf32, #tpu.memory_space<vmem>> -> memref<1x160x64xf32, #tpu.memory_space<vmem>>
        %gather3A_1522 = tpu.memref_squeeze %gather3A_1521 : memref<1x160x64xf32, #tpu.memory_space<vmem>> -> memref<160x64xf32, #tpu.memory_space<vmem>>
        %gather3A_1523 = tpu.vector_load_idx %gather3A_1522[%add3A_41, %broadcast_in_dim3A_1458] : memref<160x64xf32, #tpu.memory_space<vmem>>[vector<16xi32>, vector<16xi32>], vector<16xf32>,
        %mul3A_1524 = arith.mulf %gather3A_1523, %gather3A_1523 : vector<16xf32>
        %add3A_1525 = arith.addf %scan3A_1443, %mul3A_1524 : vector<16xf32>
        %mul3A_1526 = arith.mulf %gather3A_1462, %gather3A_1523 : vector<16xf32>
        %add3A_1527 = arith.addf %scan3A_1453, %mul3A_1526 : vector<16xf32>
        %gather3A_1528 = arith.constant 0 : i32
        %gather3A_1529 = arith.constant 0 : i32
        %gather3A_1530 = tpu.memref_slice %arg13[%scan3A_872, %gather3A_1528, %gather3A_1529] : memref<2x160x64xf32, #tpu.memory_space<vmem>> -> memref<1x160x64xf32, #tpu.memory_space<vmem>>
        %gather3A_1531 = tpu.memref_squeeze %gather3A_1530 : memref<1x160x64xf32, #tpu.memory_space<vmem>> -> memref<160x64xf32, #tpu.memory_space<vmem>>
        %gather3A_1532 = tpu.vector_load_idx %gather3A_1531[%add3A_47, %broadcast_in_dim3A_1458] : memref<160x64xf32, #tpu.memory_space<vmem>>[vector<16xi32>, vector<16xi32>], vector<16xf32>,
        %mul3A_1533 = arith.mulf %gather3A_1532, %gather3A_1532 : vector<16xf32>
        %add3A_1534 = arith.addf %scan3A_1444, %mul3A_1533 : vector<16xf32>
        %mul3A_1535 = arith.mulf %gather3A_1462, %gather3A_1532 : vector<16xf32>
        %add3A_1536 = arith.addf %scan3A_1454, %mul3A_1535 : vector<16xf32>
        %gather3A_1537 = arith.constant 0 : i32
        %gather3A_1538 = arith.constant 0 : i32
        %gather3A_1539 = tpu.memref_slice %arg13[%scan3A_872, %gather3A_1537, %gather3A_1538] : memref<2x160x64xf32, #tpu.memory_space<vmem>> -> memref<1x160x64xf32, #tpu.memory_space<vmem>>
        %gather3A_1540 = tpu.memref_squeeze %gather3A_1539 : memref<1x160x64xf32, #tpu.memory_space<vmem>> -> memref<160x64xf32, #tpu.memory_space<vmem>>
        %gather3A_1541 = tpu.vector_load_idx %gather3A_1540[%add3A_53, %broadcast_in_dim3A_1458] : memref<160x64xf32, #tpu.memory_space<vmem>>[vector<16xi32>, vector<16xi32>], vector<16xf32>,
        %mul3A_1542 = arith.mulf %gather3A_1541, %gather3A_1541 : vector<16xf32>
        %add3A_1543 = arith.addf %scan3A_1445, %mul3A_1542 : vector<16xf32>
        %mul3A_1544 = arith.mulf %gather3A_1462, %gather3A_1541 : vector<16xf32>
        %add3A_1545 = arith.addf %scan3A_1455, %mul3A_1544 : vector<16xf32>
        %gather3A_1546 = arith.constant 0 : i32
        %gather3A_1547 = arith.constant 0 : i32
        %gather3A_1548 = tpu.memref_slice %arg13[%scan3A_872, %gather3A_1546, %gather3A_1547] : memref<2x160x64xf32, #tpu.memory_space<vmem>> -> memref<1x160x64xf32, #tpu.memory_space<vmem>>
        %gather3A_1549 = tpu.memref_squeeze %gather3A_1548 : memref<1x160x64xf32, #tpu.memory_space<vmem>> -> memref<160x64xf32, #tpu.memory_space<vmem>>
        %gather3A_1550 = tpu.vector_load_idx %gather3A_1549[%add3A_59, %broadcast_in_dim3A_1458] : memref<160x64xf32, #tpu.memory_space<vmem>>[vector<16xi32>, vector<16xi32>], vector<16xf32>,
        %mul3A_1551 = arith.mulf %gather3A_1550, %gather3A_1550 : vector<16xf32>
        %add3A_1552 = arith.addf %scan3A_1446, %mul3A_1551 : vector<16xf32>
        %mul3A_1553 = arith.mulf %gather3A_1462, %gather3A_1550 : vector<16xf32>
        %add3A_1554 = arith.addf %scan3A_1456, %mul3A_1553 : vector<16xf32>
        %gather3A_1555 = arith.constant 0 : i32
        %gather3A_1556 = arith.constant 0 : i32
        %gather3A_1557 = tpu.memref_slice %arg13[%scan3A_872, %gather3A_1555, %gather3A_1556] : memref<2x160x64xf32, #tpu.memory_space<vmem>> -> memref<1x160x64xf32, #tpu.memory_space<vmem>>
        %gather3A_1558 = tpu.memref_squeeze %gather3A_1557 : memref<1x160x64xf32, #tpu.memory_space<vmem>> -> memref<160x64xf32, #tpu.memory_space<vmem>>
        %gather3A_1559 = tpu.vector_load_idx %gather3A_1558[%add3A_65, %broadcast_in_dim3A_1458] : memref<160x64xf32, #tpu.memory_space<vmem>>[vector<16xi32>, vector<16xi32>], vector<16xf32>,
        %mul3A_1560 = arith.mulf %gather3A_1559, %gather3A_1559 : vector<16xf32>
        %add3A_1561 = arith.addf %scan3A_1447, %mul3A_1560 : vector<16xf32>
        %mul3A_1562 = arith.mulf %gather3A_1462, %gather3A_1559 : vector<16xf32>
        %add3A_1563 = arith.addf %scan3A_1457, %mul3A_1562 : vector<16xf32>
        scf.yield %add3A_1469, %add3A_1471, %add3A_1473, %add3A_1480, %add3A_1489, %add3A_1498, %add3A_1507, %add3A_1516, %add3A_1525, %add3A_1534, %add3A_1543, %add3A_1552, %add3A_1561, %add3A_1482, %add3A_1491, %add3A_1500, %add3A_1509, %add3A_1518, %add3A_1527, %add3A_1536, %add3A_1545, %add3A_1554, %add3A_1563 : vector<16xf32>, vector<16xf32>, vector<16xf32>, vector<16xf32>, vector<16xf32>, vector<16xf32>, vector<16xf32>, vector<16xf32>, vector<16xf32>, vector<16xf32>, vector<16xf32>, vector<16xf32>, vector<16xf32>, vector<16xf32>, vector<16xf32>, vector<16xf32>, vector<16xf32>, vector<16xf32>, vector<16xf32>, vector<16xf32>, vector<16xf32>, vector<16xf32>, vector<16xf32>
      }
      %scan3A_878 = arith.constant 64 : i32
      %max3A_879 = arith.constant 1.000000e-24 : f32
      %max3A_880 = vector.broadcast %max3A_879 : f32 to vector<16xf32>
      %max3A_881 = arith.maximumf %scan3A_877#0, %max3A_880 : vector<16xf32>
      %bitcast_convert_type3A_882 = tpu.bitcast %max3A_881 : vector<16xf32> -> vector<16xi32>
      %shift_right_arithmetic3A_883 = arith.constant 1 : i32
      %shift_right_arithmetic3A_884 = vector.broadcast %shift_right_arithmetic3A_883 : i32 to vector<16xi32>
      %shift_right_arithmetic3A_885 = arith.shrsi %bitcast_convert_type3A_882, %shift_right_arithmetic3A_884 : vector<16xi32>
      %sub3A_886 = arith.constant 1597463007 : i32
      %sub3A_887 = vector.broadcast %sub3A_886 : i32 to vector<16xi32>
      %sub3A_888 = arith.subi %sub3A_887, %shift_right_arithmetic3A_885 : vector<16xi32>
      %bitcast_convert_type3A_889 = tpu.bitcast %sub3A_888 : vector<16xi32> -> vector<16xf32>
      %mul3A_890 = arith.constant 5.000000e-01 : f32
      %mul3A_891 = vector.broadcast %mul3A_890 : f32 to vector<16xf32>
      %mul3A_892 = arith.mulf %mul3A_891, %max3A_881 : vector<16xf32>
      %mul3A_893 = arith.mulf %mul3A_892, %bitcast_convert_type3A_889 : vector<16xf32>
      %mul3A_894 = arith.mulf %mul3A_893, %bitcast_convert_type3A_889 : vector<16xf32>
      %sub3A_895 = arith.constant 1.500000e+00 : f32
      %sub3A_896 = vector.broadcast %sub3A_895 : f32 to vector<16xf32>
      %sub3A_897 = arith.subf %sub3A_896, %mul3A_894 : vector<16xf32>
      %mul3A_898 = arith.mulf %bitcast_convert_type3A_889, %sub3A_897 : vector<16xf32>
      %mul3A_899 = arith.constant 5.000000e-01 : f32
      %mul3A_900 = vector.broadcast %mul3A_899 : f32 to vector<16xf32>
      %mul3A_901 = arith.mulf %mul3A_900, %max3A_881 : vector<16xf32>
      %mul3A_902 = arith.mulf %mul3A_901, %mul3A_898 : vector<16xf32>
      %mul3A_903 = arith.mulf %mul3A_902, %mul3A_898 : vector<16xf32>
      %sub3A_904 = arith.constant 1.500000e+00 : f32
      %sub3A_905 = vector.broadcast %sub3A_904 : f32 to vector<16xf32>
      %sub3A_906 = arith.subf %sub3A_905, %mul3A_903 : vector<16xf32>
      %mul3A_907 = arith.mulf %mul3A_898, %sub3A_906 : vector<16xf32>
      %mul3A_908 = arith.constant 5.000000e-01 : f32
      %mul3A_909 = vector.broadcast %mul3A_908 : f32 to vector<16xf32>
      %mul3A_910 = arith.mulf %mul3A_909, %max3A_881 : vector<16xf32>
      %mul3A_911 = arith.mulf %mul3A_910, %mul3A_907 : vector<16xf32>
      %mul3A_912 = arith.mulf %mul3A_911, %mul3A_907 : vector<16xf32>
      %sub3A_913 = arith.constant 1.500000e+00 : f32
      %sub3A_914 = vector.broadcast %sub3A_913 : f32 to vector<16xf32>
      %sub3A_915 = arith.subf %sub3A_914, %mul3A_912 : vector<16xf32>
      %mul3A_916 = arith.mulf %mul3A_907, %sub3A_915 : vector<16xf32>
      %max3A_917 = arith.constant 1.000000e-24 : f32
      %max3A_918 = vector.broadcast %max3A_917 : f32 to vector<16xf32>
      %max3A_919 = arith.maximumf %scan3A_877#1, %max3A_918 : vector<16xf32>
      %bitcast_convert_type3A_920 = tpu.bitcast %max3A_919 : vector<16xf32> -> vector<16xi32>
      %shift_right_arithmetic3A_921 = arith.constant 1 : i32
      %shift_right_arithmetic3A_922 = vector.broadcast %shift_right_arithmetic3A_921 : i32 to vector<16xi32>
      %shift_right_arithmetic3A_923 = arith.shrsi %bitcast_convert_type3A_920, %shift_right_arithmetic3A_922 : vector<16xi32>
      %sub3A_924 = arith.constant 1597463007 : i32
      %sub3A_925 = vector.broadcast %sub3A_924 : i32 to vector<16xi32>
      %sub3A_926 = arith.subi %sub3A_925, %shift_right_arithmetic3A_923 : vector<16xi32>
      %bitcast_convert_type3A_927 = tpu.bitcast %sub3A_926 : vector<16xi32> -> vector<16xf32>
      %mul3A_928 = arith.constant 5.000000e-01 : f32
      %mul3A_929 = vector.broadcast %mul3A_928 : f32 to vector<16xf32>
      %mul3A_930 = arith.mulf %mul3A_929, %max3A_919 : vector<16xf32>
      %mul3A_931 = arith.mulf %mul3A_930, %bitcast_convert_type3A_927 : vector<16xf32>
      %mul3A_932 = arith.mulf %mul3A_931, %bitcast_convert_type3A_927 : vector<16xf32>
      %sub3A_933 = arith.constant 1.500000e+00 : f32
      %sub3A_934 = vector.broadcast %sub3A_933 : f32 to vector<16xf32>
      %sub3A_935 = arith.subf %sub3A_934, %mul3A_932 : vector<16xf32>
      %mul3A_936 = arith.mulf %bitcast_convert_type3A_927, %sub3A_935 : vector<16xf32>
      %mul3A_937 = arith.constant 5.000000e-01 : f32
      %mul3A_938 = vector.broadcast %mul3A_937 : f32 to vector<16xf32>
      %mul3A_939 = arith.mulf %mul3A_938, %max3A_919 : vector<16xf32>
      %mul3A_940 = arith.mulf %mul3A_939, %mul3A_936 : vector<16xf32>
      %mul3A_941 = arith.mulf %mul3A_940, %mul3A_936 : vector<16xf32>
      %sub3A_942 = arith.constant 1.500000e+00 : f32
      %sub3A_943 = vector.broadcast %sub3A_942 : f32 to vector<16xf32>
      %sub3A_944 = arith.subf %sub3A_943, %mul3A_941 : vector<16xf32>
      %mul3A_945 = arith.mulf %mul3A_936, %sub3A_944 : vector<16xf32>
      %mul3A_946 = arith.constant 5.000000e-01 : f32
      %mul3A_947 = vector.broadcast %mul3A_946 : f32 to vector<16xf32>
      %mul3A_948 = arith.mulf %mul3A_947, %max3A_919 : vector<16xf32>
      %mul3A_949 = arith.mulf %mul3A_948, %mul3A_945 : vector<16xf32>
      %mul3A_950 = arith.mulf %mul3A_949, %mul3A_945 : vector<16xf32>
      %sub3A_951 = arith.constant 1.500000e+00 : f32
      %sub3A_952 = vector.broadcast %sub3A_951 : f32 to vector<16xf32>
      %sub3A_953 = arith.subf %sub3A_952, %mul3A_950 : vector<16xf32>
      %mul3A_954 = arith.mulf %mul3A_945, %sub3A_953 : vector<16xf32>
      %mul3A_955 = arith.mulf %scan3A_877#2, %mul3A_916 : vector<16xf32>
      %mul3A_956 = arith.mulf %mul3A_955, %mul3A_954 : vector<16xf32>
      %sub3A_957 = arith.constant 1.000000e+00 : f32
      %sub3A_958 = vector.broadcast %sub3A_957 : f32 to vector<16xf32>
      %sub3A_959 = arith.subf %sub3A_958, %mul3A_956 : vector<16xf32>
      %max3A_960 = arith.constant 0.000000e+00 : f32
      %max3A_961 = vector.broadcast %max3A_960 : f32 to vector<16xf32>
      %max3A_962 = arith.maximumf %sub3A_959, %max3A_961 : vector<16xf32>
      %add3A_963 = arith.addf %add3A_337, %max3A_962 : vector<16xf32>
      %max3A_964 = arith.constant 1.000000e-24 : f32
      %max3A_965 = vector.broadcast %max3A_964 : f32 to vector<16xf32>
      %max3A_966 = arith.maximumf %scan3A_877#3, %max3A_965 : vector<16xf32>
      %bitcast_convert_type3A_967 = tpu.bitcast %max3A_966 : vector<16xf32> -> vector<16xi32>
      %shift_right_arithmetic3A_968 = arith.constant 1 : i32
      %shift_right_arithmetic3A_969 = vector.broadcast %shift_right_arithmetic3A_968 : i32 to vector<16xi32>
      %shift_right_arithmetic3A_970 = arith.shrsi %bitcast_convert_type3A_967, %shift_right_arithmetic3A_969 : vector<16xi32>
      %sub3A_971 = arith.constant 1597463007 : i32
      %sub3A_972 = vector.broadcast %sub3A_971 : i32 to vector<16xi32>
      %sub3A_973 = arith.subi %sub3A_972, %shift_right_arithmetic3A_970 : vector<16xi32>
      %bitcast_convert_type3A_974 = tpu.bitcast %sub3A_973 : vector<16xi32> -> vector<16xf32>
      %mul3A_975 = arith.constant 5.000000e-01 : f32
      %mul3A_976 = vector.broadcast %mul3A_975 : f32 to vector<16xf32>
      %mul3A_977 = arith.mulf %mul3A_976, %max3A_966 : vector<16xf32>
      %mul3A_978 = arith.mulf %mul3A_977, %bitcast_convert_type3A_974 : vector<16xf32>
      %mul3A_979 = arith.mulf %mul3A_978, %bitcast_convert_type3A_974 : vector<16xf32>
      %sub3A_980 = arith.constant 1.500000e+00 : f32
      %sub3A_981 = vector.broadcast %sub3A_980 : f32 to vector<16xf32>
      %sub3A_982 = arith.subf %sub3A_981, %mul3A_979 : vector<16xf32>
      %mul3A_983 = arith.mulf %bitcast_convert_type3A_974, %sub3A_982 : vector<16xf32>
      %mul3A_984 = arith.constant 5.000000e-01 : f32
      %mul3A_985 = vector.broadcast %mul3A_984 : f32 to vector<16xf32>
      %mul3A_986 = arith.mulf %mul3A_985, %max3A_966 : vector<16xf32>
      %mul3A_987 = arith.mulf %mul3A_986, %mul3A_983 : vector<16xf32>
      %mul3A_988 = arith.mulf %mul3A_987, %mul3A_983 : vector<16xf32>
      %sub3A_989 = arith.constant 1.500000e+00 : f32
      %sub3A_990 = vector.broadcast %sub3A_989 : f32 to vector<16xf32>
      %sub3A_991 = arith.subf %sub3A_990, %mul3A_988 : vector<16xf32>
      %mul3A_992 = arith.mulf %mul3A_983, %sub3A_991 : vector<16xf32>
      %mul3A_993 = arith.constant 5.000000e-01 : f32
      %mul3A_994 = vector.broadcast %mul3A_993 : f32 to vector<16xf32>
      %mul3A_995 = arith.mulf %mul3A_994, %max3A_966 : vector<16xf32>
      %mul3A_996 = arith.mulf %mul3A_995, %mul3A_992 : vector<16xf32>
      %mul3A_997 = arith.mulf %mul3A_996, %mul3A_992 : vector<16xf32>
      %sub3A_998 = arith.constant 1.500000e+00 : f32
      %sub3A_999 = vector.broadcast %sub3A_998 : f32 to vector<16xf32>
      %sub3A_1000 = arith.subf %sub3A_999, %mul3A_997 : vector<16xf32>
      %mul3A_1001 = arith.mulf %mul3A_992, %sub3A_1000 : vector<16xf32>
      %mul3A_1002 = arith.mulf %scan3A_877#13, %mul3A_916 : vector<16xf32>
      %mul3A_1003 = arith.mulf %mul3A_1002, %mul3A_1001 : vector<16xf32>
      %sub3A_1004 = arith.constant 8.000000e-01 : f32
      %sub3A_1005 = vector.broadcast %sub3A_1004 : f32 to vector<16xf32>
      %sub3A_1006 = arith.subf %mul3A_1003, %sub3A_1005 : vector<16xf32>
      %max3A_1007 = arith.constant 0.000000e+00 : f32
      %max3A_1008 = vector.broadcast %max3A_1007 : f32 to vector<16xf32>
      %max3A_1009 = arith.maximumf %sub3A_1006, %max3A_1008 : vector<16xf32>
      %add3A_1010 = arith.addf %add3A_807, %max3A_1009 : vector<16xf32>
      %max3A_1011 = arith.constant 1.000000e-24 : f32
      %max3A_1012 = vector.broadcast %max3A_1011 : f32 to vector<16xf32>
      %max3A_1013 = arith.maximumf %scan3A_877#4, %max3A_1012 : vector<16xf32>
      %bitcast_convert_type3A_1014 = tpu.bitcast %max3A_1013 : vector<16xf32> -> vector<16xi32>
      %shift_right_arithmetic3A_1015 = arith.constant 1 : i32
      %shift_right_arithmetic3A_1016 = vector.broadcast %shift_right_arithmetic3A_1015 : i32 to vector<16xi32>
      %shift_right_arithmetic3A_1017 = arith.shrsi %bitcast_convert_type3A_1014, %shift_right_arithmetic3A_1016 : vector<16xi32>
      %sub3A_1018 = arith.constant 1597463007 : i32
      %sub3A_1019 = vector.broadcast %sub3A_1018 : i32 to vector<16xi32>
      %sub3A_1020 = arith.subi %sub3A_1019, %shift_right_arithmetic3A_1017 : vector<16xi32>
      %bitcast_convert_type3A_1021 = tpu.bitcast %sub3A_1020 : vector<16xi32> -> vector<16xf32>
      %mul3A_1022 = arith.constant 5.000000e-01 : f32
      %mul3A_1023 = vector.broadcast %mul3A_1022 : f32 to vector<16xf32>
      %mul3A_1024 = arith.mulf %mul3A_1023, %max3A_1013 : vector<16xf32>
      %mul3A_1025 = arith.mulf %mul3A_1024, %bitcast_convert_type3A_1021 : vector<16xf32>
      %mul3A_1026 = arith.mulf %mul3A_1025, %bitcast_convert_type3A_1021 : vector<16xf32>
      %sub3A_1027 = arith.constant 1.500000e+00 : f32
      %sub3A_1028 = vector.broadcast %sub3A_1027 : f32 to vector<16xf32>
      %sub3A_1029 = arith.subf %sub3A_1028, %mul3A_1026 : vector<16xf32>
      %mul3A_1030 = arith.mulf %bitcast_convert_type3A_1021, %sub3A_1029 : vector<16xf32>
      %mul3A_1031 = arith.constant 5.000000e-01 : f32
      %mul3A_1032 = vector.broadcast %mul3A_1031 : f32 to vector<16xf32>
      %mul3A_1033 = arith.mulf %mul3A_1032, %max3A_1013 : vector<16xf32>
      %mul3A_1034 = arith.mulf %mul3A_1033, %mul3A_1030 : vector<16xf32>
      %mul3A_1035 = arith.mulf %mul3A_1034, %mul3A_1030 : vector<16xf32>
      %sub3A_1036 = arith.constant 1.500000e+00 : f32
      %sub3A_1037 = vector.broadcast %sub3A_1036 : f32 to vector<16xf32>
      %sub3A_1038 = arith.subf %sub3A_1037, %mul3A_1035 : vector<16xf32>
      %mul3A_1039 = arith.mulf %mul3A_1030, %sub3A_1038 : vector<16xf32>
      %mul3A_1040 = arith.constant 5.000000e-01 : f32
      %mul3A_1041 = vector.broadcast %mul3A_1040 : f32 to vector<16xf32>
      %mul3A_1042 = arith.mulf %mul3A_1041, %max3A_1013 : vector<16xf32>
      %mul3A_1043 = arith.mulf %mul3A_1042, %mul3A_1039 : vector<16xf32>
      %mul3A_1044 = arith.mulf %mul3A_1043, %mul3A_1039 : vector<16xf32>
      %sub3A_1045 = arith.constant 1.500000e+00 : f32
      %sub3A_1046 = vector.broadcast %sub3A_1045 : f32 to vector<16xf32>
      %sub3A_1047 = arith.subf %sub3A_1046, %mul3A_1044 : vector<16xf32>
      %mul3A_1048 = arith.mulf %mul3A_1039, %sub3A_1047 : vector<16xf32>
      %mul3A_1049 = arith.mulf %scan3A_877#14, %mul3A_916 : vector<16xf32>
      %mul3A_1050 = arith.mulf %mul3A_1049, %mul3A_1048 : vector<16xf32>
      %sub3A_1051 = arith.constant 8.000000e-01 : f32
      %sub3A_1052 = vector.broadcast %sub3A_1051 : f32 to vector<16xf32>
      %sub3A_1053 = arith.subf %mul3A_1050, %sub3A_1052 : vector<16xf32>
      %max3A_1054 = arith.constant 0.000000e+00 : f32
      %max3A_1055 = vector.broadcast %max3A_1054 : f32 to vector<16xf32>
      %max3A_1056 = arith.maximumf %sub3A_1053, %max3A_1055 : vector<16xf32>
      %add3A_1057 = arith.addf %add3A_1010, %max3A_1056 : vector<16xf32>
      %max3A_1058 = arith.constant 1.000000e-24 : f32
      %max3A_1059 = vector.broadcast %max3A_1058 : f32 to vector<16xf32>
      %max3A_1060 = arith.maximumf %scan3A_877#5, %max3A_1059 : vector<16xf32>
      %bitcast_convert_type3A_1061 = tpu.bitcast %max3A_1060 : vector<16xf32> -> vector<16xi32>
      %shift_right_arithmetic3A_1062 = arith.constant 1 : i32
      %shift_right_arithmetic3A_1063 = vector.broadcast %shift_right_arithmetic3A_1062 : i32 to vector<16xi32>
      %shift_right_arithmetic3A_1064 = arith.shrsi %bitcast_convert_type3A_1061, %shift_right_arithmetic3A_1063 : vector<16xi32>
      %sub3A_1065 = arith.constant 1597463007 : i32
      %sub3A_1066 = vector.broadcast %sub3A_1065 : i32 to vector<16xi32>
      %sub3A_1067 = arith.subi %sub3A_1066, %shift_right_arithmetic3A_1064 : vector<16xi32>
      %bitcast_convert_type3A_1068 = tpu.bitcast %sub3A_1067 : vector<16xi32> -> vector<16xf32>
      %mul3A_1069 = arith.constant 5.000000e-01 : f32
      %mul3A_1070 = vector.broadcast %mul3A_1069 : f32 to vector<16xf32>
      %mul3A_1071 = arith.mulf %mul3A_1070, %max3A_1060 : vector<16xf32>
      %mul3A_1072 = arith.mulf %mul3A_1071, %bitcast_convert_type3A_1068 : vector<16xf32>
      %mul3A_1073 = arith.mulf %mul3A_1072, %bitcast_convert_type3A_1068 : vector<16xf32>
      %sub3A_1074 = arith.constant 1.500000e+00 : f32
      %sub3A_1075 = vector.broadcast %sub3A_1074 : f32 to vector<16xf32>
      %sub3A_1076 = arith.subf %sub3A_1075, %mul3A_1073 : vector<16xf32>
      %mul3A_1077 = arith.mulf %bitcast_convert_type3A_1068, %sub3A_1076 : vector<16xf32>
      %mul3A_1078 = arith.constant 5.000000e-01 : f32
      %mul3A_1079 = vector.broadcast %mul3A_1078 : f32 to vector<16xf32>
      %mul3A_1080 = arith.mulf %mul3A_1079, %max3A_1060 : vector<16xf32>
      %mul3A_1081 = arith.mulf %mul3A_1080, %mul3A_1077 : vector<16xf32>
      %mul3A_1082 = arith.mulf %mul3A_1081, %mul3A_1077 : vector<16xf32>
      %sub3A_1083 = arith.constant 1.500000e+00 : f32
      %sub3A_1084 = vector.broadcast %sub3A_1083 : f32 to vector<16xf32>
      %sub3A_1085 = arith.subf %sub3A_1084, %mul3A_1082 : vector<16xf32>
      %mul3A_1086 = arith.mulf %mul3A_1077, %sub3A_1085 : vector<16xf32>
      %mul3A_1087 = arith.constant 5.000000e-01 : f32
      %mul3A_1088 = vector.broadcast %mul3A_1087 : f32 to vector<16xf32>
      %mul3A_1089 = arith.mulf %mul3A_1088, %max3A_1060 : vector<16xf32>
      %mul3A_1090 = arith.mulf %mul3A_1089, %mul3A_1086 : vector<16xf32>
      %mul3A_1091 = arith.mulf %mul3A_1090, %mul3A_1086 : vector<16xf32>
      %sub3A_1092 = arith.constant 1.500000e+00 : f32
      %sub3A_1093 = vector.broadcast %sub3A_1092 : f32 to vector<16xf32>
      %sub3A_1094 = arith.subf %sub3A_1093, %mul3A_1091 : vector<16xf32>
      %mul3A_1095 = arith.mulf %mul3A_1086, %sub3A_1094 : vector<16xf32>
      %mul3A_1096 = arith.mulf %scan3A_877#15, %mul3A_916 : vector<16xf32>
      %mul3A_1097 = arith.mulf %mul3A_1096, %mul3A_1095 : vector<16xf32>
      %sub3A_1098 = arith.constant 8.000000e-01 : f32
      %sub3A_1099 = vector.broadcast %sub3A_1098 : f32 to vector<16xf32>
      %sub3A_1100 = arith.subf %mul3A_1097, %sub3A_1099 : vector<16xf32>
      %max3A_1101 = arith.constant 0.000000e+00 : f32
      %max3A_1102 = vector.broadcast %max3A_1101 : f32 to vector<16xf32>
      %max3A_1103 = arith.maximumf %sub3A_1100, %max3A_1102 : vector<16xf32>
      %add3A_1104 = arith.addf %add3A_1057, %max3A_1103 : vector<16xf32>
      %max3A_1105 = arith.constant 1.000000e-24 : f32
      %max3A_1106 = vector.broadcast %max3A_1105 : f32 to vector<16xf32>
      %max3A_1107 = arith.maximumf %scan3A_877#6, %max3A_1106 : vector<16xf32>
      %bitcast_convert_type3A_1108 = tpu.bitcast %max3A_1107 : vector<16xf32> -> vector<16xi32>
      %shift_right_arithmetic3A_1109 = arith.constant 1 : i32
      %shift_right_arithmetic3A_1110 = vector.broadcast %shift_right_arithmetic3A_1109 : i32 to vector<16xi32>
      %shift_right_arithmetic3A_1111 = arith.shrsi %bitcast_convert_type3A_1108, %shift_right_arithmetic3A_1110 : vector<16xi32>
      %sub3A_1112 = arith.constant 1597463007 : i32
      %sub3A_1113 = vector.broadcast %sub3A_1112 : i32 to vector<16xi32>
      %sub3A_1114 = arith.subi %sub3A_1113, %shift_right_arithmetic3A_1111 : vector<16xi32>
      %bitcast_convert_type3A_1115 = tpu.bitcast %sub3A_1114 : vector<16xi32> -> vector<16xf32>
      %mul3A_1116 = arith.constant 5.000000e-01 : f32
      %mul3A_1117 = vector.broadcast %mul3A_1116 : f32 to vector<16xf32>
      %mul3A_1118 = arith.mulf %mul3A_1117, %max3A_1107 : vector<16xf32>
      %mul3A_1119 = arith.mulf %mul3A_1118, %bitcast_convert_type3A_1115 : vector<16xf32>
      %mul3A_1120 = arith.mulf %mul3A_1119, %bitcast_convert_type3A_1115 : vector<16xf32>
      %sub3A_1121 = arith.constant 1.500000e+00 : f32
      %sub3A_1122 = vector.broadcast %sub3A_1121 : f32 to vector<16xf32>
      %sub3A_1123 = arith.subf %sub3A_1122, %mul3A_1120 : vector<16xf32>
      %mul3A_1124 = arith.mulf %bitcast_convert_type3A_1115, %sub3A_1123 : vector<16xf32>
      %mul3A_1125 = arith.constant 5.000000e-01 : f32
      %mul3A_1126 = vector.broadcast %mul3A_1125 : f32 to vector<16xf32>
      %mul3A_1127 = arith.mulf %mul3A_1126, %max3A_1107 : vector<16xf32>
      %mul3A_1128 = arith.mulf %mul3A_1127, %mul3A_1124 : vector<16xf32>
      %mul3A_1129 = arith.mulf %mul3A_1128, %mul3A_1124 : vector<16xf32>
      %sub3A_1130 = arith.constant 1.500000e+00 : f32
      %sub3A_1131 = vector.broadcast %sub3A_1130 : f32 to vector<16xf32>
      %sub3A_1132 = arith.subf %sub3A_1131, %mul3A_1129 : vector<16xf32>
      %mul3A_1133 = arith.mulf %mul3A_1124, %sub3A_1132 : vector<16xf32>
      %mul3A_1134 = arith.constant 5.000000e-01 : f32
      %mul3A_1135 = vector.broadcast %mul3A_1134 : f32 to vector<16xf32>
      %mul3A_1136 = arith.mulf %mul3A_1135, %max3A_1107 : vector<16xf32>
      %mul3A_1137 = arith.mulf %mul3A_1136, %mul3A_1133 : vector<16xf32>
      %mul3A_1138 = arith.mulf %mul3A_1137, %mul3A_1133 : vector<16xf32>
      %sub3A_1139 = arith.constant 1.500000e+00 : f32
      %sub3A_1140 = vector.broadcast %sub3A_1139 : f32 to vector<16xf32>
      %sub3A_1141 = arith.subf %sub3A_1140, %mul3A_1138 : vector<16xf32>
      %mul3A_1142 = arith.mulf %mul3A_1133, %sub3A_1141 : vector<16xf32>
      %mul3A_1143 = arith.mulf %scan3A_877#16, %mul3A_916 : vector<16xf32>
      %mul3A_1144 = arith.mulf %mul3A_1143, %mul3A_1142 : vector<16xf32>
      %sub3A_1145 = arith.constant 8.000000e-01 : f32
      %sub3A_1146 = vector.broadcast %sub3A_1145 : f32 to vector<16xf32>
      %sub3A_1147 = arith.subf %mul3A_1144, %sub3A_1146 : vector<16xf32>
      %max3A_1148 = arith.constant 0.000000e+00 : f32
      %max3A_1149 = vector.broadcast %max3A_1148 : f32 to vector<16xf32>
      %max3A_1150 = arith.maximumf %sub3A_1147, %max3A_1149 : vector<16xf32>
      %add3A_1151 = arith.addf %add3A_1104, %max3A_1150 : vector<16xf32>
      %max3A_1152 = arith.constant 1.000000e-24 : f32
      %max3A_1153 = vector.broadcast %max3A_1152 : f32 to vector<16xf32>
      %max3A_1154 = arith.maximumf %scan3A_877#7, %max3A_1153 : vector<16xf32>
      %bitcast_convert_type3A_1155 = tpu.bitcast %max3A_1154 : vector<16xf32> -> vector<16xi32>
      %shift_right_arithmetic3A_1156 = arith.constant 1 : i32
      %shift_right_arithmetic3A_1157 = vector.broadcast %shift_right_arithmetic3A_1156 : i32 to vector<16xi32>
      %shift_right_arithmetic3A_1158 = arith.shrsi %bitcast_convert_type3A_1155, %shift_right_arithmetic3A_1157 : vector<16xi32>
      %sub3A_1159 = arith.constant 1597463007 : i32
      %sub3A_1160 = vector.broadcast %sub3A_1159 : i32 to vector<16xi32>
      %sub3A_1161 = arith.subi %sub3A_1160, %shift_right_arithmetic3A_1158 : vector<16xi32>
      %bitcast_convert_type3A_1162 = tpu.bitcast %sub3A_1161 : vector<16xi32> -> vector<16xf32>
      %mul3A_1163 = arith.constant 5.000000e-01 : f32
      %mul3A_1164 = vector.broadcast %mul3A_1163 : f32 to vector<16xf32>
      %mul3A_1165 = arith.mulf %mul3A_1164, %max3A_1154 : vector<16xf32>
      %mul3A_1166 = arith.mulf %mul3A_1165, %bitcast_convert_type3A_1162 : vector<16xf32>
      %mul3A_1167 = arith.mulf %mul3A_1166, %bitcast_convert_type3A_1162 : vector<16xf32>
      %sub3A_1168 = arith.constant 1.500000e+00 : f32
      %sub3A_1169 = vector.broadcast %sub3A_1168 : f32 to vector<16xf32>
      %sub3A_1170 = arith.subf %sub3A_1169, %mul3A_1167 : vector<16xf32>
      %mul3A_1171 = arith.mulf %bitcast_convert_type3A_1162, %sub3A_1170 : vector<16xf32>
      %mul3A_1172 = arith.constant 5.000000e-01 : f32
      %mul3A_1173 = vector.broadcast %mul3A_1172 : f32 to vector<16xf32>
      %mul3A_1174 = arith.mulf %mul3A_1173, %max3A_1154 : vector<16xf32>
      %mul3A_1175 = arith.mulf %mul3A_1174, %mul3A_1171 : vector<16xf32>
      %mul3A_1176 = arith.mulf %mul3A_1175, %mul3A_1171 : vector<16xf32>
      %sub3A_1177 = arith.constant 1.500000e+00 : f32
      %sub3A_1178 = vector.broadcast %sub3A_1177 : f32 to vector<16xf32>
      %sub3A_1179 = arith.subf %sub3A_1178, %mul3A_1176 : vector<16xf32>
      %mul3A_1180 = arith.mulf %mul3A_1171, %sub3A_1179 : vector<16xf32>
      %mul3A_1181 = arith.constant 5.000000e-01 : f32
      %mul3A_1182 = vector.broadcast %mul3A_1181 : f32 to vector<16xf32>
      %mul3A_1183 = arith.mulf %mul3A_1182, %max3A_1154 : vector<16xf32>
      %mul3A_1184 = arith.mulf %mul3A_1183, %mul3A_1180 : vector<16xf32>
      %mul3A_1185 = arith.mulf %mul3A_1184, %mul3A_1180 : vector<16xf32>
      %sub3A_1186 = arith.constant 1.500000e+00 : f32
      %sub3A_1187 = vector.broadcast %sub3A_1186 : f32 to vector<16xf32>
      %sub3A_1188 = arith.subf %sub3A_1187, %mul3A_1185 : vector<16xf32>
      %mul3A_1189 = arith.mulf %mul3A_1180, %sub3A_1188 : vector<16xf32>
      %mul3A_1190 = arith.mulf %scan3A_877#17, %mul3A_916 : vector<16xf32>
      %mul3A_1191 = arith.mulf %mul3A_1190, %mul3A_1189 : vector<16xf32>
      %sub3A_1192 = arith.constant 8.000000e-01 : f32
      %sub3A_1193 = vector.broadcast %sub3A_1192 : f32 to vector<16xf32>
      %sub3A_1194 = arith.subf %mul3A_1191, %sub3A_1193 : vector<16xf32>
      %max3A_1195 = arith.constant 0.000000e+00 : f32
      %max3A_1196 = vector.broadcast %max3A_1195 : f32 to vector<16xf32>
      %max3A_1197 = arith.maximumf %sub3A_1194, %max3A_1196 : vector<16xf32>
      %add3A_1198 = arith.addf %add3A_1151, %max3A_1197 : vector<16xf32>
      %max3A_1199 = arith.constant 1.000000e-24 : f32
      %max3A_1200 = vector.broadcast %max3A_1199 : f32 to vector<16xf32>
      %max3A_1201 = arith.maximumf %scan3A_877#8, %max3A_1200 : vector<16xf32>
      %bitcast_convert_type3A_1202 = tpu.bitcast %max3A_1201 : vector<16xf32> -> vector<16xi32>
      %shift_right_arithmetic3A_1203 = arith.constant 1 : i32
      %shift_right_arithmetic3A_1204 = vector.broadcast %shift_right_arithmetic3A_1203 : i32 to vector<16xi32>
      %shift_right_arithmetic3A_1205 = arith.shrsi %bitcast_convert_type3A_1202, %shift_right_arithmetic3A_1204 : vector<16xi32>
      %sub3A_1206 = arith.constant 1597463007 : i32
      %sub3A_1207 = vector.broadcast %sub3A_1206 : i32 to vector<16xi32>
      %sub3A_1208 = arith.subi %sub3A_1207, %shift_right_arithmetic3A_1205 : vector<16xi32>
      %bitcast_convert_type3A_1209 = tpu.bitcast %sub3A_1208 : vector<16xi32> -> vector<16xf32>
      %mul3A_1210 = arith.constant 5.000000e-01 : f32
      %mul3A_1211 = vector.broadcast %mul3A_1210 : f32 to vector<16xf32>
      %mul3A_1212 = arith.mulf %mul3A_1211, %max3A_1201 : vector<16xf32>
      %mul3A_1213 = arith.mulf %mul3A_1212, %bitcast_convert_type3A_1209 : vector<16xf32>
      %mul3A_1214 = arith.mulf %mul3A_1213, %bitcast_convert_type3A_1209 : vector<16xf32>
      %sub3A_1215 = arith.constant 1.500000e+00 : f32
      %sub3A_1216 = vector.broadcast %sub3A_1215 : f32 to vector<16xf32>
      %sub3A_1217 = arith.subf %sub3A_1216, %mul3A_1214 : vector<16xf32>
      %mul3A_1218 = arith.mulf %bitcast_convert_type3A_1209, %sub3A_1217 : vector<16xf32>
      %mul3A_1219 = arith.constant 5.000000e-01 : f32
      %mul3A_1220 = vector.broadcast %mul3A_1219 : f32 to vector<16xf32>
      %mul3A_1221 = arith.mulf %mul3A_1220, %max3A_1201 : vector<16xf32>
      %mul3A_1222 = arith.mulf %mul3A_1221, %mul3A_1218 : vector<16xf32>
      %mul3A_1223 = arith.mulf %mul3A_1222, %mul3A_1218 : vector<16xf32>
      %sub3A_1224 = arith.constant 1.500000e+00 : f32
      %sub3A_1225 = vector.broadcast %sub3A_1224 : f32 to vector<16xf32>
      %sub3A_1226 = arith.subf %sub3A_1225, %mul3A_1223 : vector<16xf32>
      %mul3A_1227 = arith.mulf %mul3A_1218, %sub3A_1226 : vector<16xf32>
      %mul3A_1228 = arith.constant 5.000000e-01 : f32
      %mul3A_1229 = vector.broadcast %mul3A_1228 : f32 to vector<16xf32>
      %mul3A_1230 = arith.mulf %mul3A_1229, %max3A_1201 : vector<16xf32>
      %mul3A_1231 = arith.mulf %mul3A_1230, %mul3A_1227 : vector<16xf32>
      %mul3A_1232 = arith.mulf %mul3A_1231, %mul3A_1227 : vector<16xf32>
      %sub3A_1233 = arith.constant 1.500000e+00 : f32
      %sub3A_1234 = vector.broadcast %sub3A_1233 : f32 to vector<16xf32>
      %sub3A_1235 = arith.subf %sub3A_1234, %mul3A_1232 : vector<16xf32>
      %mul3A_1236 = arith.mulf %mul3A_1227, %sub3A_1235 : vector<16xf32>
      %mul3A_1237 = arith.mulf %scan3A_877#18, %mul3A_916 : vector<16xf32>
      %mul3A_1238 = arith.mulf %mul3A_1237, %mul3A_1236 : vector<16xf32>
      %sub3A_1239 = arith.constant 8.000000e-01 : f32
      %sub3A_1240 = vector.broadcast %sub3A_1239 : f32 to vector<16xf32>
      %sub3A_1241 = arith.subf %mul3A_1238, %sub3A_1240 : vector<16xf32>
      %max3A_1242 = arith.constant 0.000000e+00 : f32
      %max3A_1243 = vector.broadcast %max3A_1242 : f32 to vector<16xf32>
      %max3A_1244 = arith.maximumf %sub3A_1241, %max3A_1243 : vector<16xf32>
      %add3A_1245 = arith.addf %add3A_1198, %max3A_1244 : vector<16xf32>
      %max3A_1246 = arith.constant 1.000000e-24 : f32
      %max3A_1247 = vector.broadcast %max3A_1246 : f32 to vector<16xf32>
      %max3A_1248 = arith.maximumf %scan3A_877#9, %max3A_1247 : vector<16xf32>
      %bitcast_convert_type3A_1249 = tpu.bitcast %max3A_1248 : vector<16xf32> -> vector<16xi32>
      %shift_right_arithmetic3A_1250 = arith.constant 1 : i32
      %shift_right_arithmetic3A_1251 = vector.broadcast %shift_right_arithmetic3A_1250 : i32 to vector<16xi32>
      %shift_right_arithmetic3A_1252 = arith.shrsi %bitcast_convert_type3A_1249, %shift_right_arithmetic3A_1251 : vector<16xi32>
      %sub3A_1253 = arith.constant 1597463007 : i32
      %sub3A_1254 = vector.broadcast %sub3A_1253 : i32 to vector<16xi32>
      %sub3A_1255 = arith.subi %sub3A_1254, %shift_right_arithmetic3A_1252 : vector<16xi32>
      %bitcast_convert_type3A_1256 = tpu.bitcast %sub3A_1255 : vector<16xi32> -> vector<16xf32>
      %mul3A_1257 = arith.constant 5.000000e-01 : f32
      %mul3A_1258 = vector.broadcast %mul3A_1257 : f32 to vector<16xf32>
      %mul3A_1259 = arith.mulf %mul3A_1258, %max3A_1248 : vector<16xf32>
      %mul3A_1260 = arith.mulf %mul3A_1259, %bitcast_convert_type3A_1256 : vector<16xf32>
      %mul3A_1261 = arith.mulf %mul3A_1260, %bitcast_convert_type3A_1256 : vector<16xf32>
      %sub3A_1262 = arith.constant 1.500000e+00 : f32
      %sub3A_1263 = vector.broadcast %sub3A_1262 : f32 to vector<16xf32>
      %sub3A_1264 = arith.subf %sub3A_1263, %mul3A_1261 : vector<16xf32>
      %mul3A_1265 = arith.mulf %bitcast_convert_type3A_1256, %sub3A_1264 : vector<16xf32>
      %mul3A_1266 = arith.constant 5.000000e-01 : f32
      %mul3A_1267 = vector.broadcast %mul3A_1266 : f32 to vector<16xf32>
      %mul3A_1268 = arith.mulf %mul3A_1267, %max3A_1248 : vector<16xf32>
      %mul3A_1269 = arith.mulf %mul3A_1268, %mul3A_1265 : vector<16xf32>
      %mul3A_1270 = arith.mulf %mul3A_1269, %mul3A_1265 : vector<16xf32>
      %sub3A_1271 = arith.constant 1.500000e+00 : f32
      %sub3A_1272 = vector.broadcast %sub3A_1271 : f32 to vector<16xf32>
      %sub3A_1273 = arith.subf %sub3A_1272, %mul3A_1270 : vector<16xf32>
      %mul3A_1274 = arith.mulf %mul3A_1265, %sub3A_1273 : vector<16xf32>
      %mul3A_1275 = arith.constant 5.000000e-01 : f32
      %mul3A_1276 = vector.broadcast %mul3A_1275 : f32 to vector<16xf32>
      %mul3A_1277 = arith.mulf %mul3A_1276, %max3A_1248 : vector<16xf32>
      %mul3A_1278 = arith.mulf %mul3A_1277, %mul3A_1274 : vector<16xf32>
      %mul3A_1279 = arith.mulf %mul3A_1278, %mul3A_1274 : vector<16xf32>
      %sub3A_1280 = arith.constant 1.500000e+00 : f32
      %sub3A_1281 = vector.broadcast %sub3A_1280 : f32 to vector<16xf32>
      %sub3A_1282 = arith.subf %sub3A_1281, %mul3A_1279 : vector<16xf32>
      %mul3A_1283 = arith.mulf %mul3A_1274, %sub3A_1282 : vector<16xf32>
      %mul3A_1284 = arith.mulf %scan3A_877#19, %mul3A_916 : vector<16xf32>
      %mul3A_1285 = arith.mulf %mul3A_1284, %mul3A_1283 : vector<16xf32>
      %sub3A_1286 = arith.constant 8.000000e-01 : f32
      %sub3A_1287 = vector.broadcast %sub3A_1286 : f32 to vector<16xf32>
      %sub3A_1288 = arith.subf %mul3A_1285, %sub3A_1287 : vector<16xf32>
      %max3A_1289 = arith.constant 0.000000e+00 : f32
      %max3A_1290 = vector.broadcast %max3A_1289 : f32 to vector<16xf32>
      %max3A_1291 = arith.maximumf %sub3A_1288, %max3A_1290 : vector<16xf32>
      %add3A_1292 = arith.addf %add3A_1245, %max3A_1291 : vector<16xf32>
      %max3A_1293 = arith.constant 1.000000e-24 : f32
      %max3A_1294 = vector.broadcast %max3A_1293 : f32 to vector<16xf32>
      %max3A_1295 = arith.maximumf %scan3A_877#10, %max3A_1294 : vector<16xf32>
      %bitcast_convert_type3A_1296 = tpu.bitcast %max3A_1295 : vector<16xf32> -> vector<16xi32>
      %shift_right_arithmetic3A_1297 = arith.constant 1 : i32
      %shift_right_arithmetic3A_1298 = vector.broadcast %shift_right_arithmetic3A_1297 : i32 to vector<16xi32>
      %shift_right_arithmetic3A_1299 = arith.shrsi %bitcast_convert_type3A_1296, %shift_right_arithmetic3A_1298 : vector<16xi32>
      %sub3A_1300 = arith.constant 1597463007 : i32
      %sub3A_1301 = vector.broadcast %sub3A_1300 : i32 to vector<16xi32>
      %sub3A_1302 = arith.subi %sub3A_1301, %shift_right_arithmetic3A_1299 : vector<16xi32>
      %bitcast_convert_type3A_1303 = tpu.bitcast %sub3A_1302 : vector<16xi32> -> vector<16xf32>
      %mul3A_1304 = arith.constant 5.000000e-01 : f32
      %mul3A_1305 = vector.broadcast %mul3A_1304 : f32 to vector<16xf32>
      %mul3A_1306 = arith.mulf %mul3A_1305, %max3A_1295 : vector<16xf32>
      %mul3A_1307 = arith.mulf %mul3A_1306, %bitcast_convert_type3A_1303 : vector<16xf32>
      %mul3A_1308 = arith.mulf %mul3A_1307, %bitcast_convert_type3A_1303 : vector<16xf32>
      %sub3A_1309 = arith.constant 1.500000e+00 : f32
      %sub3A_1310 = vector.broadcast %sub3A_1309 : f32 to vector<16xf32>
      %sub3A_1311 = arith.subf %sub3A_1310, %mul3A_1308 : vector<16xf32>
      %mul3A_1312 = arith.mulf %bitcast_convert_type3A_1303, %sub3A_1311 : vector<16xf32>
      %mul3A_1313 = arith.constant 5.000000e-01 : f32
      %mul3A_1314 = vector.broadcast %mul3A_1313 : f32 to vector<16xf32>
      %mul3A_1315 = arith.mulf %mul3A_1314, %max3A_1295 : vector<16xf32>
      %mul3A_1316 = arith.mulf %mul3A_1315, %mul3A_1312 : vector<16xf32>
      %mul3A_1317 = arith.mulf %mul3A_1316, %mul3A_1312 : vector<16xf32>
      %sub3A_1318 = arith.constant 1.500000e+00 : f32
      %sub3A_1319 = vector.broadcast %sub3A_1318 : f32 to vector<16xf32>
      %sub3A_1320 = arith.subf %sub3A_1319, %mul3A_1317 : vector<16xf32>
      %mul3A_1321 = arith.mulf %mul3A_1312, %sub3A_1320 : vector<16xf32>
      %mul3A_1322 = arith.constant 5.000000e-01 : f32
      %mul3A_1323 = vector.broadcast %mul3A_1322 : f32 to vector<16xf32>
      %mul3A_1324 = arith.mulf %mul3A_1323, %max3A_1295 : vector<16xf32>
      %mul3A_1325 = arith.mulf %mul3A_1324, %mul3A_1321 : vector<16xf32>
      %mul3A_1326 = arith.mulf %mul3A_1325, %mul3A_1321 : vector<16xf32>
      %sub3A_1327 = arith.constant 1.500000e+00 : f32
      %sub3A_1328 = vector.broadcast %sub3A_1327 : f32 to vector<16xf32>
      %sub3A_1329 = arith.subf %sub3A_1328, %mul3A_1326 : vector<16xf32>
      %mul3A_1330 = arith.mulf %mul3A_1321, %sub3A_1329 : vector<16xf32>
      %mul3A_1331 = arith.mulf %scan3A_877#20, %mul3A_916 : vector<16xf32>
      %mul3A_1332 = arith.mulf %mul3A_1331, %mul3A_1330 : vector<16xf32>
      %sub3A_1333 = arith.constant 8.000000e-01 : f32
      %sub3A_1334 = vector.broadcast %sub3A_1333 : f32 to vector<16xf32>
      %sub3A_1335 = arith.subf %mul3A_1332, %sub3A_1334 : vector<16xf32>
      %max3A_1336 = arith.constant 0.000000e+00 : f32
      %max3A_1337 = vector.broadcast %max3A_1336 : f32 to vector<16xf32>
      %max3A_1338 = arith.maximumf %sub3A_1335, %max3A_1337 : vector<16xf32>
      %add3A_1339 = arith.addf %add3A_1292, %max3A_1338 : vector<16xf32>
      %max3A_1340 = arith.constant 1.000000e-24 : f32
      %max3A_1341 = vector.broadcast %max3A_1340 : f32 to vector<16xf32>
      %max3A_1342 = arith.maximumf %scan3A_877#11, %max3A_1341 : vector<16xf32>
      %bitcast_convert_type3A_1343 = tpu.bitcast %max3A_1342 : vector<16xf32> -> vector<16xi32>
      %shift_right_arithmetic3A_1344 = arith.constant 1 : i32
      %shift_right_arithmetic3A_1345 = vector.broadcast %shift_right_arithmetic3A_1344 : i32 to vector<16xi32>
      %shift_right_arithmetic3A_1346 = arith.shrsi %bitcast_convert_type3A_1343, %shift_right_arithmetic3A_1345 : vector<16xi32>
      %sub3A_1347 = arith.constant 1597463007 : i32
      %sub3A_1348 = vector.broadcast %sub3A_1347 : i32 to vector<16xi32>
      %sub3A_1349 = arith.subi %sub3A_1348, %shift_right_arithmetic3A_1346 : vector<16xi32>
      %bitcast_convert_type3A_1350 = tpu.bitcast %sub3A_1349 : vector<16xi32> -> vector<16xf32>
      %mul3A_1351 = arith.constant 5.000000e-01 : f32
      %mul3A_1352 = vector.broadcast %mul3A_1351 : f32 to vector<16xf32>
      %mul3A_1353 = arith.mulf %mul3A_1352, %max3A_1342 : vector<16xf32>
      %mul3A_1354 = arith.mulf %mul3A_1353, %bitcast_convert_type3A_1350 : vector<16xf32>
      %mul3A_1355 = arith.mulf %mul3A_1354, %bitcast_convert_type3A_1350 : vector<16xf32>
      %sub3A_1356 = arith.constant 1.500000e+00 : f32
      %sub3A_1357 = vector.broadcast %sub3A_1356 : f32 to vector<16xf32>
      %sub3A_1358 = arith.subf %sub3A_1357, %mul3A_1355 : vector<16xf32>
      %mul3A_1359 = arith.mulf %bitcast_convert_type3A_1350, %sub3A_1358 : vector<16xf32>
      %mul3A_1360 = arith.constant 5.000000e-01 : f32
      %mul3A_1361 = vector.broadcast %mul3A_1360 : f32 to vector<16xf32>
      %mul3A_1362 = arith.mulf %mul3A_1361, %max3A_1342 : vector<16xf32>
      %mul3A_1363 = arith.mulf %mul3A_1362, %mul3A_1359 : vector<16xf32>
      %mul3A_1364 = arith.mulf %mul3A_1363, %mul3A_1359 : vector<16xf32>
      %sub3A_1365 = arith.constant 1.500000e+00 : f32
      %sub3A_1366 = vector.broadcast %sub3A_1365 : f32 to vector<16xf32>
      %sub3A_1367 = arith.subf %sub3A_1366, %mul3A_1364 : vector<16xf32>
      %mul3A_1368 = arith.mulf %mul3A_1359, %sub3A_1367 : vector<16xf32>
      %mul3A_1369 = arith.constant 5.000000e-01 : f32
      %mul3A_1370 = vector.broadcast %mul3A_1369 : f32 to vector<16xf32>
      %mul3A_1371 = arith.mulf %mul3A_1370, %max3A_1342 : vector<16xf32>
      %mul3A_1372 = arith.mulf %mul3A_1371, %mul3A_1368 : vector<16xf32>
      %mul3A_1373 = arith.mulf %mul3A_1372, %mul3A_1368 : vector<16xf32>
      %sub3A_1374 = arith.constant 1.500000e+00 : f32
      %sub3A_1375 = vector.broadcast %sub3A_1374 : f32 to vector<16xf32>
      %sub3A_1376 = arith.subf %sub3A_1375, %mul3A_1373 : vector<16xf32>
      %mul3A_1377 = arith.mulf %mul3A_1368, %sub3A_1376 : vector<16xf32>
      %mul3A_1378 = arith.mulf %scan3A_877#21, %mul3A_916 : vector<16xf32>
      %mul3A_1379 = arith.mulf %mul3A_1378, %mul3A_1377 : vector<16xf32>
      %sub3A_1380 = arith.constant 8.000000e-01 : f32
      %sub3A_1381 = vector.broadcast %sub3A_1380 : f32 to vector<16xf32>
      %sub3A_1382 = arith.subf %mul3A_1379, %sub3A_1381 : vector<16xf32>
      %max3A_1383 = arith.constant 0.000000e+00 : f32
      %max3A_1384 = vector.broadcast %max3A_1383 : f32 to vector<16xf32>
      %max3A_1385 = arith.maximumf %sub3A_1382, %max3A_1384 : vector<16xf32>
      %add3A_1386 = arith.addf %add3A_1339, %max3A_1385 : vector<16xf32>
      %max3A_1387 = arith.constant 1.000000e-24 : f32
      %max3A_1388 = vector.broadcast %max3A_1387 : f32 to vector<16xf32>
      %max3A_1389 = arith.maximumf %scan3A_877#12, %max3A_1388 : vector<16xf32>
      %bitcast_convert_type3A_1390 = tpu.bitcast %max3A_1389 : vector<16xf32> -> vector<16xi32>
      %shift_right_arithmetic3A_1391 = arith.constant 1 : i32
      %shift_right_arithmetic3A_1392 = vector.broadcast %shift_right_arithmetic3A_1391 : i32 to vector<16xi32>
      %shift_right_arithmetic3A_1393 = arith.shrsi %bitcast_convert_type3A_1390, %shift_right_arithmetic3A_1392 : vector<16xi32>
      %sub3A_1394 = arith.constant 1597463007 : i32
      %sub3A_1395 = vector.broadcast %sub3A_1394 : i32 to vector<16xi32>
      %sub3A_1396 = arith.subi %sub3A_1395, %shift_right_arithmetic3A_1393 : vector<16xi32>
      %bitcast_convert_type3A_1397 = tpu.bitcast %sub3A_1396 : vector<16xi32> -> vector<16xf32>
      %mul3A_1398 = arith.constant 5.000000e-01 : f32
      %mul3A_1399 = vector.broadcast %mul3A_1398 : f32 to vector<16xf32>
      %mul3A_1400 = arith.mulf %mul3A_1399, %max3A_1389 : vector<16xf32>
      %mul3A_1401 = arith.mulf %mul3A_1400, %bitcast_convert_type3A_1397 : vector<16xf32>
      %mul3A_1402 = arith.mulf %mul3A_1401, %bitcast_convert_type3A_1397 : vector<16xf32>
      %sub3A_1403 = arith.constant 1.500000e+00 : f32
      %sub3A_1404 = vector.broadcast %sub3A_1403 : f32 to vector<16xf32>
      %sub3A_1405 = arith.subf %sub3A_1404, %mul3A_1402 : vector<16xf32>
      %mul3A_1406 = arith.mulf %bitcast_convert_type3A_1397, %sub3A_1405 : vector<16xf32>
      %mul3A_1407 = arith.constant 5.000000e-01 : f32
      %mul3A_1408 = vector.broadcast %mul3A_1407 : f32 to vector<16xf32>
      %mul3A_1409 = arith.mulf %mul3A_1408, %max3A_1389 : vector<16xf32>
      %mul3A_1410 = arith.mulf %mul3A_1409, %mul3A_1406 : vector<16xf32>
      %mul3A_1411 = arith.mulf %mul3A_1410, %mul3A_1406 : vector<16xf32>
      %sub3A_1412 = arith.constant 1.500000e+00 : f32
      %sub3A_1413 = vector.broadcast %sub3A_1412 : f32 to vector<16xf32>
      %sub3A_1414 = arith.subf %sub3A_1413, %mul3A_1411 : vector<16xf32>
      %mul3A_1415 = arith.mulf %mul3A_1406, %sub3A_1414 : vector<16xf32>
      %mul3A_1416 = arith.constant 5.000000e-01 : f32
      %mul3A_1417 = vector.broadcast %mul3A_1416 : f32 to vector<16xf32>
      %mul3A_1418 = arith.mulf %mul3A_1417, %max3A_1389 : vector<16xf32>
      %mul3A_1419 = arith.mulf %mul3A_1418, %mul3A_1415 : vector<16xf32>
      %mul3A_1420 = arith.mulf %mul3A_1419, %mul3A_1415 : vector<16xf32>
      %sub3A_1421 = arith.constant 1.500000e+00 : f32
      %sub3A_1422 = vector.broadcast %sub3A_1421 : f32 to vector<16xf32>
      %sub3A_1423 = arith.subf %sub3A_1422, %mul3A_1420 : vector<16xf32>
      %mul3A_1424 = arith.mulf %mul3A_1415, %sub3A_1423 : vector<16xf32>
      %mul3A_1425 = arith.mulf %scan3A_877#22, %mul3A_916 : vector<16xf32>
      %mul3A_1426 = arith.mulf %mul3A_1425, %mul3A_1424 : vector<16xf32>
      %sub3A_1427 = arith.constant 8.000000e-01 : f32
      %sub3A_1428 = vector.broadcast %sub3A_1427 : f32 to vector<16xf32>
      %sub3A_1429 = arith.subf %mul3A_1426, %sub3A_1428 : vector<16xf32>
      %max3A_1430 = arith.constant 0.000000e+00 : f32
      %max3A_1431 = vector.broadcast %max3A_1430 : f32 to vector<16xf32>
      %max3A_1432 = arith.maximumf %sub3A_1429, %max3A_1431 : vector<16xf32>
      %add3A_1433 = arith.addf %add3A_1386, %max3A_1432 : vector<16xf32>
      scf.yield %add3A_963, %add3A_1433 : vector<16xf32>, vector<16xf32>
    }
    %scan3A_124 = arith.constant 16 : i32
    %mul3A_125 = arith.constant 6.10351563E-5 : f32
    %mul3A_126 = vector.broadcast %mul3A_125 : f32 to vector<16xf32>
    %mul3A_127 = arith.mulf %scan3A_123#0, %mul3A_126 : vector<16xf32>
    %add3A_128 = arith.addf %mul3A_127, %scan3A_123#1 : vector<16xf32>
    %swap3A = arith.constant 0 : index
    %swap3A_129 = tpu.vector_load %arg14[%swap3A] {strides = array<i32>} : memref<16xf32, #tpu.memory_space<vmem>>, vector<16xf32>,
    tpu.vector_store %arg14[%swap3A], %add3A_128 {strides = array<i32>} : memref<16xf32, #tpu.memory_space<vmem>>, vector<16xf32>,
    "tpu.region"() ({
      %run_scoped3A = tpu.sem_alloc : memref<!tpu.dma_semaphore, #tpu.memory_space<semaphore_mem>>
      %dma_start3A_130 = arith.constant 0 : i32
      %dma_start3A_131 = tpu.memref_slice %arg7[%add3A, %dma_start3A_130] : memref<32x16xf32, #tpu.memory_space<hbm>> -> memref<1x16xf32, #tpu.memory_space<hbm>>
      %dma_start3A_132 = tpu.memref_squeeze %dma_start3A_131 : memref<1x16xf32, #tpu.memory_space<hbm>> -> memref<16xf32, #tpu.memory_space<hbm>>
      %dma_start3A_133 = arith.constant 0 : i32
      %dma_start3A_134 = tpu.memref_slice %arg7[%add3A, %dma_start3A_133] : memref<32x16xf32, #tpu.memory_space<hbm>> -> memref<1x16xf32, #tpu.memory_space<hbm>>
      %dma_start3A_135 = tpu.memref_squeeze %dma_start3A_134 : memref<1x16xf32, #tpu.memory_space<hbm>> -> memref<16xf32, #tpu.memory_space<hbm>>
      tpu.enqueue_dma source(%arg14 : memref<16xf32, #tpu.memory_space<vmem>>) target(%dma_start3A_135 : memref<16xf32, #tpu.memory_space<hbm>>) target_semaphore(%run_scoped3A : memref<!tpu.dma_semaphore, #tpu.memory_space<semaphore_mem>>)
      %dma_wait3A = arith.constant 0 : i32
      %dma_wait3A_136 = tpu.memref_slice %arg7[%add3A, %dma_wait3A] : memref<32x16xf32, #tpu.memory_space<hbm>> -> memref<1x16xf32, #tpu.memory_space<hbm>>
      %dma_wait3A_137 = tpu.memref_squeeze %dma_wait3A_136 : memref<1x16xf32, #tpu.memory_space<hbm>> -> memref<16xf32, #tpu.memory_space<hbm>>
      %dma_wait3A_138 = arith.constant 0 : i32
      %dma_wait3A_139 = tpu.memref_slice %arg7[%add3A, %dma_wait3A_138] : memref<32x16xf32, #tpu.memory_space<hbm>> -> memref<1x16xf32, #tpu.memory_space<hbm>>
      %dma_wait3A_140 = tpu.memref_squeeze %dma_wait3A_139 : memref<1x16xf32, #tpu.memory_space<hbm>> -> memref<16xf32, #tpu.memory_space<hbm>>
      tpu.wait_dma2 semaphore(%run_scoped3A : memref<!tpu.dma_semaphore, #tpu.memory_space<semaphore_mem>>) src(%arg14 : memref<16xf32, #tpu.memory_space<vmem>>) dst(%dma_wait3A_140 : memref<16xf32, #tpu.memory_space<hbm>>)
      tpu.yield
    }) : () -> ()
    return
  }
}

</mosaic_0001>

<sc_bundles>
// kernel: kernel.3.cloned.1.call-start
scs
__scs_entry_jumppad:
0x0: {  	(pc) =	sbr.rel $0x88, $3  }
0x1: {  	(tag) =	ssettag $0x0;
	lr =	simm.s32 $0x1  }
0x2: {  	[smem:$0x3F9C] =	sst lr;
	_ =	strace $0xD0000000  }
0x3: {  	_ = 	snop  }
0x4: {  	_ = 	snop  }
0x5: {  	_ = 	snop  }
0x6: {  	_ = 	snop  }
0x7: {  	_ = 	snop  }
__scs_overlays_trampoline_lowered:
0x8: {  	[smem:$0x3FAB] =	sst s0  }
0x9: {  	[smem:$0x3FAC] =	sst s1  }
0xa: {  	[smem:$0x3FAD] =	sst s2  }
0xb: {  	[smem:$0x3FAE] =	sst s3  }
0xc: {  	[smem:$0x3FAF] =	sst s4  }
0xd: {  	[smem:$0x3FB0] =	sst s5  }
0xe: {  	[smem:$0x3FB1] =	sst s6  }
0xf: {  	[smem:$0x3FB2] =	sst s7  }
0x10: {  	[smem:$0x3FB3] =	sst s8  }
0x11: {  	[smem:$0x3FB4] =	sst s9;
	s0 =	simm.s32 @!p0 $0x0  }
0x12: {  	s1 =	sld [smem:$0x3F9A];
	s0 =	simm.s32 @p0 $0x1  }
0x13: {  	[smem:$0x3FB5] =	sst s0;
	s0 =	simm.s32 @!p1 $0x0  }
0x14: {  	s2 =	sld [smem:$0x3F99];
	s0 =	simm.s32 @p1 $0x1  }
0x15: {  	[smem:$0x3FB6] =	sst s0;
	s0 =	simm.s32 @!p2 $0x0  }
0x16: {  	s3 =	sld [smem:$0x3FDB];
	s0 =	simm.s32 @p2 $0x1  }
0x17: {  	s4 =	simm.s32 $0x1BF5;
	[smem:$0x3FB8] =	sst s0  }
0x18: {  	s0 =	sld [smem:$0x3F9B];
	_ =	swait.ge [sflag:s4], $0x0  }
0x19: {  	s7 =	sld [smem:$0x3F9C]  }
0x1a: {  	s8 =	sadd.s32 $0xFFFFE003, lr  }
0x1b: {  	s9 =	sadd.s32 $0xFFFFFEF7, lr;
	s5 =	simm.s32 $0xFFFFFFFF;
	p2 =	slt.u32 s8, $0xFFFFF086  }
0x1c: {  	p1 =	slt.u32 s9, $0xF7A;
	s5 =	simm.s32 @!p2 $0x0  }
0x1d: {  	s5 =	simm.s32 @p1 $0x1;
	p0 =	seq.s32 s7, s2  }
0x1e: {  	s7 =	smul.u32 @!p0 $0xF7A, s2;
	p2 =	seq.s32 @!p0 s5, $0x0  }
0x1f: {  	s9 =	smul.u32 $0xF7A, s1;
	s8 =	simm.s32 @!p0 $0x1BF5;
	p2 =	por !p2, p0  }
0x20: {  	[sflag:s8] =	ssyncset.s32 @!p0 $0xFFFFF086;
	s6 =	sadd.s32 @!p0 s3, s7;
	s7 =	simm.s32 @!p0 $0x108  }
0x21: {  	s3 =	sadd.s32 s3, s9;
	s6 =	sadd.s32 @!p0 $0x88, s6;
	s7 =	simm.s32 @p2 $0x1082  }
0x22: {  	[simem:s7], [sflag:s8] =	dma.local @!p0 [hbm:s6], $0xF7A  }
0x23: {  	s9 =	sor.u32 $0xD0000000, s2;
	s6 =	simm.s32 $0x108;
	_ =	swait.ge @!p0 [sflag:s8], $0x0  }
0x24: {  	s3 =	sadd.s32 $0x88, s3;
	s6 =	simm.s32 @!p1 $0x1082;
	[sflag:s4] =	ssyncset.s32 $0xFFFFF086  }
0x25: {  	[simem:s6], [sflag:s4] =	dma.local [hbm:s3], $0xF7A  }
0x26: {  	[smem:$0x3F9C] =	sst s1;
	(tag) =	ssettag s2;
	_ =	strace s9  }
0x27: {  	s1 =	sld [smem:$0x3FAC]  }
0x28: {  	s2 =	sld [smem:$0x3FAD]  }
0x29: {  	s4 =	sld [smem:$0x3FAF]  }
0x2a: {  	p0 =	seq.s32 s5, $0x0;
	s5 =	sld [smem:$0x3FB0]  }
0x2b: {  	s6 =	sld [smem:$0x3FB1]  }
0x2c: {  	s7 =	sld [smem:$0x3FB2]  }
0x2d: {  	s3 =	simm.s32 $0x108;
	s8 =	sld [smem:$0x3FB3]  }
0x2e: {  	s3 =	simm.s32 @!p0 $0x1082;
	s9 =	sld [smem:$0x3FB4]  }
0x2f: {  	lr =	sadd.s32 s0, s3;
	s0 =	sld [smem:$0x3FAB]  }
0x30: {  	s3 =	sld [smem:$0x3FAE]  }
0x31: {  	[smem:$0x3FB7] =	sst s10  }
0x32: {  	s10 =	sld [smem:$0x3FB5];
	_ =	sdelay $0x3  }
0x33: {  	p0 =	seq.s32 s10, $0x1;
	s10 =	sld [smem:$0x3FB7];
	_ =	sdelay $0x3  }
0x34: {  	[smem:$0x3FB7] =	sst s10  }
0x35: {  	s10 =	sld [smem:$0x3FB6];
	_ =	sdelay $0x3  }
0x36: {  	p1 =	seq.s32 s10, $0x1;
	s10 =	sld [smem:$0x3FB7];
	_ =	sdelay $0x3  }
0x37: {  	[smem:$0x3FB7] =	sst s10  }
0x38: {  	s10 =	sld [smem:$0x3FB8]  }
0x39: {  	_ = 	snop;
	(pc) =	sbr.ind lr, $3  }
0x3a: {  	_ = 	snop  }
0x3b: {  	_ = 	snop  }
0x3c: {  	p2 =	seq.s32 s10, $0x1;
	s10 =	sld [smem:$0x3FB7]  }
0x3d: {  	_ =	shalt  }
0x3e: {  	_ =	shalt  }
0x3f: {  	_ =	shalt  }
0x40: {  	_ =	shalt  }
0x41: {  	_ =	shalt  }
0x42: {  	_ =	shalt  }
0x43: {  	_ =	shalt  }
0x44: {  	_ =	shalt  }
0x45: {  	_ =	shalt  }
0x46: {  	_ =	shalt  }
0x47: {  	_ =	shalt  }
0x48: {  	_ =	shalt  }
0x49: {  	_ =	shalt  }
0x4a: {  	_ =	shalt  }
0x4b: {  	_ =	shalt  }
0x4c: {  	_ =	shalt  }
0x4d: {  	_ =	shalt  }
0x4e: {  	_ =	shalt  }
0x4f: {  	_ =	shalt  }
0x50: {  	_ =	shalt  }
0x51: {  	_ =	shalt  }
0x52: {  	_ =	shalt  }
0x53: {  	_ =	shalt  }
0x54: {  	_ =	shalt  }
0x55: {  	_ =	shalt  }
0x56: {  	_ =	shalt  }
0x57: {  	_ =	shalt  }
0x58: {  	_ =	shalt  }
0x59: {  	_ =	shalt  }
0x5a: {  	_ =	shalt  }
0x5b: {  	_ =	shalt  }
0x5c: {  	_ =	shalt  }
0x5d: {  	_ =	shalt  }
0x5e: {  	_ =	shalt  }
0x5f: {  	_ =	shalt  }
0x60: {  	_ =	shalt  }
0x61: {  	_ =	shalt  }
0x62: {  	_ =	shalt  }
0x63: {  	_ =	shalt  }
0x64: {  	_ =	shalt  }
0x65: {  	_ =	shalt  }
0x66: {  	_ =	shalt  }
0x67: {  	_ =	shalt  }
0x68: {  	_ =	shalt  }
0x69: {  	_ =	shalt  }
0x6a: {  	_ =	shalt  }
0x6b: {  	_ =	shalt  }
0x6c: {  	_ =	shalt  }
0x6d: {  	_ =	shalt  }
0x6e: {  	_ =	shalt  }
0x6f: {  	_ =	shalt  }
0x70: {  	_ =	shalt  }
0x71: {  	_ =	shalt  }
0x72: {  	_ =	shalt  }
0x73: {  	_ =	shalt  }
0x74: {  	_ =	shalt  }
0x75: {  	_ =	shalt  }
0x76: {  	_ =	shalt  }
0x77: {  	_ =	shalt  }
0x78: {  	_ =	shalt  }
0x79: {  	_ =	shalt  }
0x7a: {  	_ =	shalt  }
0x7b: {  	_ =	shalt  }
0x7c: {  	_ =	shalt  }
0x7d: {  	_ =	shalt  }
0x7e: {  	_ =	shalt  }
0x7f: {  	_ =	shalt  }
0x80: {  	_ =	shalt  }
0x81: {  	_ =	shalt  }
0x82: {  	_ =	shalt  }
0x83: {  	_ =	shalt  }
0x84: {  	_ =	shalt  }
0x85: {  	_ =	shalt  }
0x86: {  	_ =	shalt  }
0x87: {  	_ =	shalt  }
.Lfunc_end0:
.L_simem_size_0:
called_computation_lowered:
.L_overlay_start_0:
0x88: {  	s2 =	sld [smem:$0x3FD9]  }
0x89: {  	s3 =	sld [smem:$0x3FFE];
	_ =	sdelay $0x1  }
0x8a: {  	s1 =	srdreg.scid  }
0x8b: {  	s0 =	sand.u32 $0x1, s1  }
0x8c: {  	s17 =	sshll.u32 s0, $0xA;
	s2 =	sadd.s32 s3, s2  }
0x8d: {  	s2 =	sadd.s32 s2, s17  }
0x8e: {  	[smem:$0x3FC3] =	sst s2  }
0x8f: {  	_ = 	snop  }
0x90: {  	s2 =	sld [smem:$0x3FC9]  }
0x91: {  	s18 =	sld [smem:$0x3FC8]  }
0x92: {  	s4 =	sld [smem:$0x3FC7];
	(tm) =	ssettm $0x1  }
0x93: {  	s5 =	sld [smem:$0x3FFB];
	_ =	sdelay $0x3  }
0x94: {  	_ =	strace s5  }
0x95: {  	s5 =	sld [smem:$0x3FFC];
	_ =	sdelay $0x3  }
0x96: {  	_ =	strace s5  }
0x97: {  	s5 =	sld [smem:$0x3FFD];
	_ =	sdelay $0x3  }
0x98: {  	_ =	strace s5  }
0x99: {  	_ =	strace $0x8FFFFFFF  }
0x9a: {  	s19 =	sld [smem:$0x3FDB];
	_ =	sdelay $0x1  }
0x9b: {  	s6 =	simm.s32 $_scs_section_size  }
0x9c: {  	s7 =	simm.s32 $_size__tile_overlayer_lowered;
	s8 =	simm.s32 $_tile_overlayer_lowered  }
0x9d: {  	s22 =	simm.s32 $0x1BFF;
	s21 =	sshll.u32 s8, $0x1;
	s5 =	sadd.s32 s6, s19  }
0x9e: {  	s9 =	simm.s32 $0x0;
	s20 =	sshll.u32 s7, $0x1;
	s7 =	sadd.s32 s21, s5  }
0x9f: {  	[timem:s9], [sflag:s22] =	dma.local [hbm:s7], s20  }
0xa0: {  	_ =	swait.ge [sflag:s22], s20  }
0xa1: {  	s6 =	ssub.s32 $0x0, s20;
	[sflag:s22] =	ssyncset.done $0x0  }
0xa2: {  	[sflag:s22] =	ssyncadd.s32 s6;
	_ =	sdelay $0x1  }
0xa3: {  	s23 =	simm.s32 $0x1B8B  }
0xa4: {  	_ =	swait.ge [sflag:s23], $0x1  }
0xa5: {  	[sflag:s23] =	ssyncset.done $0x0  }
0xa6: {  	s25 =	simm.s32 $0x1B8E;
	s24 =	sld [smem:$0x3FFE];
	[sflag:s23] =	ssyncadd.s32 $0xFFFFFFFF  }
0xa7: {  	s26 =	simm.s32 $execute0_lowered;
	[smem:$0x3FD2] =	sst s25  }
0xa8: {  	s7 =	sshll.u32 s26, $0x1;
	_ =	strace $0x80000046;
	[dreg:$0x1] =	wrdreg $0xFFFFFFFF  }
0xa9: {  	s28 =	simm.s32 $_size_execute0_lowered;
	s5 =	sadd.s32 s5, s7;
	[dreg:$0x0] =	wrdreg $0x0  }
0xaa: {  	s7 =	sshll.u32 s28, $0x1;
	[dreg:$0x2] =	wrdreg s5  }
0xab: {  	[dreg:$0x3] =	wrdreg s7  }
0xac: {  	[dreg:$0x4] =	wrdreg $0xC0  }
0xad: {  	_ =	task [dreg:s9], $0x5FFFF  }
0xae: {  	[dreg:$0x1] =	wrdreg $0xFFFFFFFF  }
0xaf: {  	[dreg:$0x0] =	wrdreg $0x60  }
0xb0: {  	[dreg:$0x2] =	wrdreg s2  }
0xb1: {  	[dreg:$0x3] =	wrdreg s18  }
0xb2: {  	[dreg:$0x4] =	wrdreg s4  }
0xb3: {  	[dreg:$0x5] =	wrdreg s24  }
0xb4: {  	[dreg:$0x6] =	wrdreg $0x9  }
0xb5: {  	_ =	task.clear_ibuf [dreg:s9], $0x7FFFF;
	_ =	strace $0x90000046  }
0xb6: {  	s29 =	simm.s32 $0x9;
	_ =	strace $0x80000048  }
0xb7: {  	_ =	swait.ge [sflag:s29], $0x1  }
0xb8: {  	[sflag:s29] =	ssyncadd.s32 $0xFFFFFFFF  }
0xb9: {  	_ =	strace $0x90000048  }
0xba: {  	_ =	sfence  }
0xbb: {  	s30 =	sld [smem:$0x0];
	_ =	sdelay $0x2  }
0xbc: {  	s31 =	sshll.u32 s1, $0xD;
	s1 =	sshrl.u32 s1, $0x2  }
0xbd: {  	s3 =	sand.u32 $0x4000, s31;
	s1 =	sadd.s32 s1, s30  }
0xbe: {  	s0 =	sor.u32 s3, s0;
	s1 =	sshll.u32 s1, $0x11  }
0xbf: {  	s0 =	sor.u32 s1, s0  }
0xc0: {  	s0 =	sadd.s32 $0x8F2B, s0  }
0xc1: {  	[sflag:s0] =	ssyncadd.remote.s32 $0x1  }
0xc2: {  	_ =	sfence.sel $0xFFFF  }
0xc3: {  	[dreg:$0x0] =	wrdreg $0xFFFFFFFF;
	(pc) =	sbr.abs _section_cstart, $3  }
0xc4: {  	[dreg:$0x1] =	wrdreg $0xFFFFFFFF  }
0xc5: {  	_ =	task.clear_ibuf [dreg:s9], $0x2FFFF;
	_ =	strace $0x9FFFFFFF  }
0xc6: {  	(tm) =	ssettm $0x7FFFFFFF  }
0xc7: {  	_ =	shalt  }
tec
execute0_lowered:
.L_overlay_start_1:
0x0: {  	(tag) =	ssettag $0x1  }
0x1: {  	s5 =	rddreg [dreg:$0x0]  }
0x2: {  	s6 =	rddreg [dreg:$0x1]  }
0x3: {  	s7 =	rddreg [dreg:$0x2]  }
0x4: {  	s8 =	rddreg [dreg:$0x3]  }
0x5: {  	s2 =	simm.s32 $0x0;
	s3 =	srdreg.scid;
	s0 =	stileid.u32  }
0x6: {  	s13 =	simm.s32 $0x10;
	s14 =	simm.s32 $0x1800;
	s15 =	simm.s32 $0x2000  }
0x7: {  	s16 =	simm.s32 $0x50;
	s17 =	simm.s32 $0x2800;
	s18 =	simm.s32 $0x450  }
0x8: {  	s19 =	simm.s32 $0x3C00;
	s20 =	simm.s32 $0x1C00;
	s21 =	simm.s32 $0x2400  }
0x9: {  	s22 =	simm.s32 $0x5000;
	s23 =	simm.s32 $0x6400;
	s24 =	simm.s32 $0x1  }
0xa: {  	s25 =	simm.s32 $0x2;
	s26 =	simm.s32 $0x7800;
	s28 =	simm.s32 $0x0  }
0xb: {  	[smem:$0x7FF] =	sst s2;
	s9 =	sand.u32 $0x1, s3;
	s3 =	sadd.s32 $0xF42600, s8  }
0xc: {  	v1 =	vlaneseq.u32;
	s11 =	sshll.u32 s0, $0x1;
	s4 =	sadd.s32 $0x16E3A00, s8;
	s10 =	ssub.s32 $0x2, s9  }
0xd: {  	v0 =	vmul.u32 $0x280, v1;
	_ =	strace $0x80000047;
	s9 =	sor.u32 s9, s11;
	s12 =	sshrl.u32 s10, $0x1  }
0xe: {  	v1 =	vmul.u32 $0x40, v1;
	s11 =	sshll.u32 s9, $0x6;
	s31 =	smul.u32 $0x280, s9;
	s9 =	sshll.u32 s9, $0x1  }
0xf: {  	v2 =	vor.u32 $0x40, v0;
	v3 =	vadd.s32 $0x80, v0;
	v4 =	vadd.s32 $0xC0, v0;
	s10 =	ssub.s32 s10, s12;
	s5 =	sadd.s32 s5, s11;
	s6 =	sadd.s32 s6, s11  }
0x10: {  	v5 =	vadd.s32 $0x100, v0;
	v6 =	vadd.s32 $0x140, v0;
	v7 =	vadd.s32 $0x180, v0;
	s8 =	sadd.s32 s8, s9;
	s11 =	simm.s32 $0x200;
	s12 =	simm.s32 $0x400  }
0x11: {  	v8 =	vadd.s32 $0x1C0, v0;
	v9 =	vadd.s32 $0x200, v0;
	v10 =	vadd.s32 $0x240, v0;
	s7 =	sadd.s32 s7, s31;
	s9 =	smax.u32 s10, $0x1;
	s10 =	simm.s32 $0x3  }
.LBB2_1:
0x12: {  	[tilespmem:s2], [sflag:$0x3] =	stream.linear.gather [hbm4b:s5+s2], $0x200, $0x38;
	[tilespmem:$0x7810] =	vst v63  }
0x13: {  	_ =	swait.ge [sflag:s10], $0x200  }
0x14: {  	[sflag:s10] =	ssyncset.done $0x0  }
0x15: {  	[sflag:s10] =	ssyncadd.s32 $0xFFFFFE00  }
0x16: {  	[tilespmem:s11], [sflag:$0x3] =	stream.linear.gather [hbm4b:s6+s2], $0x200, $0x38;
	[tilespmem:$0x7810] =	vst v63  }
0x17: {  	_ =	swait.ge [sflag:s10], $0x200  }
0x18: {  	[sflag:s10] =	ssyncset.done $0x0  }
0x19: {  	[sflag:s10] =	ssyncadd.s32 $0xFFFFFE00  }
0x1a: {  	[tilespmem:s12], [sflag:$0x3] =	stream.linear.gather [hbm4b:s7+s2], $0x1400, $0x38;
	[tilespmem:$0x7810] =	vst v63  }
0x1b: {  	_ =	swait.ge [sflag:s10], $0x1400  }
0x1c: {  	[sflag:s10] =	ssyncset.done $0x0  }
0x1d: {  	[sflag:s10] =	ssyncadd.s32 $0xFFFFEC00  }
0x1e: {  	[tilespmem:s14], [sflag:$0x1] =	stream.indirect.gather [hbm4b:s3+s13], $0x40, s2, s13, $0xb8;
	[tilespmem:$0x7810] =	vst v63  }
0x1f: {  	_ = 	snop  }
0x20: {  	[tilespmem:s15], [sflag:$0x1] =	stream.indirect.gather [hbm4b:s4+s13], $0x40, s11, s13, $0xb8;
	[tilespmem:$0x7810] =	vst v63  }
0x21: {  	_ = 	snop  }
0x22: {  	[tilespmem:s17], [sflag:$0x1] =	stream.indirect.gather [hbm4b:s4+s16], $0x40, s12, s16, $0xb8;
	[tilespmem:$0x7810] =	vst v63  }
0x23: {  	s29 =	simm.s32 $0x0  }
0x24: {  	v11 =	vimm.f32 $0.0e+00;
	v13 =	vimm.f32 $0.0e+00;
	v12 =	vimm.f32 $0.0e+00;
	[tilespmem:s19], [sflag:$0x1] =	stream.indirect.gather [hbm4b:s4+s16], $0x40, s18, s16, $0xb8;
	[tilespmem:$0x7810] =	vst v63  }
.LBB2_2:
0x25: {  	s30 =	sshllo.u32 s29, $0x1  }
0x26: {  	s31 =	sshll.u32 s30, $0x4;
	s30 =	smul.u32 $0x280, s30  }
0x27: {  	[tilespmem:s20], [sflag:$0x2] =	stream.indirect.gather [hbm4b:s3+s13], $0x40, s31, s13, $0xb8;
	[tilespmem:$0x7810] =	vst v63  }
0x28: {  	s31 =	sadd.s32 $0x200, s31;
	s30 =	sshra.s32 s30, $0x2  }
0x29: {  	[tilespmem:s21], [sflag:$0x2] =	stream.indirect.gather [hbm4b:s4+s13], $0x40, s31, s13, $0xb8;
	[tilespmem:$0x7810] =	vst v63  }
0x2a: {  	s31 =	sadd.s32 $0x400, s30  }
0x2b: {  	[tilespmem:s22], [sflag:$0x2] =	stream.indirect.gather [hbm4b:s4+s16], $0x40, s31, s16, $0xb8;
	[tilespmem:$0x7810] =	vst v63  }
0x2c: {  	s30 =	sadd.s32 $0x450, s30  }
0x2d: {  	[tilespmem:s23], [sflag:$0x2] =	stream.indirect.gather [hbm4b:s4+s16], $0x40, s30, s16, $0xb8;
	[tilespmem:$0x7810] =	vst v63  }
0x2e: {  	_ =	swait.ge [sflag:s24], $0x400  }
0x2f: {  	[sflag:s24] =	ssyncset.done $0x0  }
0x30: {  	s30 =	simm.s32 $0x0;
	[sflag:s24] =	ssyncadd.s32 $0xFFFFFC00  }
0x31: {  	v14 =	vmov s30;
	_ =	swait.ge [sflag:s24], $0x400  }
0x32: {  	v14 =	vand.u32 $0x3F, v14;
	[sflag:s24] =	ssyncset.done $0x0  }
0x33: {  	v14 =	vbroadcast v14, $0x0;
	[sflag:s24] =	ssyncadd.s32 $0xFFFFFC00  }
0x34: {  	_ =	swait.ge [sflag:s24], $0x1400  }
0x35: {  	v15 =	vor.u32 v1, v14;
	[sflag:s24] =	ssyncset.done $0x0  }
0x36: {  	v16 =	vor.u32 v2, v14;
	[sflag:s24] =	ssyncadd.s32 $0xFFFFEC00  }
0x37: {  	v17 =	vor.u32 v6, v14;
	_ =	swait.ge [sflag:s24], $0x1400  }
0x38: {  	v19 =	vor.u32 v0, v14;
	[sflag:s24] =	ssyncset.done $0x0  }
0x39: {  	v21 =	vor.u32 v7, v14;
	[sflag:s24] =	ssyncadd.s32 $0xFFFFEC00  }
0x3a: {  	v22 =	vor.u32 v5, v14;
	v20 =	vld.idx.msk [tilespmem:v15+s14+$0x0], $0xffff  }
0x3b: {  	v27 =	vor.u32 v8, v14;
	v16 =	vld.idx.msk [tilespmem:v16+s17+$0x0], $0xffff  }
0x3c: {  	v17 =	vld.idx.msk [tilespmem:v17+s17+$0x0], $0xffff  }
0x3d: {  	v19 =	vld.idx.msk [tilespmem:v19+s17+$0x0], $0xffff  }
0x3e: {  	v18 =	vor.u32 v9, v14;
	v21 =	vld.idx.msk [tilespmem:v21+s17+$0x0], $0xffff  }
0x3f: {  	v22 =	vld.idx.msk [tilespmem:v22+s17+$0x0], $0xffff  }
0x40: {  	v23 =	vor.u32 v10, v14;
	v24 =	vor.u32 v3, v14;
	v48 =	vld.idx.msk [tilespmem:v27+s17+$0x0], $0xffff  }
0x41: {  	v25 =	vor.u32 v4, v14;
	v15 =	vld.idx.msk [tilespmem:v15+s15+$0x0], $0xffff;
	v26 =	vmul.f32 v20, v20;
	v14 =	vmul.f32 v16, v16  }
0x42: {  	v16 =	vmul.f32 v16, v20;
	v28 =	vmul.f32 v17, v20  }
0x43: {  	v18 =	vld.idx.msk [tilespmem:v18+s17+$0x0], $0xffff;
	v29 =	vmul.f32 v19, v19;
	v35 =	vmul.f32 v21, v20  }
0x44: {  	v21 =	vmul.f32 v21, v21;
	v41 =	vmul.f32 v22, v20  }
0x45: {  	v43 =	vld.idx.msk [tilespmem:v24+s17+$0x0], $0xffff;
	v51 =	vmul.f32 v48, v20;
	v22 =	vmul.f32 v22, v22  }
0x46: {  	s30 =	simm.s32 $0x1;
	v32 =	vadd.f32 v26, v11;
	v26 =	vmul.f32 v15, v15;
	v31 =	vadd.f32 v16, v11  }
0x47: {  	v30 =	vadd.f32 v14, v11;
	v16 =	vmul.f32 v17, v17;
	v17 =	vld.idx.msk [tilespmem:v23+s17+$0x0], $0xffff;
	v23 =	vmov s30  }
0x48: {  	v39 =	vld.idx.msk [tilespmem:v25+s17+$0x0], $0xffff;
	v14 =	vmul.f32 v18, v20;
	v18 =	vmul.f32 v18, v18;
	v23 =	vand.u32 $0x3F, v23  }
0x49: {  	v15 =	vmul.f32 v15, v20;
	v38 =	vbroadcast v23, $0x0  }
0x4a: {  	v27 =	vadd.f32 v21, v11;
	v25 =	vadd.f32 v28, v11;
	v28 =	vmul.f32 v43, v20  }
0x4b: {  	v33 =	vadd.f32 v26, v11;
	v14 =	vadd.f32 v14, v11;
	v44 =	vor.u32 v1, v38  }
0x4c: {  	v26 =	vadd.f32 v18, v11;
	v23 =	vadd.f32 v16, v11;
	v18 =	vor.u32 v2, v38  }
0x4d: {  	v24 =	vadd.f32 v15, v11;
	v16 =	vmul.f32 v39, v20;
	v21 =	vor.u32 v6, v38  }
0x4e: {  	v28 =	vadd.f32 v28, v11;
	v47 =	vor.u32 v0, v38;
	v53 =	vor.u32 v3, v38  }
0x4f: {  	v40 =	vor.u32 v5, v38;
	v37 =	vor.u32 v4, v38;
	v15 =	vor.u32 v9, v38  }
0x50: {  	v34 =	vor.u32 v8, v38;
	v42 =	vor.u32 v10, v38;
	v54 =	vor.u32 v7, v38;
	v36 =	vld.idx.msk [tilespmem:v44+s14+$0x0], $0xffff  }
0x51: {  	v38 =	vadd.f32 v29, v11;
	v50 =	vmul.f32 v17, v17;
	v56 =	vmul.f32 v17, v20;
	v55 =	vld.idx.msk [tilespmem:v18+s17+$0x0], $0xffff  }
0x52: {  	v17 =	vmul.f32 v19, v20;
	v20 =	vadd.f32 v22, v11;
	v22 =	vmul.f32 v39, v39;
	v45 =	vld.idx.msk [tilespmem:v21+s17+$0x0], $0xffff  }
0x53: {  	v49 =	vmul.f32 v43, v43;
	v29 =	vadd.f32 v41, v11;
	v16 =	vadd.f32 v16, v11;
	v41 =	vld.idx.msk [tilespmem:v44+s15+$0x0], $0xffff  }
0x54: {  	v48 =	vmul.f32 v48, v48;
	v19 =	vadd.f32 v51, v11;
	v22 =	vadd.f32 v22, v11;
	v46 =	vld.idx.msk [tilespmem:v15+s17+$0x0], $0xffff  }
0x55: {  	v43 =	vimm.f32 $0.0e+00;
	v18 =	vadd.f32 v35, v11;
	v21 =	vadd.f32 v17, v11;
	v35 =	vld.idx.msk [tilespmem:v47+s17+$0x0], $0xffff  }
0x56: {  	v17 =	vadd.f32 v50, v11;
	v47 =	vld.idx.msk [tilespmem:v54+s17+$0x0], $0xffff;
	v15 =	vadd.f32 v56, v11;
	v52 =	vmul.f32 v36, v36  }
0x57: {  	s31 =	simm.s32 $0x2;
	s30 =	sshll.u32 s29, $0x1;
	v39 =	vld.idx.msk [tilespmem:v53+s17+$0x0], $0xffff;
	v44 =	vimm.f32 $0.0e+00;
	v50 =	vmul.f32 v55, v55;
	v51 =	vmul.f32 v55, v36  }
.LBB2_3:
0x58: {  	p0 =	sne.s32 s31, $0x3F;
	v32 =	vadd.f32 v52, v32;
	v52 =	vld.idx.msk [tilespmem:v40+s17+$0x0], $0xffff;
	v53 =	vmul.f32 v45, v36;
	v44 =	vadd.f32 v49, v44;
	s0 =	smov.u32 s31;
	s31 =	sadd.s32 $0x1, s31  }
0x59: {  	v40 =	vmul.f32 v41, v41;
	v43 =	vadd.f32 v48, v43;
	v31 =	vadd.f32 v51, v31;
	v49 =	vld.idx.msk [tilespmem:v42+s17+$0x0], $0xffff  }
0x5a: {  	v48 =	vmovc v36;
	v30 =	vadd.f32 v50, v30;
	v42 =	vmul.f32 v45, v45;
	v45 =	vmul.f32 v46, v36  }
0x5b: {  	v36 =	vmov s0;
	v46 =	vmul.f32 v46, v46;
	v50 =	vmul.f32 v35, v35  }
0x5c: {  	v36 =	vand.u32 $0x3F, v36;
	v33 =	vadd.f32 v40, v33;
	v51 =	vmul.f32 v47, v48  }
0x5d: {  	v54 =	vbroadcast v36, $0x0;
	v36 =	vmul.f32 v47, v47;
	v14 =	vadd.f32 v45, v14;
	v55 =	vld.idx.msk [tilespmem:v37+s17+$0x0], $0xffff  }
0x5e: {  	v41 =	vmul.f32 v41, v48;
	v26 =	vadd.f32 v46, v26;
	v45 =	vmul.f32 v52, v48;
	v47 =	vld.idx.msk [tilespmem:v34+s17+$0x0], $0xffff  }
0x5f: {  	v46 =	vor.u32 v1, v54;
	v56 =	vor.u32 v0, v54;
	v57 =	vmul.f32 v49, v49  }
0x60: {  	v58 =	vor.u32 v2, v54;
	v59 =	vor.u32 v3, v54;
	v27 =	vadd.f32 v36, v27  }
0x61: {  	v23 =	vadd.f32 v42, v23;
	v40 =	vor.u32 v5, v54;
	v60 =	vor.u32 v6, v54  }
0x62: {  	v24 =	vadd.f32 v41, v24;
	v37 =	vor.u32 v4, v54;
	v34 =	vor.u32 v8, v54  }
0x63: {  	v25 =	vadd.f32 v53, v25;
	v61 =	vor.u32 v9, v54;
	v62 =	vmul.f32 v55, v48  }
0x64: {  	v41 =	vmul.f32 v39, v48;
	v42 =	vor.u32 v10, v54;
	v53 =	vmul.f32 v47, v48;
	v36 =	vld.idx.msk [tilespmem:v46+s14+$0x0], $0xffff  }
0x65: {  	v38 =	vadd.f32 v50, v38;
	v54 =	vor.u32 v7, v54;
	v29 =	vadd.f32 v45, v29;
	v58 =	vld.idx.msk [tilespmem:v58+s17+$0x0], $0xffff  }
0x66: {  	v50 =	vmul.f32 v52, v52;
	v28 =	vadd.f32 v41, v28;
	v45 =	vld.idx.msk [tilespmem:v60+s17+$0x0], $0xffff;
	v60 =	vmul.f32 v49, v48  }
.Ltmp0:
0x67: {  	v52 =	vmul.f32 v35, v48;
	v18 =	vadd.f32 v51, v18;
	v49 =	vmul.f32 v39, v39;
	v41 =	vld.idx.msk [tilespmem:v46+s15+$0x0], $0xffff;
	(pc) =	sbr.rel @p0 .LBB2_3-.Ltmp0, $4  }
0x68: {  	v20 =	vadd.f32 v50, v20;
	v16 =	vadd.f32 v62, v16;
	v48 =	vmul.f32 v47, v47;
	v46 =	vld.idx.msk [tilespmem:v61+s17+$0x0], $0xffff  }
0x69: {  	v21 =	vadd.f32 v52, v21;
	v55 =	vmul.f32 v55, v55;
	v19 =	vadd.f32 v53, v19;
	v35 =	vld.idx.msk [tilespmem:v56+s17+$0x0], $0xffff  }
0x6a: {  	v17 =	vadd.f32 v57, v17;
	v15 =	vadd.f32 v60, v15;
	v52 =	vmul.f32 v36, v36;
	v47 =	vld.idx.msk [tilespmem:v54+s17+$0x0], $0xffff  }
0x6b: {  	v22 =	vadd.f32 v55, v22;
	v50 =	vmul.f32 v58, v58;
	v51 =	vmul.f32 v58, v36;
	v39 =	vld.idx.msk [tilespmem:v59+s17+$0x0], $0xffff  }
0x6c: {  	_ = 	snop  }
0x6d: {  	v32 =	vadd.f32 v52, v32;
	v54 =	vmul.f32 v45, v36  }
0x6e: {  	v44 =	vadd.f32 v49, v44;
	v61 =	vmul.f32 v41, v41;
	v31 =	vadd.f32 v51, v31  }
0x6f: {  	v63 =	vmul.f32 v46, v36;
	v30 =	vadd.f32 v50, v30;
	v46 =	vmul.f32 v46, v46  }
0x70: {  	v40 =	vld.idx.msk [tilespmem:v40+s17+$0x0], $0xffff;
	v32 =	vmax.f32 v32, $1.000000020e-24;
	v56 =	vmul.f32 v35, v35;
	v33 =	vadd.f32 v61, v33  }
0x71: {  	v37 =	vld.idx.msk [tilespmem:v37+s17+$0x0], $0xffff;
	v61 =	vmul.f32 v41, v36;
	v60 =	vshra.s32 v32, $0x1;
	v53 =	vmul.f32 $5.000000000e-01, v32  }
0x72: {  	v50 =	vmul.f32 v47, v36;
	v47 =	vmul.f32 v47, v47;
	v14 =	vadd.f32 v63, v14  }
0x73: {  	v26 =	vadd.f32 v46, v26;
	v30 =	vmax.f32 v30, $1.000000020e-24;
	v52 =	vsub.s32 $0x5F3759DF, v60  }
0x74: {  	v38 =	vadd.f32 v56, v38;
	v33 =	vmax.f32 v33, $1.000000020e-24;
	v41 =	vadd.f32 v61, v24  }
0x75: {  	v32 =	vmul.f32 v52, v53;
	v58 =	vshra.s32 v33, $0x1;
	v33 =	vmul.f32 $5.000000000e-01, v33  }
0x76: {  	v56 =	vmul.f32 v40, v36;
	v27 =	vadd.f32 v47, v27;
	v47 =	vmul.f32 v37, v36  }
0x77: {  	v37 =	vmul.f32 v37, v37;
	v18 =	vadd.f32 v50, v18;
	v49 =	vsub.s32 $0x5F3759DF, v58  }
0x78: {  	v38 =	vmax.f32 v38, $1.000000020e-24;
	v58 =	vmul.f32 v39, v36;
	v62 =	vmul.f32 v52, v32  }
0x79: {  	v32 =	vadd.f32 v48, v43;
	v43 =	vmul.f32 v45, v45;
	v60 =	vmul.f32 v49, v33  }
0x7a: {  	v34 =	vld.idx.msk [tilespmem:v34+s17+$0x0], $0xffff;
	v55 =	vshra.s32 v38, $0x1;
	v38 =	vmul.f32 $5.000000000e-01, v38;
	v57 =	vsub.f32 $1.500000000e+00, v62  }
0x7b: {  	v24 =	vadd.f32 v56, v29;
	v29 =	vmul.f32 v39, v39;
	v62 =	vmul.f32 v49, v60  }
0x7c: {  	v22 =	vadd.f32 v37, v22;
	v55 =	vsub.s32 $0x5F3759DF, v55;
	v48 =	vmul.f32 v52, v57  }
0x7d: {  	v27 =	vmax.f32 v27, $1.000000020e-24;
	v63 =	vmul.f32 v55, v38;
	v45 =	vsub.f32 $1.500000000e+00, v62  }
0x7e: {  	v43 =	vadd.f32 v43, v23;
	v60 =	vmul.f32 v35, v36;
	v59 =	vmul.f32 v48, v53  }
0x7f: {  	v23 =	vadd.f32 v54, v25;
	v25 =	vmul.f32 v34, v36;
	v45 =	vmul.f32 v49, v45  }
0x80: {  	v42 =	vld.idx.msk [tilespmem:v42+s17+$0x0], $0xffff;
	v28 =	vadd.f32 v58, v28;
	v34 =	vmul.f32 v34, v34;
	v51 =	vmul.f32 v59, v48  }
0x81: {  	v54 =	vshra.s32 v30, $0x1;
	v52 =	vmul.f32 v55, v63;
	v61 =	vmul.f32 v45, v33  }
0x82: {  	v30 =	vmul.f32 $5.000000000e-01, v30;
	v29 =	vadd.f32 v29, v44;
	v57 =	vsub.f32 $1.500000000e+00, v51  }
0x83: {  	v22 =	vmax.f32 v22, $1.000000020e-24;
	v59 =	vsub.f32 $1.500000000e+00, v52;
	v63 =	vmul.f32 v61, v45  }
0x84: {  	v62 =	vmul.f32 v40, v40;
	v29 =	vmax.f32 v29, $1.000000020e-24;
	v46 =	vmul.f32 v57, v48  }
0x85: {  	v51 =	vmul.f32 v42, v42;
	v49 =	vmul.f32 v55, v59;
	v39 =	vsub.f32 $1.500000000e+00, v63  }
0x86: {  	v42 =	vmul.f32 v42, v36;
	v36 =	vadd.f32 v62, v20;
	v52 =	vmul.f32 v46, v53  }
0x87: {  	v53 =	vmul.f32 v49, v38;
	v39 =	vmul.f32 v39, v45;
	v45 =	vsub.s32 $0x5F3759DF, v54  }
0x88: {  	v62 =	vshra.s32 v22, $0x1;
	v22 =	vmul.f32 $5.000000000e-01, v22;
	v55 =	vmul.f32 v45, v30  }
0x89: {  	v35 =	vadd.f32 v60, v21;
	v40 =	vmul.f32 v52, v46;
	v48 =	vmul.f32 v53, v49  }
0x8a: {  	v57 =	vshra.s32 v29, $0x1;
	v33 =	vmul.f32 v39, v33;
	v44 =	vmul.f32 v45, v55  }
0x8b: {  	v29 =	vmul.f32 $5.000000000e-01, v29;
	v40 =	vsub.f32 $1.500000000e+00, v40;
	v48 =	vsub.f32 $1.500000000e+00, v48  }
0x8c: {  	v36 =	vmax.f32 v36, $1.000000020e-24;
	v33 =	vmul.f32 v33, v39;
	v44 =	vsub.f32 $1.500000000e+00, v44  }
0x8d: {  	v20 =	vmul.f32 v40, v46;
	v56 =	vmul.f32 v48, v49;
	v46 =	vsub.s32 $0x5F3759DF, v57  }
0x8e: {  	v49 =	vshra.s32 v36, $0x1;
	v36 =	vmul.f32 $5.000000000e-01, v36;
	v60 =	vmul.f32 v45, v44  }
0x8f: {  	v63 =	vsub.s32 $0x5F3759DF, v62;
	v59 =	vmul.f32 v46, v29;
	v38 =	vmul.f32 v56, v38  }
0x90: {  	v33 =	vsub.f32 $1.500000000e+00, v33;
	v44 =	vmul.f32 v63, v22;
	v61 =	vmul.f32 v60, v30  }
0x91: {  	v19 =	vadd.f32 v25, v19;
	v58 =	vmul.f32 v38, v56;
	v38 =	vmul.f32 v46, v59  }
0x92: {  	v45 =	vsub.s32 $0x5F3759DF, v49;
	v21 =	vmul.f32 v33, v39;
	v39 =	vmul.f32 v61, v60  }
0x93: {  	v32 =	vadd.f32 v34, v32;
	v52 =	vmul.f32 v45, v36;
	v38 =	vsub.f32 $1.500000000e+00, v38  }
0x94: {  	v35 =	vmul.f32 v20, v35;
	v44 =	vmul.f32 v63, v44;
	v39 =	vsub.f32 $1.500000000e+00, v39  }
0x95: {  	v17 =	vadd.f32 v51, v17;
	v31 =	vmul.f32 v20, v31;
	v38 =	vmul.f32 v46, v38  }
0x96: {  	v55 =	vmul.f32 v45, v52;
	v53 =	vsub.f32 $1.500000000e+00, v44;
	v33 =	vmul.f32 v39, v60  }
0x97: {  	v28 =	vmul.f32 v20, v28;
	v37 =	vsub.f32 $1.500000000e+00, v58;
	v46 =	vmul.f32 v38, v29  }
0x98: {  	v57 =	vsub.f32 $1.500000000e+00, v55;
	v25 =	vmul.f32 v33, v30;
	v30 =	vmul.f32 v63, v53  }
0x99: {  	v54 =	vadd.f32 v47, v16;
	v37 =	vmul.f32 v37, v56;
	v16 =	vmul.f32 v46, v38  }
0x9a: {  	v17 =	vmax.f32 v17, $1.000000020e-24;
	v58 =	vmul.f32 v45, v57;
	v40 =	vmul.f32 v30, v22  }
0x9b: {  	v35 =	vmul.f32 v37, v35;
	v25 =	vmul.f32 v25, v33;
	v56 =	vsub.f32 $1.500000000e+00, v16  }
0x9c: {  	v49 =	vshra.s32 v17, $0x1;
	v60 =	vmul.f32 v58, v36;
	v59 =	vmul.f32 v40, v30  }
0x9d: {  	v63 =	vmax.f32 v43, $1.000000020e-24;
	v25 =	vsub.f32 $1.500000000e+00, v25;
	v37 =	vmul.f32 v56, v38  }
0x9e: {  	v35 =	vadd.f32 $-8.000000110e-01, v35;
	v62 =	vmul.f32 v60, v58;
	v61 =	vsub.f32 $1.500000000e+00, v59  }
0x9f: {  	v39 =	vshra.s32 v63, $0x1;
	v25 =	vmul.f32 v25, v33;
	v29 =	vmul.f32 v37, v29  }
0xa0: {  	v16 =	vadd.f32 v42, v15;
	v15 =	vmul.f32 v20, v41;
	v30 =	vmul.f32 v61, v30  }
0xa1: {  	v25 =	vmul.f32 v25, v31;
	v31 =	vsub.f32 $1.500000000e+00, v62;
	v29 =	vmul.f32 v29, v37  }
0xa2: {  	v34 =	vsub.s32 $0x5F3759DF, v39;
	v33 =	vmul.f32 $5.000000000e-01, v63;
	v22 =	vmul.f32 v30, v22  }
0xa3: {  	v35 =	vmax.f32 v35, $0.0e+00;
	v31 =	vmul.f32 v31, v58;
	v29 =	vsub.f32 $1.500000000e+00, v29  }
0xa4: {  	v40 =	vmul.f32 v34, v33;
	v25 =	vadd.f32 $-8.000000110e-01, v25;
	v22 =	vmul.f32 v22, v30  }
0xa5: {  	v13 =	vadd.f32 v35, v13;
	v41 =	vmul.f32 v31, v36;
	v29 =	vmul.f32 v29, v37  }
0xa6: {  	v42 =	vmul.f32 v34, v40;
	v25 =	vmax.f32 v25, $0.0e+00;
	v22 =	vsub.f32 $1.500000000e+00, v22  }
0xa7: {  	v13 =	vadd.f32 v25, v13;
	v25 =	vmul.f32 v29, v28;
	v28 =	vmul.f32 v41, v31  }
0xa8: {  	v17 =	vmul.f32 $5.000000000e-01, v17;
	v29 =	vsub.f32 $1.500000000e+00, v42;
	v22 =	vmul.f32 v22, v30  }
0xa9: {  	v30 =	vshra.s32 v27, $0x1;
	v27 =	vmul.f32 $5.000000000e-01, v27;
	v28 =	vsub.f32 $1.500000000e+00, v28  }
0xaa: {  	v24 =	vmul.f32 v20, v24;
	v29 =	vmul.f32 v34, v29;
	v30 =	vsub.s32 $0x5F3759DF, v30  }
0xab: {  	v32 =	vmax.f32 v32, $1.000000020e-24;
	v28 =	vmul.f32 v28, v31;
	v31 =	vmul.f32 v30, v27  }
0xac: {  	v44 =	vshra.s32 v32, $0x1;
	v32 =	vmul.f32 $5.000000000e-01, v32;
	v34 =	vmul.f32 v29, v33  }
0xad: {  	v23 =	vmul.f32 v23, v20;
	v36 =	vsub.s32 $0x5F3759DF, v44;
	v31 =	vmul.f32 v30, v31  }
0xae: {  	v26 =	vmax.f32 v26, $1.000000020e-24;
	v45 =	vmul.f32 v36, v32;
	v34 =	vmul.f32 v34, v29  }
0xaf: {  	v18 =	vmul.f32 v18, v20;
	v24 =	vmul.f32 v28, v24;
	v28 =	vsub.f32 $1.500000000e+00, v31  }
0xb0: {  	v43 =	vmul.f32 v20, v54;
	v46 =	vmul.f32 v36, v45;
	v31 =	vsub.f32 $1.500000000e+00, v34  }
0xb1: {  	v28 =	vmul.f32 v30, v28;
	v30 =	vshra.s32 v26, $0x1;
	v26 =	vmul.f32 $5.000000000e-01, v26  }
0xb2: {  	v29 =	vmul.f32 v31, v29;
	v31 =	vsub.f32 $1.500000000e+00, v46;
	v30 =	vsub.s32 $0x5F3759DF, v30  }
0xb3: {  	v47 =	vmul.f32 v28, v27;
	v48 =	vmul.f32 v30, v26  }
0xb4: {  	v25 =	vadd.f32 $-8.000000110e-01, v25;
	v22 =	vmul.f32 v22, v43;
	v31 =	vmul.f32 v36, v31  }
0xb5: {  	v36 =	vsub.s32 $0x5F3759DF, v49;
	v34 =	vmul.f32 v47, v28;
	v35 =	vmul.f32 v30, v48  }
0xb6: {  	v25 =	vmax.f32 v25, $0.0e+00;
	v51 =	vmul.f32 v36, v17;
	v50 =	vmul.f32 v31, v32  }
0xb7: {  	v33 =	vmul.f32 v29, v33;
	v34 =	vsub.f32 $1.500000000e+00, v34;
	v35 =	vsub.f32 $1.500000000e+00, v35  }
0xb8: {  	p0 =	seq.s32 s29, $0xF;
	v13 =	vadd.f32 v25, v13;
	v52 =	vmul.f32 v36, v51;
	v25 =	vmul.f32 v50, v31  }
0xb9: {  	s0 =	sadd.s32 @!p0 $0x2, s30;
	s31 =	simm.s32 @!p0 $0x10;
	v22 =	vadd.f32 $-8.000000110e-01, v22;
	v28 =	vmul.f32 v34, v28;
	v30 =	vmul.f32 v30, v35  }
0xba: {  	s1 =	simm.s32 @!p0 $0x1800;
	s30 =	sshll.u32 @!p0 s0, $0x4;
	s0 =	smul.u32 @!p0 $0x280, s0;
	v33 =	vmul.f32 v33, v29;
	v53 =	vsub.f32 $1.500000000e+00, v52;
	v25 =	vsub.f32 $1.500000000e+00, v25  }
0xbb: {  	[tilespmem:s1], [sflag:$0x1] =	stream.indirect.gather @!p0 [hbm4b:s3+s31], $0x40, s30, s31, $0xb8;
	v22 =	vmax.f32 v22, $0.0e+00;
	v27 =	vmul.f32 v28, v27;
	v35 =	vmul.f32 v30, v26;
	[tilespmem:$0x7810] =	vst v63  }
0xbc: {  	s1 =	sadd.s32 @!p0 $0x200, s30;
	s30 =	simm.s32 @!p0 $0x2000;
	s0 =	sshra.s32 @!p0 s0, $0x2;
	v13 =	vadd.f32 v22, v13;
	v22 =	vmul.f32 v25, v31;
	v25 =	vmul.f32 v36, v53  }
0xbd: {  	[tilespmem:s30], [sflag:$0x1] =	stream.indirect.gather @!p0 [hbm4b:s4+s31], $0x40, s1, s31, $0xb8;
	v31 =	vsub.f32 $1.500000000e+00, v33;
	v27 =	vmul.f32 v27, v28;
	v54 =	vmul.f32 v35, v30;
	[tilespmem:$0x7810] =	vst v63  }
0xbe: {  	s1 =	sadd.s32 @!p0 $0x400, s0;
	v32 =	vmul.f32 v22, v32;
	v34 =	vmul.f32 v25, v17  }
0xbf: {  	s30 =	simm.s32 @!p0 $0x50;
	s31 =	simm.s32 @!p0 $0x2800;
	v24 =	vadd.f32 $-8.000000110e-01, v24;
	v29 =	vmul.f32 v31, v29;
	v31 =	vsub.f32 $1.500000000e+00, v54  }
0xc0: {  	[tilespmem:s31], [sflag:$0x1] =	stream.indirect.gather @!p0 [hbm4b:s4+s30], $0x40, s1, s30, $0xb8;
	v27 =	vsub.f32 $1.500000000e+00, v27;
	v32 =	vmul.f32 v32, v22;
	v55 =	vmul.f32 v34, v25;
	[tilespmem:$0x7810] =	vst v63  }
0xc1: {  	s0 =	sadd.s32 @!p0 $0x450, s0;
	s1 =	simm.s32 @!p0 $0x3C00;
	v24 =	vmax.f32 v24, $0.0e+00;
	v23 =	vmul.f32 v29, v23;
	v29 =	vmul.f32 v31, v30  }
0xc2: {  	[tilespmem:s1], [sflag:$0x1] =	stream.indirect.gather @!p0 [hbm4b:s4+s30], $0x40, s0, s30, $0xb8;
	v27 =	vmul.f32 v27, v28;
	v28 =	vsub.f32 $1.500000000e+00, v32;
	v30 =	vsub.f32 $1.500000000e+00, v55;
	[tilespmem:$0x7810] =	vst v63  }
0xc3: {  	_ =	swait.ge [sflag:s25], $0x400;
	v19 =	vmul.f32 v19, v20;
	v13 =	vadd.f32 v24, v13;
	v26 =	vmul.f32 v29, v26  }
0xc4: {  	[sflag:s25] =	ssyncset.done $0x0;
	v23 =	vadd.f32 $-8.000000110e-01, v23;
	v22 =	vmul.f32 v28, v22;
	v24 =	vmul.f32 v30, v25  }
0xc5: {  	s1 =	simm.s32 $0x0;
	[sflag:s25] =	ssyncadd.s32 $0xFFFFFC00;
	v18 =	vmul.f32 v27, v18;
	v25 =	vmul.f32 v26, v29  }
0xc6: {  	_ =	swait.ge [sflag:s25], $0x400;
	v23 =	vmax.f32 v23, $0.0e+00;
	v26 =	vmov s1;
	v19 =	vmul.f32 v22, v19  }
0xc7: {  	[sflag:s25] =	ssyncset.done $0x0;
	v18 =	vadd.f32 $-8.000000110e-01, v18;
	v22 =	vsub.f32 $1.500000000e+00, v25;
	v25 =	vand.u32 $0x3F, v26  }
0xc8: {  	[sflag:s25] =	ssyncadd.s32 $0xFFFFFC00;
	v13 =	vadd.f32 v23, v13;
	v25 =	vbroadcast v25, $0x0  }
0xc9: {  	_ =	swait.ge [sflag:s25], $0x1400;
	v17 =	vmul.f32 v24, v17;
	v18 =	vmax.f32 v18, $0.0e+00;
	v19 =	vadd.f32 $-8.000000110e-01, v19  }
0xca: {  	[sflag:s25] =	ssyncset.done $0x0;
	v13 =	vadd.f32 v18, v13;
	v23 =	vor.u32 v1, v25  }
0xcb: {  	[sflag:s25] =	ssyncadd.s32 $0xFFFFEC00;
	v14 =	vmul.f32 v14, v20;
	v17 =	vmul.f32 v17, v24;
	v18 =	vmax.f32 v19, $0.0e+00  }
0xcc: {  	_ =	swait.ge [sflag:s25], $0x1400;
	v22 =	vmul.f32 v22, v29;
	v13 =	vadd.f32 v18, v13;
	v18 =	vor.u32 v0, v25  }
0xcd: {  	[sflag:s25] =	ssyncset.done $0x0;
	v17 =	vsub.f32 $1.500000000e+00, v17;
	v27 =	vor.u32 v4, v25  }
0xce: {  	[sflag:s25] =	ssyncadd.s32 $0xFFFFEC00;
	v14 =	vmul.f32 v22, v14;
	v22 =	vor.u32 v2, v25  }
0xcf: {  	v16 =	vmul.f32 v16, v20;
	v17 =	vmul.f32 v17, v24;
	v24 =	vor.u32 v3, v25;
	v19 =	vld.idx.msk [tilespmem:v23+s20+$0x0], $0xffff  }
0xd0: {  	v15 =	vmul.f32 v21, v15;
	v20 =	vor.u32 v6, v25;
	v23 =	vld.idx.msk [tilespmem:v23+s21+$0x0], $0xffff  }
0xd1: {  	v14 =	vadd.f32 $-8.000000110e-01, v14;
	v16 =	vmul.f32 v17, v16;
	v18 =	vld.idx.msk [tilespmem:v18+s22+$0x0], $0xffff  }
0xd2: {  	v15 =	vsub.f32 $1.000000000e+00, v15;
	v17 =	vor.u32 v9, v25;
	v47 =	vld.idx.msk [tilespmem:v27+s22+$0x0], $0xffff  }
0xd3: {  	v14 =	vmax.f32 v14, $0.0e+00;
	v16 =	vadd.f32 $-8.000000110e-01, v16;
	v21 =	vld.idx.msk [tilespmem:v22+s22+$0x0], $0xffff  }
0xd4: {  	v22 =	vor.u32 v7, v25;
	v13 =	vadd.f32 v14, v13;
	v14 =	vmax.f32 v15, $0.0e+00;
	v43 =	vld.idx.msk [tilespmem:v24+s22+$0x0], $0xffff  }
0xd5: {  	v20 =	vld.idx.msk [tilespmem:v20+s22+$0x0], $0xffff;
	v15 =	vmax.f32 v16, $0.0e+00;
	v16 =	vor.u32 v5, v25;
	v12 =	vadd.f32 v14, v12  }
0xd6: {  	v14 =	vimm.f32 $0.0e+00;
	v26 =	vmul.f32 v19, v19;
	v30 =	vmul.f32 v23, v23  }
0xd7: {  	v13 =	vadd.f32 v15, v13;
	v17 =	vld.idx.msk [tilespmem:v17+s22+$0x0], $0xffff;
	v35 =	vmul.f32 v18, v18;
	v59 =	vmul.f32 v47, v19  }
0xd8: {  	v15 =	vor.u32 v10, v25;
	v18 =	vmul.f32 v18, v19;
	v28 =	vmul.f32 v21, v21  }
0xd9: {  	v25 =	vor.u32 v8, v25;
	v21 =	vmul.f32 v21, v19;
	v60 =	vmul.f32 v43, v19  }
0xda: {  	s31 =	simm.s32 $0x1;
	v48 =	vmul.f32 v43, v43;
	v31 =	vadd.f32 v26, v14;
	v26 =	vmul.f32 v20, v19  }
0xdb: {  	v22 =	vld.idx.msk [tilespmem:v22+s22+$0x0], $0xffff;
	v20 =	vmul.f32 v20, v20;
	v29 =	vadd.f32 v28, v14;
	v28 =	vmov s31  }
0xdc: {  	v16 =	vld.idx.msk [tilespmem:v16+s22+$0x0], $0xffff;
	v33 =	vadd.f32 v21, v14;
	v21 =	vmul.f32 v17, v19;
	v28 =	vand.u32 $0x3F, v28  }
0xdd: {  	v34 =	vadd.f32 v30, v14;
	v17 =	vmul.f32 v17, v17;
	v56 =	vbroadcast v28, $0x0  }
0xde: {  	v43 =	vimm.f32 $0.0e+00;
	v37 =	vadd.f32 v35, v14;
	v49 =	vld.idx.msk [tilespmem:v25+s22+$0x0], $0xffff;
	v25 =	vadd.f32 v20, v14  }
0xdf: {  	v24 =	vadd.f32 v26, v14;
	v28 =	vadd.f32 v17, v14;
	v17 =	vor.u32 v1, v56  }
0xe0: {  	v15 =	vld.idx.msk [tilespmem:v15+s22+$0x0], $0xffff;
	v40 =	vmul.f32 v22, v19;
	v22 =	vmul.f32 v22, v22;
	v27 =	vor.u32 v2, v56  }
0xe1: {  	v32 =	vadd.f32 v21, v14;
	v21 =	vmul.f32 v23, v19;
	v23 =	vmul.f32 v16, v19  }
0xe2: {  	v50 =	vor.u32 v0, v56;
	v30 =	vadd.f32 v22, v14;
	v22 =	vor.u32 v6, v56  }
0xe3: {  	v58 =	vor.u32 v3, v56;
	v20 =	vadd.f32 v21, v14;
	v21 =	vor.u32 v9, v56  }
0xe4: {  	v41 =	vor.u32 v5, v56;
	v39 =	vor.u32 v4, v56;
	v36 =	vor.u32 v8, v56;
	v38 =	vld.idx.msk [tilespmem:v17+s20+$0x0], $0xffff  }
0xe5: {  	v44 =	vor.u32 v10, v56;
	v62 =	vor.u32 v7, v56;
	v57 =	vmul.f32 v15, v15;
	v63 =	vld.idx.msk [tilespmem:v27+s22+$0x0], $0xffff  }
0xe6: {  	v61 =	vmul.f32 v49, v19;
	v15 =	vmul.f32 v15, v19;
	v19 =	vadd.f32 v18, v14;
	v42 =	vld.idx.msk [tilespmem:v17+s21+$0x0], $0xffff  }
0xe7: {  	v16 =	vmul.f32 v16, v16;
	v26 =	vadd.f32 v23, v14;
	v23 =	vadd.f32 v40, v14;
	v45 =	vld.idx.msk [tilespmem:v22+s22+$0x0], $0xffff  }
0xe8: {  	v49 =	vmul.f32 v49, v49;
	v18 =	vadd.f32 v61, v14;
	v15 =	vadd.f32 v15, v14;
	v46 =	vld.idx.msk [tilespmem:v21+s22+$0x0], $0xffff  }
0xe9: {  	v27 =	vadd.f32 v60, v14;
	v17 =	vadd.f32 v59, v14;
	v35 =	vld.idx.msk [tilespmem:v50+s22+$0x0], $0xffff;
	v21 =	vmul.f32 v47, v47  }
0xea: {  	v47 =	vld.idx.msk [tilespmem:v62+s22+$0x0], $0xffff;
	v22 =	vadd.f32 v16, v14;
	v16 =	vadd.f32 v57, v14;
	v51 =	vmul.f32 v38, v38  }
0xeb: {  	s29 =	sadd.s32 $0x1, s29;
	s30 =	simm.s32 $0x2;
	v40 =	vld.idx.msk [tilespmem:v58+s22+$0x0], $0xffff;
	v21 =	vadd.f32 v21, v14;
	v50 =	vmul.f32 v63, v63;
	v52 =	vmul.f32 v63, v38  }
.LBB2_5:
0xec: {  	p0 =	sne.s32 s30, $0x3F;
	v31 =	vadd.f32 v51, v31;
	v51 =	vld.idx.msk [tilespmem:v41+s22+$0x0], $0xffff;
	v53 =	vmul.f32 v45, v38;
	v14 =	vadd.f32 v48, v14;
	s0 =	smov.u32 s30;
	s30 =	sadd.s32 $0x1, s30  }
0xed: {  	v41 =	vmul.f32 v42, v42;
	v43 =	vadd.f32 v49, v43;
	v33 =	vadd.f32 v52, v33;
	v48 =	vld.idx.msk [tilespmem:v44+s22+$0x0], $0xffff  }
0xee: {  	v49 =	vmovc v38;
	v29 =	vadd.f32 v50, v29;
	v44 =	vmul.f32 v45, v45;
	v45 =	vmul.f32 v46, v38  }
0xef: {  	v38 =	vmov s0;
	v46 =	vmul.f32 v46, v46;
	v50 =	vmul.f32 v35, v35  }
0xf0: {  	v38 =	vand.u32 $0x3F, v38;
	v34 =	vadd.f32 v41, v34;
	v52 =	vmul.f32 v47, v49  }
0xf1: {  	v54 =	vbroadcast v38, $0x0;
	v38 =	vmul.f32 v47, v47;
	v32 =	vadd.f32 v45, v32;
	v55 =	vld.idx.msk [tilespmem:v39+s22+$0x0], $0xffff  }
0xf2: {  	v42 =	vmul.f32 v42, v49;
	v28 =	vadd.f32 v46, v28;
	v45 =	vmul.f32 v51, v49;
	v47 =	vld.idx.msk [tilespmem:v36+s22+$0x0], $0xffff  }
0xf3: {  	v46 =	vor.u32 v1, v54;
	v56 =	vor.u32 v0, v54;
	v57 =	vmul.f32 v48, v48  }
0xf4: {  	v58 =	vor.u32 v2, v54;
	v59 =	vor.u32 v3, v54;
	v30 =	vadd.f32 v38, v30  }
0xf5: {  	v25 =	vadd.f32 v44, v25;
	v41 =	vor.u32 v5, v54;
	v60 =	vor.u32 v6, v54  }
0xf6: {  	v20 =	vadd.f32 v42, v20;
	v39 =	vor.u32 v4, v54;
	v36 =	vor.u32 v8, v54  }
0xf7: {  	v24 =	vadd.f32 v53, v24;
	v61 =	vor.u32 v9, v54;
	v62 =	vmul.f32 v55, v49  }
0xf8: {  	v42 =	vmul.f32 v40, v49;
	v44 =	vor.u32 v10, v54;
	v53 =	vmul.f32 v47, v49;
	v38 =	vld.idx.msk [tilespmem:v46+s20+$0x0], $0xffff  }
0xf9: {  	v37 =	vadd.f32 v50, v37;
	v54 =	vor.u32 v7, v54;
	v26 =	vadd.f32 v45, v26;
	v58 =	vld.idx.msk [tilespmem:v58+s22+$0x0], $0xffff  }
0xfa: {  	v50 =	vmul.f32 v51, v51;
	v27 =	vadd.f32 v42, v27;
	v45 =	vld.idx.msk [tilespmem:v60+s22+$0x0], $0xffff;
	v60 =	vmul.f32 v48, v49  }
.Ltmp1:
0xfb: {  	v51 =	vmul.f32 v35, v49;
	v23 =	vadd.f32 v52, v23;
	v48 =	vmul.f32 v40, v40;
	v42 =	vld.idx.msk [tilespmem:v46+s21+$0x0], $0xffff;
	(pc) =	sbr.rel @p0 .LBB2_5-.Ltmp1, $4  }
0xfc: {  	v22 =	vadd.f32 v50, v22;
	v17 =	vadd.f32 v62, v17;
	v49 =	vmul.f32 v47, v47;
	v46 =	vld.idx.msk [tilespmem:v61+s22+$0x0], $0xffff  }
0xfd: {  	v19 =	vadd.f32 v51, v19;
	v55 =	vmul.f32 v55, v55;
	v18 =	vadd.f32 v53, v18;
	v35 =	vld.idx.msk [tilespmem:v56+s22+$0x0], $0xffff  }
0xfe: {  	v16 =	vadd.f32 v57, v16;
	v15 =	vadd.f32 v60, v15;
	v51 =	vmul.f32 v38, v38;
	v47 =	vld.idx.msk [tilespmem:v54+s22+$0x0], $0xffff  }
0xff: {  	v21 =	vadd.f32 v55, v21;
	v50 =	vmul.f32 v58, v58;
	v52 =	vmul.f32 v58, v38;
	v40 =	vld.idx.msk [tilespmem:v59+s22+$0x0], $0xffff  }
0x100: {  	v51 =	vadd.f32 v51, v31;
	v53 =	vmul.f32 v45, v38;
	v48 =	vadd.f32 v48, v14  }
0x101: {  	v14 =	vmul.f32 v42, v42;
	v31 =	vadd.f32 v49, v43;
	v43 =	vmul.f32 v45, v45  }
0x102: {  	v58 =	vmul.f32 v42, v38;
	v33 =	vadd.f32 v52, v33;
	v59 =	vmul.f32 v46, v38  }
0x103: {  	v49 =	vadd.f32 v50, v29;
	v61 =	vmul.f32 v46, v46;
	v60 =	vmul.f32 v35, v35  }
0x104: {  	v41 =	vld.idx.msk [tilespmem:v41+s22+$0x0], $0xffff;
	v34 =	vadd.f32 v14, v34;
	v14 =	vmax.f32 v51, $1.000000020e-24;
	v25 =	vadd.f32 v43, v25  }
0x105: {  	v44 =	vld.idx.msk [tilespmem:v44+s22+$0x0], $0xffff;
	v42 =	vadd.f32 v58, v20;
	v20 =	vadd.f32 v53, v24;
	v35 =	vmul.f32 v35, v38  }
0x106: {  	v36 =	vld.idx.msk [tilespmem:v36+s22+$0x0], $0xffff;
	v50 =	vmul.f32 v47, v38;
	v62 =	vmul.f32 v47, v47;
	v51 =	vshra.s32 v14, $0x1  }
0x107: {  	v52 =	vmul.f32 $5.000000000e-01, v14;
	v14 =	vadd.f32 v59, v32;
	v28 =	vadd.f32 v61, v28  }
0x108: {  	v49 =	vmax.f32 v49, $1.000000020e-24;
	v63 =	vsub.s32 $0x5F3759DF, v51;
	v34 =	vmax.f32 v34, $1.000000020e-24  }
0x109: {  	v37 =	vadd.f32 v60, v37;
	v19 =	vadd.f32 v35, v19;
	v56 =	vmul.f32 v63, v52  }
0x10a: {  	v57 =	vshra.s32 v34, $0x1;
	v34 =	vmul.f32 $5.000000000e-01, v34;
	v54 =	vmul.f32 v41, v38  }
0x10b: {  	v39 =	vld.idx.msk [tilespmem:v39+s22+$0x0], $0xffff;
	v29 =	vadd.f32 v62, v30;
	v30 =	vmul.f32 v44, v44;
	v47 =	vmul.f32 v36, v38  }
0x10c: {  	v41 =	vmul.f32 v41, v41;
	v44 =	vmul.f32 v44, v38;
	v23 =	vadd.f32 v50, v23  }
0x10d: {  	v36 =	vmul.f32 v36, v36;
	v59 =	vsub.s32 $0x5F3759DF, v57;
	v57 =	vmul.f32 v40, v40  }
0x10e: {  	v37 =	vmax.f32 v37, $1.000000020e-24;
	v45 =	vmul.f32 v63, v56;
	v51 =	vmul.f32 v59, v34  }
0x10f: {  	v61 =	vshra.s32 v37, $0x1;
	v37 =	vmul.f32 $5.000000000e-01, v37;
	v24 =	vadd.f32 v54, v26  }
0x110: {  	v26 =	vmul.f32 v39, v38;
	v22 =	vadd.f32 v41, v22;
	v39 =	vmul.f32 v39, v39  }
0x111: {  	v16 =	vadd.f32 v30, v16;
	v43 =	vsub.s32 $0x5F3759DF, v61;
	v45 =	vsub.f32 $1.500000000e+00, v45  }
0x112: {  	v15 =	vadd.f32 v44, v15;
	v60 =	vmul.f32 v59, v51;
	v55 =	vmul.f32 v43, v37  }
0x113: {  	v39 =	vadd.f32 v39, v21;
	v22 =	vmax.f32 v22, $1.000000020e-24;
	v32 =	vmul.f32 v63, v45  }
0x114: {  	v16 =	vmax.f32 v16, $1.000000020e-24;
	v62 =	vsub.f32 $1.500000000e+00, v60;
	v51 =	vmul.f32 v43, v55  }
0x115: {  	v44 =	vshra.s32 v16, $0x1;
	v16 =	vmul.f32 $5.000000000e-01, v16;
	v56 =	vmul.f32 v32, v52  }
0x116: {  	v63 =	vmul.f32 v40, v38;
	v45 =	vmul.f32 v59, v62;
	v51 =	vsub.f32 $1.500000000e+00, v51  }
0x117: {  	v60 =	vshra.s32 v49, $0x1;
	v49 =	vmul.f32 $5.000000000e-01, v49;
	v46 =	vmul.f32 v56, v32  }
0x118: {  	v38 =	vadd.f32 v57, v48;
	v59 =	vmul.f32 v45, v34;
	v43 =	vmul.f32 v43, v51  }
0x119: {  	v39 =	vmax.f32 v39, $1.000000020e-24;
	v40 =	vsub.s32 $0x5F3759DF, v60;
	v58 =	vsub.f32 $1.500000000e+00, v46  }
0x11a: {  	v38 =	vmax.f32 v38, $1.000000020e-24;
	v46 =	vmul.f32 v59, v45;
	v51 =	vmul.f32 v43, v37  }
0x11b: {  	v62 =	vmul.f32 v40, v49;
	v55 =	vshra.s32 v38, $0x1;
	v32 =	vmul.f32 v58, v32  }
0x11c: {  	v38 =	vmul.f32 $5.000000000e-01, v38;
	v46 =	vsub.f32 $1.500000000e+00, v46;
	v51 =	vmul.f32 v51, v43  }
0x11d: {  	v27 =	vadd.f32 v63, v27;
	v61 =	vmul.f32 v32, v52;
	v52 =	vmul.f32 v40, v62  }
0x11e: {  	v45 =	vmul.f32 v46, v45;
	v53 =	vsub.f32 $1.500000000e+00, v51;
	v46 =	vsub.s32 $0x5F3759DF, v55  }
0x11f: {  	v51 =	vmul.f32 $5.000000000e-01, v22;
	v56 =	vmul.f32 v46, v38;
	v54 =	vsub.f32 $1.500000000e+00, v52  }
0x120: {  	v62 =	vshra.s32 v22, $0x1;
	v63 =	vmul.f32 v61, v32;
	v34 =	vmul.f32 v45, v34  }
0x121: {  	v50 =	vsub.s32 $0x5F3759DF, v62;
	v43 =	vmul.f32 v53, v43;
	v40 =	vmul.f32 v40, v54  }
0x122: {  	v60 =	vmul.f32 v46, v56;
	v41 =	vsub.f32 $1.500000000e+00, v63;
	v34 =	vmul.f32 v34, v45  }
0x123: {  	v61 =	vshra.s32 v39, $0x1;
	v37 =	vmul.f32 v43, v37;
	v48 =	vmul.f32 v40, v49  }
0x124: {  	v39 =	vmul.f32 $5.000000000e-01, v39;
	v21 =	vmul.f32 v41, v32;
	v57 =	vsub.f32 $1.500000000e+00, v34  }
0x125: {  	v58 =	vmul.f32 v37, v43;
	v41 =	vsub.f32 $1.500000000e+00, v60;
	v59 =	vmul.f32 v48, v40  }
0x126: {  	v22 =	vmul.f32 v57, v45;
	v57 =	vmul.f32 v50, v51  }
0x127: {  	v26 =	vadd.f32 v26, v17;
	v41 =	vmul.f32 v46, v41;
	v19 =	vmul.f32 v21, v19  }
0x128: {  	v28 =	vmax.f32 v28, $1.000000020e-24;
	v17 =	vmul.f32 v21, v42;
	v33 =	vmul.f32 v21, v33  }
0x129: {  	v18 =	vadd.f32 v47, v18;
	v27 =	vmul.f32 v21, v27;
	v26 =	vmul.f32 v21, v26  }
0x12a: {  	v24 =	vmul.f32 v21, v24;
	v42 =	vshra.s32 v28, $0x1;
	v28 =	vmul.f32 $5.000000000e-01, v28  }
0x12b: {  	v48 =	vsub.s32 $0x5F3759DF, v61;
	v20 =	vmul.f32 v20, v21;
	v23 =	vmul.f32 v23, v21  }
0x12c: {  	v34 =	vsub.f32 $1.500000000e+00, v58;
	v18 =	vmul.f32 v18, v21;
	v14 =	vmul.f32 v14, v21  }
0x12d: {  	v63 =	vmul.f32 v48, v39;
	v56 =	vsub.f32 $1.500000000e+00, v59;
	v59 =	vmul.f32 v50, v57  }
0x12e: {  	v34 =	vmul.f32 v34, v43;
	v60 =	vmul.f32 v41, v38  }
0x12f: {  	v58 =	vmul.f32 v48, v63;
	v32 =	vmul.f32 v56, v40;
	v35 =	vsub.f32 $1.500000000e+00, v59  }
0x130: {  	v25 =	vmax.f32 v25, $1.000000020e-24;
	v37 =	vmul.f32 v60, v41;
	v19 =	vmul.f32 v34, v19  }
0x131: {  	v61 =	vsub.f32 $1.500000000e+00, v58;
	v62 =	vmul.f32 v32, v49;
	v35 =	vmul.f32 v50, v35  }
0x132: {  	v37 =	vsub.f32 $1.500000000e+00, v37;
	v50 =	vshra.s32 v25, $0x1;
	v25 =	vmul.f32 $5.000000000e-01, v25  }
0x133: {  	v29 =	vmax.f32 v29, $1.000000020e-24;
	v40 =	vmul.f32 v48, v61;
	v46 =	vmul.f32 v35, v51  }
0x134: {  	v61 =	vshra.s32 v29, $0x1;
	v29 =	vmul.f32 $5.000000000e-01, v29;
	v47 =	vmul.f32 v37, v41  }
0x135: {  	v31 =	vadd.f32 v36, v31;
	v43 =	vmul.f32 v62, v32;
	v49 =	vmul.f32 v46, v35  }
0x136: {  	v52 =	vsub.s32 $0x5F3759DF, v50;
	v63 =	vmul.f32 v40, v39;
	v38 =	vmul.f32 v47, v38  }
0x137: {  	v53 =	vmul.f32 v52, v25;
	v45 =	vsub.f32 $1.500000000e+00, v43;
	v34 =	vsub.f32 $1.500000000e+00, v49  }
0x138: {  	v48 =	vmul.f32 v63, v40;
	v38 =	vmul.f32 v38, v47  }
0x139: {  	v31 =	vmax.f32 v31, $1.000000020e-24;
	v32 =	vmul.f32 v45, v32;
	v34 =	vmul.f32 v34, v35  }
0x13a: {  	v37 =	vsub.f32 $1.500000000e+00, v48;
	v38 =	vsub.f32 $1.500000000e+00, v38;
	v35 =	vmul.f32 v52, v53  }
0x13b: {  	v19 =	vadd.f32 $-8.000000110e-01, v19;
	v56 =	vmul.f32 v32, v33;
	v54 =	vmul.f32 v34, v51  }
0x13c: {  	v37 =	vmul.f32 v37, v40;
	v40 =	vshra.s32 v31, $0x1;
	v30 =	vmul.f32 v38, v47  }
0x13d: {  	v31 =	vmul.f32 $5.000000000e-01, v31;
	v35 =	vsub.f32 $1.500000000e+00, v35;
	v36 =	vmul.f32 v54, v34  }
0x13e: {  	v19 =	vmax.f32 v19, $0.0e+00;
	v39 =	vmul.f32 v37, v39;
	v27 =	vmul.f32 v30, v27  }
0x13f: {  	v59 =	vmul.f32 v52, v35;
	v35 =	vsub.s32 $0x5F3759DF, v40;
	v58 =	vsub.f32 $1.500000000e+00, v36  }
0x140: {  	v63 =	vsub.s32 $0x5F3759DF, v61;
	v55 =	vmul.f32 v39, v37;
	v41 =	vmul.f32 v35, v31  }
0x141: {  	v13 =	vadd.f32 v19, v13;
	v39 =	vmul.f32 v63, v29;
	v30 =	vmul.f32 v58, v34  }
0x142: {  	v60 =	vmul.f32 v59, v25;
	v57 =	vsub.f32 $1.500000000e+00, v55;
	v36 =	vmul.f32 v35, v41  }
0x143: {  	v43 =	vsub.s32 $0x5F3759DF, v42;
	v24 =	vmul.f32 v30, v24;
	v30 =	vmul.f32 v63, v39  }
0x144: {  	v19 =	vadd.f32 $-8.000000110e-01, v56;
	v32 =	vmul.f32 v57, v37;
	v37 =	vmul.f32 v43, v28  }
0x145: {  	v62 =	vmul.f32 v60, v59;
	v34 =	vsub.s32 $0x5F3759DF, v44;
	v30 =	vsub.f32 $1.500000000e+00, v30  }
0x146: {  	v36 =	vsub.f32 $1.500000000e+00, v36;
	v46 =	vmul.f32 v34, v16;
	v37 =	vmul.f32 v43, v37  }
0x147: {  	v26 =	vmul.f32 v32, v26;
	v32 =	vsub.f32 $1.500000000e+00, v62;
	v30 =	vmul.f32 v63, v30  }
0x148: {  	v35 =	vmul.f32 v35, v36;
	v49 =	vmul.f32 v34, v46;
	v47 =	vsub.f32 $1.500000000e+00, v37  }
0x149: {  	v19 =	vmax.f32 v19, $0.0e+00;
	v32 =	vmul.f32 v32, v59;
	v45 =	vmul.f32 v30, v29  }
0x14a: {  	v50 =	vmul.f32 v35, v31;
	v51 =	vsub.f32 $1.500000000e+00, v49;
	v33 =	vmul.f32 v43, v47  }
0x14b: {  	v13 =	vadd.f32 v19, v13;
	v25 =	vmul.f32 v32, v25;
	v48 =	vmul.f32 v45, v30  }
0x14c: {  	v27 =	vadd.f32 $-8.000000110e-01, v27;
	v54 =	vmul.f32 v34, v51;
	v53 =	vmul.f32 v33, v28  }
0x14d: {  	v52 =	vmul.f32 v50, v35;
	v25 =	vmul.f32 v25, v32;
	v19 =	vsub.f32 $1.500000000e+00, v48  }
0x14e: {  	v36 =	vmul.f32 v54, v16;
	v56 =	vmul.f32 v53, v33  }
0x14f: {  	v27 =	vmax.f32 v27, $0.0e+00;
	v55 =	vsub.f32 $1.500000000e+00, v52;
	v19 =	vmul.f32 v19, v30  }
0x150: {  	v25 =	vsub.f32 $1.500000000e+00, v25;
	v58 =	vmul.f32 v36, v54;
	v57 =	vsub.f32 $1.500000000e+00, v56  }
0x151: {  	v26 =	vadd.f32 $-8.000000110e-01, v26;
	v30 =	vmul.f32 v55, v35;
	v29 =	vmul.f32 v19, v29  }
0x152: {  	v25 =	vmul.f32 v25, v32;
	v59 =	vsub.f32 $1.500000000e+00, v58;
	v32 =	vmul.f32 v57, v33  }
0x153: {  	v13 =	vadd.f32 v27, v13;
	v31 =	vmul.f32 v30, v31;
	v29 =	vmul.f32 v29, v19  }
0x154: {  	v24 =	vadd.f32 $-8.000000110e-01, v24;
	v26 =	vmax.f32 v26, $0.0e+00;
	v27 =	vmul.f32 v59, v54  }
0x155: {  	v28 =	vmul.f32 v32, v28;
	v60 =	vmul.f32 v31, v30;
	v29 =	vsub.f32 $1.500000000e+00, v29  }
0x156: {  	v13 =	vadd.f32 v26, v13;
	v20 =	vmul.f32 v25, v20;
	v16 =	vmul.f32 v27, v16  }
0x157: {  	v28 =	vmul.f32 v28, v32;
	v26 =	vsub.f32 $1.500000000e+00, v60;
	v19 =	vmul.f32 v29, v19  }
0x158: {  	v24 =	vmax.f32 v24, $0.0e+00;
	v20 =	vadd.f32 $-8.000000110e-01, v20;
	v16 =	vmul.f32 v16, v27  }
0x159: {  	v62 =	vsub.f32 $1.500000000e+00, v28;
	v61 =	vmul.f32 v26, v30;
	v19 =	vmul.f32 v19, v23  }
0x15a: {  	v13 =	vadd.f32 v24, v13;
	v20 =	vmax.f32 v20, $0.0e+00;
	v16 =	vsub.f32 $1.500000000e+00, v16  }
0x15b: {  	v24 =	vmul.f32 v62, v32;
	v18 =	vmul.f32 v61, v18;
	v19 =	vadd.f32 $-8.000000110e-01, v19  }
0x15c: {  	v15 =	vmul.f32 v15, v21;
	v13 =	vadd.f32 v20, v13;
	v16 =	vmul.f32 v16, v27  }
0x15d: {  	v14 =	vmul.f32 v24, v14;
	v18 =	vadd.f32 $-8.000000110e-01, v18;
	v19 =	vmax.f32 v19, $0.0e+00  }
0x15e: {  	v17 =	vmul.f32 v22, v17;
	v13 =	vadd.f32 v19, v13  }
0x15f: {  	p0 =	sne.s32 s29, $0x10;
	v15 =	vmul.f32 v16, v15;
	v14 =	vadd.f32 $-8.000000110e-01, v14;
	v18 =	vmax.f32 v18, $0.0e+00  }
.Ltmp2:
0x160: {  	v13 =	vadd.f32 v18, v13;
	(pc) =	sbr.rel @p0 .LBB2_2-.Ltmp2, $4  }
0x161: {  	v63 =	vsub.f32 $1.000000000e+00, v17;
	v15 =	vadd.f32 $-8.000000110e-01, v15;
	v14 =	vmax.f32 v14, $0.0e+00  }
0x162: {  	v13 =	vadd.f32 v14, v13  }
0x163: {  	v15 =	vmax.f32 v15, $0.0e+00;
	v14 =	vmax.f32 v63, $0.0e+00  }
0x164: {  	v12 =	vadd.f32 v14, v12;
	v13 =	vadd.f32 v15, v13  }
0x165: {  	_ = 	snop  }
0x166: {  	v11 =	vmul.f32 $6.103515630e-05, v12;
	_ =	sdelay $0x1  }
0x167: {  	s28 =	sadd.s32 $0x1, s28;
	v11 =	vadd.f32 v13, v11  }
0x168: {  	p0 =	sne.s32 s28, s9  }
.Ltmp3:
0x169: {  	[tilespmem:$0x7800] =	vst v11;
	(pc) =	sbr.rel @p0 .LBB2_1-.Ltmp3, $4  }
0x16a: {  	[hbm4b:s8+s2] =	stream.linear.scatter [tilespmem:s26], [sflag:$0x3], $0x10, $0x38;
	[tilespmem:$0x7810] =	vst v63  }
0x16b: {  	_ =	swait.ge [sflag:s10], $0x10  }
0x16c: {  	[sflag:s10] =	ssyncset.done $0x0  }
0x16d: {  	[sflag:s10] =	ssyncadd.s32 $0xFFFFFFF0  }
0x16e: {  	_ =	sfence.sel $0x180000  }
0x16f: {  	[bflag:$0x0] =	sbarrier.arrive $0xFFFF  }
0x170: {  	_ =	strace $0x90000047  }
0x171: {  	s0 =	stileid.u32;
	[bflag:$0x2] =	sbarrier.arrive $0xFFFF  }
0x172: {  	p0 =	sne.s32 s0, $0x0;
	s0 =	rddreg [dreg:$0x4]  }
0x173: {  	s0 =	sadd.s32 @!p0 $0x100000, s0  }
0x174: {  	[sflag:s0] =	ssyncadd.tile.s32 @!p0 $0x1;
	_ =	shalt  }
.Lfunc_end2:
_tile_overlayer_lowered:
.L_overlay_start_2:
0x175: {  	(tag) =	ssettag $0x2  }
0x176: {  	s0 =	rddreg [dreg:$0x0];
	s2 =	stileid.u32  }
0x177: {  	s1 =	rddreg [dreg:$0x1];
	p0 =	sne.s32 s2, $0x0  }
0x178: {  	s3 =	rddreg [dreg:$0x2];
	[bflag:$0x3] =	sbarrier.arrive $0xFFFF;
	s2 =	simm.s32 @!p0 $0x1C03  }
0x179: {  	[timem:s3], [sflag:s2] =	dma.local @!p0 [hbm:s0], s1  }
0x17a: {  	s0 =	simm.s32 @!p0 $0x3  }
0x17b: {  	_ =	swait.ge @!p0 [sflag:s0], s1  }
0x17c: {  	s1 =	ssub.s32 @!p0 $0x0, s1;
	[sflag:s0] =	ssyncset.done @!p0 $0x0  }
0x17d: {  	[sflag:s0] =	ssyncadd.s32 @!p0 s1  }
0x17e: {  	[bflag:$0x3] =	sbarrier.arrive $0xFFFF  }
0x17f: {  	_ =	shalt  }

</sc_bundles>
